<compile_context>
chip_gen: v7x
topology: tpu7x:2x2x1
jax: 0.10.2.dev20260603
libtpu: 0.0.44.dev20260713+nightly
codegen_flags: <defaults>
</compile_context>

<pallas_src>
import functools
import numpy as np
import jax
import jax.numpy as jnp
from jax import lax
from jax.experimental import pallas as pl
from jax.experimental.pallas import tpu as pltpu
from jax.experimental.pallas import tpu_sc as plsc

NUM_CLASSES = 80
IMG_SIZE = 416
_ANCHORS = np.array([[10., 13.], [16., 30.], [33., 23.], [30., 61.],
                     [62., 45.], [59., 119.], [116., 90.], [156., 198.],
                     [373., 326.]], dtype=np.float32)
_MASKS = [[6, 7, 8], [3, 4, 5], [0, 1, 2]]
_STRIDES = [8, 16, 32]
FS = [IMG_SIZE // s for s in _STRIDES]
B, T = 16, 32
M = B * T
NCH = 5 + NUM_CLASSES
CH3 = 3 * NCH
AWH = []
for i in range(3):
    a = _ANCHORS[_MASKS[i]] / float(_STRIDES[i])
    AWH.append(([float(x) for x in a[:, 0]], [float(x) for x in a[:, 1]]))

_E1 = np.float32(1.0) - np.float32(1e-7)
EPS_TERM = float(-np.log(_E1))

_f32 = jnp.float32
_i32 = jnp.int32



def _sc_assign_gather(tflat):
    mesh = plsc.VectorSubcoreMesh(core_axis_name="c", subcore_axis_name="s")

    def body(t_hbm, meta_hbm, traw, cellv, pairv, metav):
        cid = lax.axis_index("c")
        sid = lax.axis_index("s")
        wid = sid * 2 + cid

        iota = lax.iota(_i32, 16)

        def do_unit(scale, b):
            fs = FS[scale]
            aw, ah = AWH[scale]

            pltpu.sync_copy(t_hbm.at[pl.ds(b * (T * 5), T * 5)], traw)

            cells, pairs, gxs, gys, aas = [], [], [], [], []
            for v in range(2):
                sl = pl.ds(16 * v, 16)
                fidx = (iota + 16 * v) * 5
                tx = plsc.load_gather(traw, [fidx])
                ty = plsc.load_gather(traw, [fidx + 1])
                tw = plsc.load_gather(traw, [fidx + 2])
                th = plsc.load_gather(traw, [fidx + 3])
                tc = plsc.load_gather(traw, [fidx + 4])
                box0 = tx * float(fs)
                box1 = ty * float(fs)
                box2 = tw * float(fs)
                box3 = th * float(fs)
                ci = tc.astype(_i32)
                best = None
                aidx = None
                for k in range(3):
                    inter = jnp.minimum(box2, aw[k]) * jnp.minimum(box3, ah[k])
                    union = box2 * box3 + aw[k] * ah[k] - inter
                    iou = inter / (union + 1e-6)
                    if k == 0:
                        best = iou
                        aidx = jnp.zeros((16,), _i32)
                    else:
                        upd = iou > best
                        best = jnp.where(upd, iou, best)
                        aidx = jnp.where(upd, k, aidx)
                gxi = jnp.minimum(box0.astype(_i32), fs - 1)
                gyi = jnp.minimum(box1.astype(_i32), fs - 1)
                cell = ((b * fs + gyi) * fs + gxi) * 3 + aidx
                pair = cell * NUM_CLASSES + ci
                cellv[sl] = cell
                pairv[sl] = pair
                cells.append(cell)
                pairs.append(pair)
                gxs.append(gxi)
                gys.append(gyi)
                aas.append(aidx)
                awa = jnp.where(aidx == 0, aw[0],
                                jnp.where(aidx == 1, aw[1], aw[2]))
                aha = jnp.where(aidx == 0, ah[0],
                                jnp.where(aidx == 1, ah[1], ah[2]))
                metav[pl.ds(2 * 32 + 16 * v, 16)] = awa
                metav[pl.ds(3 * 32 + 16 * v, 16)] = aha
                metav[pl.ds(4 * 32 + 16 * v, 16)] = gxi.astype(_f32)
                metav[pl.ds(5 * 32 + 16 * v, 16)] = gyi.astype(_f32)
                metav[pl.ds(6 * 32 + 16 * v, 16)] = aidx.astype(_f32)
                metav[pl.ds(7 * 32 + 16 * v, 16)] = (
                    gyi * fs + gxi).astype(_f32)

            tvec0 = iota
            tvec1 = iota + 16
            zero16 = jnp.zeros((16,), _i32)

            def shift_body(s, carry):
                h0, h1, q0, q1 = carry
                t2a = jnp.minimum(tvec0 + s, 31)
                va = (tvec0 + s) <= 31
                t2b = jnp.minimum(tvec1 + s, 31)
                vb = (tvec1 + s) <= 31
                c2a = plsc.load_gather(cellv, [t2a])
                c2b = plsc.load_gather(cellv, [t2b])
                p2a = plsc.load_gather(pairv, [t2a])
                p2b = plsc.load_gather(pairv, [t2b])
                h0 = h0 | jnp.where((c2a == cells[0]) & va, 1, zero16)
                h1 = h1 | jnp.where((c2b == cells[1]) & vb, 1, zero16)
                q0 = q0 | jnp.where((p2a == pairs[0]) & va, 1, zero16)
                q1 = q1 | jnp.where((p2b == pairs[1]) & vb, 1, zero16)
                return (h0, h1, q0, q1)

            h0, h1, q0, q1 = lax.fori_loop(
                1, 32, shift_body, (zero16, zero16, zero16, zero16))
            metav[pl.ds(0, 16)] = jnp.where(h0 == 0, 1.0, 0.0).astype(_f32)
            metav[pl.ds(16, 16)] = jnp.where(h1 == 0, 1.0, 0.0).astype(_f32)
            metav[pl.ds(32, 16)] = jnp.where(q0 == 0, 1.0, 0.0).astype(_f32)
            metav[pl.ds(48, 16)] = jnp.where(q1 == 0, 1.0, 0.0).astype(_f32)

            pltpu.sync_copy(metav, meta_hbm.at[scale, b])

        @pl.when(wid < 16)
        def _():
            do_unit(0, wid)
            do_unit(2, wid)

        @pl.when(wid >= 16)
        def _():
            do_unit(1, wid - 16)

    fn = pl.kernel(
        body,
        out_type=jax.ShapeDtypeStruct((3, B, 256), _f32),
        mesh=mesh,
        compiler_params=pltpu.CompilerParams(needs_layout_passes=False),
        scratch_types=[
            pltpu.VMEM((T * 5,), _f32),
            pltpu.VMEM((32,), _i32),
            pltpu.VMEM((32,), _i32),
            pltpu.VMEM((256,), _f32),
        ],
    )
    return fn(tflat)



def _tc_fused(p0, p1, p2, meta, targets):
    def body(p0_ref, p1_ref, p2_ref, ms_ref, meta_ref, tg_ref, out_ref,
             acc_ref, rows_ref):
        i = pl.program_id(0)

        @pl.when(i == 0)
        def _():
            for s in range(3):
                acc_ref[s] = 0.0

        clip = lambda p: jnp.clip(p, 1e-7, 1.0 - 1e-7)
        sig = jax.nn.sigmoid

        rowc = lax.broadcasted_iota(_i32, (CH3, 3), 0)
        colj = lax.broadcasted_iota(_i32, (CH3, 3), 1)
        sel = (rowc == colj * NCH + 4).astype(_f32)
        mb = ms_ref[...]
        for s, pref in enumerate((p0_ref, p1_ref, p2_ref)):
            fs = FS[s]
            x2 = pref[...].reshape(fs * fs, CH3)
            y = lax.dot_general(sel, x2, (((0,), (1,)), ((), ())),
                                preferred_element_type=_f32)
            p = sig(y)
            g = -jnp.log(1.0 - clip(p))
            acc_ref[s] = acc_ref[s] + jnp.sum(g)
            ri = mb[s, 0, 7, :].astype(_i32)
            oh = (lax.broadcasted_iota(_i32, (T, fs * fs), 1)
                  == ri[:, None]).astype(_f32)
            rblk = lax.dot_general(oh, x2, (((1,), (0,)), ((), ())),
                                   preferred_element_type=_f32)
            rows_ref[s, pl.ds(i, 1)] = rblk[None]

        @pl.when(i == B - 1)
        def _():
            tg = tg_ref[...]
            total = jnp.float32(0.0)
            for s in range(3):
                fs = FS[s]
                n = float(B * fs * fs * 3)
                rfull = rows_ref[s]
                m = meta_ref[s]
                win = m[:, 0, :]
                pairw = m[:, 1, :]
                awa = m[:, 2, :]
                aha = m[:, 3, :]
                gxf = m[:, 4, :]
                gyf = m[:, 5, :]
                af = m[:, 6, :]
                a3 = af[:, :, None]
                r = jnp.where(a3 == 0.0, rfull[:, :, 0:NCH],
                              jnp.where(a3 == 1.0, rfull[:, :, NCH:2 * NCH],
                                        rfull[:, :, 2 * NCH:3 * NCH]))
                box0 = tg[:, :, 0] * fs
                box1 = tg[:, :, 1] * fs
                box2 = tg[:, :, 2] * fs
                box3 = tg[:, :, 3] * fs
                ci = tg[:, :, 4].astype(_i32)

                dcx = sig(r[:, :, 0]) + gxf - (box0 - gxf)
                dcy = sig(r[:, :, 1]) + gyf - (box1 - gyf)
                dw = jnp.exp(r[:, :, 2]) * awa - jnp.log(box2 / awa + 1e-6)
                dh = jnp.exp(r[:, :, 3]) * aha - jnp.log(box3 / aha + 1e-6)
                coord = 5.0 * jnp.sum(
                    (dcx * dcx + dcy * dcy + dw * dw + dh * dh) * win) / n

                pc = sig(r[:, :, 4])
                P = jnp.sum(win)
                obj = (jnp.sum(-jnp.log(clip(pc)) * win)
                       + (n - P) * EPS_TERM) / n
                noobj = 0.5 * (acc_ref[s]
                               - jnp.sum(-jnp.log(1.0 - clip(pc)) * win)
                               + P * EPS_TERM) / n

                spc = sig(r[:, :, 5:])
                cellsum = jnp.sum(-jnp.log(1.0 - clip(spc)), axis=2)
                clsidx = lax.broadcasted_iota(_i32, (B, T, NUM_CLASSES), 2)
                oh = clsidx == ci[:, :, None]
                pv = jnp.sum(jnp.where(oh, spc, 0.0), axis=2)
                h = -jnp.log(clip(pv)) + jnp.log(1.0 - clip(pv))
                cls = (jnp.sum(cellsum * win) + jnp.sum(h * pairw)
                       + (n - P) * NUM_CLASSES * EPS_TERM) / (n * NUM_CLASSES)

                total = total + coord + obj + noobj + cls
            out_ref[:, :] = (total / 3.0).reshape(1, 1)

    z4 = lambda i: (i, 0, 0, 0)
    park3 = lambda i: (0, 0, 0)
    return pl.pallas_call(
        body,
        grid=(B,),
        in_specs=[
            pl.BlockSpec((1, FS[0], FS[0], CH3), z4),
            pl.BlockSpec((1, FS[1], FS[1], CH3), z4),
            pl.BlockSpec((1, FS[2], FS[2], CH3), z4),
            pl.BlockSpec((3, 1, 8, T), lambda i: (0, i, 0, 0)),
            pl.BlockSpec((3, B, 8, T), lambda i: (0, 0, 0, 0)),
            pl.BlockSpec((B, T, 5), park3),
        ],
        out_specs=pl.BlockSpec((1, 1), lambda i: (0, 0)),
        out_shape=jax.ShapeDtypeStruct((1, 1), _f32),
        scratch_shapes=[pltpu.SMEM((3,), _f32),
                        pltpu.VMEM((3, B, T, CH3), _f32)],
    )(p0, p1, p2, meta, meta, targets)


def kernel(pred_s0, pred_s1, pred_s2, targets):
    tflat = targets.reshape(M * 5)
    meta = _sc_assign_gather(tflat)
    meta = meta.reshape(3, B, 8, T)
    out = _tc_fused(pred_s0, pred_s1, pred_s2, meta, targets)
    return out[0, 0]

# --- scband reference (transcript-rebuilt; emitter-appended) ---
"""Pipeline reference for scband-yolov3-loss-63780264346014 (READ-ONLY COPY).

The authoritative reference and input builder live on the scoring server;
editing this copy changes nothing except your own understanding.
"""

import jax, jax.numpy as jnp
import numpy as np
from jax import lax

NUM_CLASSES = 80
IMG_SIZE = 416
ANCHORS = np.array([[10., 13.], [16., 30.], [33., 23.], [30., 61.], [62., 45.], [59., 119.], [116., 90.], [156., 198.], [373., 326.]], dtype=np.float32)
ANCHOR_MASKS = [[6, 7, 8], [3, 4, 5], [0, 1, 2]]
STRIDES = [IMG_SIZE // 52, IMG_SIZE // 26, IMG_SIZE // 13]


def setup_inputs(seed: int = 0) -> dict:
    key = jax.random.key(seed)
    ks = jax.random.split(key, 6)
    B, T = 16, 32
    out = {}
    for i, stride in enumerate(STRIDES):
        fs = IMG_SIZE // stride
        out[f"pred_s{i}"] = jax.random.normal(ks[i], (B, fs, fs, 3 * (5 + NUM_CLASSES)), dtype=jnp.float32) * 0.1
    cxy = jax.random.uniform(ks[3], (B, T, 2), minval=0.05, maxval=0.95, dtype=jnp.float32)
    wh = jax.random.uniform(ks[4], (B, T, 2), minval=0.05, maxval=0.5, dtype=jnp.float32)
    cls = jax.random.randint(ks[5], (B, T, 1), 0, NUM_CLASSES).astype(jnp.float32)
    out["targets"] = jnp.concatenate([cxy, wh, cls], axis=-1)
    return out


def _build_targets(targets_np, fs, anchors_s):
    B, T, _ = targets_np.shape
    obj = jnp.zeros((B, fs, fs, 3), jnp.float32)
    noobj = jnp.ones((B, fs, fs, 3), jnp.float32)
    tcx = jnp.zeros((B, fs, fs, 3), jnp.float32)
    tcy = jnp.zeros_like(tcx)
    tw = jnp.zeros_like(tcx)
    th = jnp.zeros_like(tcx)
    tconf = jnp.zeros_like(tcx)
    tcls = jnp.zeros((B, fs, fs, 3, NUM_CLASSES), jnp.float32)
    aw = jnp.asarray(anchors_s[:, 0])
    ah = jnp.asarray(anchors_s[:, 1])

    def body(idx, state):
        obj, noobj, tcx, tcy, tw, th, tconf, tcls = state
        b = idx // T
        t = idx % T
        box = targets_np[b, t, :4] * fs
        c = targets_np[b, t, 4].astype(jnp.int32)
        inter = jnp.minimum(box[2], aw) * jnp.minimum(box[3], ah)
        union = box[2] * box[3] + aw * ah - inter
        a = jnp.argmax(inter / (union + 1e-6))
        gx = jnp.minimum(box[0].astype(jnp.int32), fs - 1)
        gy = jnp.minimum(box[1].astype(jnp.int32), fs - 1)
        obj = obj.at[b, gy, gx, a].set(1.0)
        noobj = noobj.at[b, gy, gx, a].set(0.0)
        tcx = tcx.at[b, gy, gx, a].set(box[0] - gx)
        tcy = tcy.at[b, gy, gx, a].set(box[1] - gy)
        tw = tw.at[b, gy, gx, a].set(jnp.log(box[2] / aw[a] + 1e-6))
        th = th.at[b, gy, gx, a].set(jnp.log(box[3] / ah[a] + 1e-6))
        tconf = tconf.at[b, gy, gx, a].set(1.0)
        tcls = tcls.at[b, gy, gx, a, c].set(1.0)
        return (obj, noobj, tcx, tcy, tw, th, tconf, tcls)

    state = (obj, noobj, tcx, tcy, tw, th, tconf, tcls)
    state = lax.fori_loop(0, B * T, body, state)
    return state


def _bce(p, t):
    p = jnp.clip(p, 1e-7, 1.0 - 1e-7)
    return jnp.mean(-(t * jnp.log(p) + (1.0 - t) * jnp.log(1.0 - p)))


def _scale_loss(pred, tgt, fs, anchors_s):
    B = pred.shape[0]
    p = pred.reshape(B, fs, fs, 3, 5 + NUM_CLASSES)
    gx = jnp.tile(jnp.arange(fs, dtype=jnp.float32), (fs, 1))
    gy = gx.T
    pcx = jax.nn.sigmoid(p[..., 0]) + gx[None, :, :, None]
    pcy = jax.nn.sigmoid(p[..., 1]) + gy[None, :, :, None]
    pw = jnp.exp(p[..., 2]) * jnp.asarray(anchors_s[:, 0])
    ph = jnp.exp(p[..., 3]) * jnp.asarray(anchors_s[:, 1])
    pconf = jax.nn.sigmoid(p[..., 4])
    pcls = jax.nn.sigmoid(p[..., 5:])
    obj, noobj, tcx, tcy, tw, th, tconf, tcls = tgt
    mse = lambda a, b: jnp.mean((a - b) ** 2)
    loss_coord = (mse(pcx * obj, tcx * obj) + mse(pcy * obj, tcy * obj) + mse(pw * obj, tw * obj) + mse(ph * obj, th * obj)) * 5.0
    loss_conf = _bce(pconf * obj, tconf * obj) * 1.0 + _bce(pconf * noobj, tconf * noobj) * 0.5
    objc = obj[..., None]
    loss_cls = _bce(pcls * objc, tcls * objc) * 1.0
    return loss_coord + loss_conf + loss_cls


def reference(pred_s0, pred_s1, pred_s2, targets):
    preds = [pred_s0, pred_s1, pred_s2]
    total = 0.0
    for i, stride in enumerate(STRIDES):
        fs = IMG_SIZE // stride
        anchors_s = ANCHORS[ANCHOR_MASKS[i]] / float(stride)
        tgt = _build_targets(targets, fs, anchors_s)
        total = total + _scale_loss(preds[i], tgt, fs, anchors_s)
    return total / 3.0

if __name__ == "__main__":
    import jax
    _d = setup_inputs()
    print(jax.jit(kernel)(*tuple(_d.values())))

</pallas_src>

<mosaic_0001>
#map = affine_map<(d0, d1) -> (0)>
#map1 = affine_map<(d0, d1) -> (0, 0, 0)>
module attributes {stable_mosaic.version = 14 : i64} {
  func.func @body(%arg0: i32, %arg1: i32, %arg2: memref<2560xf32, #tpu.memory_space<hbm>>, %arg3: memref<3x16x256xf32, #tpu.memory_space<hbm>>, %arg4: memref<160xf32, #tpu.memory_space<vmem>>, %arg5: memref<32xi32, #tpu.memory_space<vmem>>, %arg6: memref<32xi32, #tpu.memory_space<vmem>>, %arg7: memref<256xf32, #tpu.memory_space<vmem>>) attributes {dimension_semantics = [#tpu.dimension_semantics<core_parallel>, #tpu.dimension_semantics<subcore_parallel>], iteration_bounds = array<i64: 2, 16>, scalar_prefetch = 0 : i64, scratch_operands = 4 : i64, tpu.core_type = #tpu.core_type<sc_vector_subcore>, window_params = [{transform_indices = #map}, {transform_indices = #map1}]} {
    %mul3A = arith.constant 2 : i32
    %mul3A_0 = arith.muli %arg1, %mul3A : i32
    %add3A = arith.addi %mul3A_0, %arg0 : i32
    %iota3A = tpu.iota {dimensions = array<i32: 0>} : vector<16xi32>
    %lt3A = arith.constant 16 : i32
    %lt3A_1 = arith.cmpi slt, %add3A, %lt3A : i32
    %convert_element_type3A = arith.extui %lt3A_1 : i1 to i32
    %cond3A = arith.constant 0 : i32
    %cond3A_2 = arith.cmpi ne, %convert_element_type3A, %cond3A : i32
    scf.if %cond3A_2 {
      %mul3A_7 = arith.constant 160 : i32
      %mul3A_8 = arith.muli %add3A, %mul3A_7 : i32
      "tpu.region"() ({
        %run_scoped3A_791 = tpu.sem_alloc : memref<!tpu.dma_semaphore, #tpu.memory_space<semaphore_mem>>
        %dma_start3A = tpu.memref_slice %arg2[%mul3A_8] : memref<2560xf32, #tpu.memory_space<hbm>> -> memref<160xf32, #tpu.memory_space<hbm>>
        %dma_start3A_792 = tpu.memref_slice %arg2[%mul3A_8] : memref<2560xf32, #tpu.memory_space<hbm>> -> memref<160xf32, #tpu.memory_space<hbm>>
        tpu.enqueue_dma source(%dma_start3A_792 : memref<160xf32, #tpu.memory_space<hbm>>) target(%arg4 : memref<160xf32, #tpu.memory_space<vmem>>) target_semaphore(%run_scoped3A_791 : memref<!tpu.dma_semaphore, #tpu.memory_space<semaphore_mem>>)
        %dma_wait3A = tpu.memref_slice %arg2[%mul3A_8] : memref<2560xf32, #tpu.memory_space<hbm>> -> memref<160xf32, #tpu.memory_space<hbm>>
        %dma_wait3A_793 = tpu.memref_slice %arg2[%mul3A_8] : memref<2560xf32, #tpu.memory_space<hbm>> -> memref<160xf32, #tpu.memory_space<hbm>>
        tpu.wait_dma2 semaphore(%run_scoped3A_791 : memref<!tpu.dma_semaphore, #tpu.memory_space<semaphore_mem>>) src(%dma_wait3A_793 : memref<160xf32, #tpu.memory_space<hbm>>) dst(%arg4 : memref<160xf32, #tpu.memory_space<vmem>>)
        tpu.yield
      }) : () -> ()
      %add3A_9 = arith.constant 0 : i32
      %add3A_10 = vector.broadcast %add3A_9 : i32 to vector<16xi32>
      %add3A_11 = arith.addi %iota3A, %add3A_10 : vector<16xi32>
      %mul3A_12 = arith.constant 5 : i32
      %mul3A_13 = vector.broadcast %mul3A_12 : i32 to vector<16xi32>
      %mul3A_14 = arith.muli %add3A_11, %mul3A_13 : vector<16xi32>
      %gather3A = tpu.vector_load_idx %arg4[%mul3A_14] : memref<160xf32, #tpu.memory_space<vmem>>[vector<16xi32>], vector<16xf32>,
      %add3A_15 = arith.constant 1 : i32
      %add3A_16 = vector.broadcast %add3A_15 : i32 to vector<16xi32>
      %add3A_17 = arith.addi %mul3A_14, %add3A_16 : vector<16xi32>
      %gather3A_18 = tpu.vector_load_idx %arg4[%add3A_17] : memref<160xf32, #tpu.memory_space<vmem>>[vector<16xi32>], vector<16xf32>,
      %add3A_19 = arith.constant 2 : i32
      %add3A_20 = vector.broadcast %add3A_19 : i32 to vector<16xi32>
      %add3A_21 = arith.addi %mul3A_14, %add3A_20 : vector<16xi32>
      %gather3A_22 = tpu.vector_load_idx %arg4[%add3A_21] : memref<160xf32, #tpu.memory_space<vmem>>[vector<16xi32>], vector<16xf32>,
      %add3A_23 = arith.constant 3 : i32
      %add3A_24 = vector.broadcast %add3A_23 : i32 to vector<16xi32>
      %add3A_25 = arith.addi %mul3A_14, %add3A_24 : vector<16xi32>
      %gather3A_26 = tpu.vector_load_idx %arg4[%add3A_25] : memref<160xf32, #tpu.memory_space<vmem>>[vector<16xi32>], vector<16xf32>,
      %add3A_27 = arith.constant 4 : i32
      %add3A_28 = vector.broadcast %add3A_27 : i32 to vector<16xi32>
      %add3A_29 = arith.addi %mul3A_14, %add3A_28 : vector<16xi32>
      %gather3A_30 = tpu.vector_load_idx %arg4[%add3A_29] : memref<160xf32, #tpu.memory_space<vmem>>[vector<16xi32>], vector<16xf32>,
      %mul3A_31 = arith.constant 5.200000e+01 : f32
      %mul3A_32 = vector.broadcast %mul3A_31 : f32 to vector<16xf32>
      %mul3A_33 = arith.mulf %gather3A, %mul3A_32 : vector<16xf32>
      %mul3A_34 = arith.constant 5.200000e+01 : f32
      %mul3A_35 = vector.broadcast %mul3A_34 : f32 to vector<16xf32>
      %mul3A_36 = arith.mulf %gather3A_18, %mul3A_35 : vector<16xf32>
      %mul3A_37 = arith.constant 5.200000e+01 : f32
      %mul3A_38 = vector.broadcast %mul3A_37 : f32 to vector<16xf32>
      %mul3A_39 = arith.mulf %gather3A_22, %mul3A_38 : vector<16xf32>
      %mul3A_40 = arith.constant 5.200000e+01 : f32
      %mul3A_41 = vector.broadcast %mul3A_40 : f32 to vector<16xf32>
      %mul3A_42 = arith.mulf %gather3A_26, %mul3A_41 : vector<16xf32>
      %convert_element_type3A_43 = arith.fptosi %gather3A_30 : vector<16xf32> to vector<16xi32>
      %min3A = arith.constant 1.450000e+01 : f32
      %min3A_44 = vector.broadcast %min3A : f32 to vector<16xf32>
      %min3A_45 = arith.minimumf %mul3A_39, %min3A_44 : vector<16xf32>
      %min3A_46 = arith.constant 1.125000e+01 : f32
      %min3A_47 = vector.broadcast %min3A_46 : f32 to vector<16xf32>
      %min3A_48 = arith.minimumf %mul3A_42, %min3A_47 : vector<16xf32>
      %mul3A_49 = arith.mulf %min3A_45, %min3A_48 : vector<16xf32>
      %mul3A_50 = arith.mulf %mul3A_39, %mul3A_42 : vector<16xf32>
      %add3A_51 = arith.constant 1.631250e+02 : f32
      %add3A_52 = vector.broadcast %add3A_51 : f32 to vector<16xf32>
      %add3A_53 = arith.addf %mul3A_50, %add3A_52 : vector<16xf32>
      %sub3A = arith.subf %add3A_53, %mul3A_49 : vector<16xf32>
      %add3A_54 = arith.constant 9.99999997E-7 : f32
      %add3A_55 = vector.broadcast %add3A_54 : f32 to vector<16xf32>
      %add3A_56 = arith.addf %sub3A, %add3A_55 : vector<16xf32>
      %div3A = arith.divf %mul3A_49, %add3A_56 : vector<16xf32>
      %broadcast_in_dim3A = arith.constant 0 : i32
      %broadcast_in_dim3A_57 = vector.broadcast %broadcast_in_dim3A : i32 to vector<16xi32>
      %min3A_58 = arith.constant 1.950000e+01 : f32
      %min3A_59 = vector.broadcast %min3A_58 : f32 to vector<16xf32>
      %min3A_60 = arith.minimumf %mul3A_39, %min3A_59 : vector<16xf32>
      %min3A_61 = arith.constant 2.475000e+01 : f32
      %min3A_62 = vector.broadcast %min3A_61 : f32 to vector<16xf32>
      %min3A_63 = arith.minimumf %mul3A_42, %min3A_62 : vector<16xf32>
      %mul3A_64 = arith.mulf %min3A_60, %min3A_63 : vector<16xf32>
      %mul3A_65 = arith.mulf %mul3A_39, %mul3A_42 : vector<16xf32>
      %add3A_66 = arith.constant 4.826250e+02 : f32
      %add3A_67 = vector.broadcast %add3A_66 : f32 to vector<16xf32>
      %add3A_68 = arith.addf %mul3A_65, %add3A_67 : vector<16xf32>
      %sub3A_69 = arith.subf %add3A_68, %mul3A_64 : vector<16xf32>
      %add3A_70 = arith.constant 9.99999997E-7 : f32
      %add3A_71 = vector.broadcast %add3A_70 : f32 to vector<16xf32>
      %add3A_72 = arith.addf %sub3A_69, %add3A_71 : vector<16xf32>
      %div3A_73 = arith.divf %mul3A_64, %add3A_72 : vector<16xf32>
      %gt3A = arith.cmpf ogt, %div3A_73, %div3A : vector<16xf32>
      %select_n3A = arith.select %gt3A, %div3A_73, %div3A : vector<16xi1>, vector<16xf32>
      %jit3A = arith.constant 1 : i32
      %broadcast_in_dim3A_74 = vector.broadcast %jit3A : i32 to vector<16xi32>
      %select_n3A_75 = arith.select %gt3A, %broadcast_in_dim3A_74, %broadcast_in_dim3A_57 : vector<16xi1>, vector<16xi32>
      %min3A_76 = arith.constant 4.662500e+01 : f32
      %min3A_77 = vector.broadcast %min3A_76 : f32 to vector<16xf32>
      %min3A_78 = arith.minimumf %mul3A_39, %min3A_77 : vector<16xf32>
      %min3A_79 = arith.constant 4.075000e+01 : f32
      %min3A_80 = vector.broadcast %min3A_79 : f32 to vector<16xf32>
      %min3A_81 = arith.minimumf %mul3A_42, %min3A_80 : vector<16xf32>
      %mul3A_82 = arith.mulf %min3A_78, %min3A_81 : vector<16xf32>
      %mul3A_83 = arith.mulf %mul3A_39, %mul3A_42 : vector<16xf32>
      %add3A_84 = arith.constant 1899.96875 : f32
      %add3A_85 = vector.broadcast %add3A_84 : f32 to vector<16xf32>
      %add3A_86 = arith.addf %mul3A_83, %add3A_85 : vector<16xf32>
      %sub3A_87 = arith.subf %add3A_86, %mul3A_82 : vector<16xf32>
      %add3A_88 = arith.constant 9.99999997E-7 : f32
      %add3A_89 = vector.broadcast %add3A_88 : f32 to vector<16xf32>
      %add3A_90 = arith.addf %sub3A_87, %add3A_89 : vector<16xf32>
      %div3A_91 = arith.divf %mul3A_82, %add3A_90 : vector<16xf32>
      %gt3A_92 = arith.cmpf ogt, %div3A_91, %select_n3A : vector<16xf32>
      %select_n3A_93 = arith.select %gt3A_92, %div3A_91, %select_n3A : vector<16xi1>, vector<16xf32>
      %jit3A_94 = arith.constant 2 : i32
      %broadcast_in_dim3A_95 = vector.broadcast %jit3A_94 : i32 to vector<16xi32>
      %select_n3A_96 = arith.select %gt3A_92, %broadcast_in_dim3A_95, %select_n3A_75 : vector<16xi1>, vector<16xi32>
      %convert_element_type3A_97 = arith.fptosi %mul3A_33 : vector<16xf32> to vector<16xi32>
      %min3A_98 = arith.constant 51 : i32
      %min3A_99 = vector.broadcast %min3A_98 : i32 to vector<16xi32>
      %min3A_100 = arith.minsi %convert_element_type3A_97, %min3A_99 : vector<16xi32>
      %convert_element_type3A_101 = arith.fptosi %mul3A_36 : vector<16xf32> to vector<16xi32>
      %min3A_102 = arith.constant 51 : i32
      %min3A_103 = vector.broadcast %min3A_102 : i32 to vector<16xi32>
      %min3A_104 = arith.minsi %convert_element_type3A_101, %min3A_103 : vector<16xi32>
      %mul3A_105 = arith.constant 52 : i32
      %mul3A_106 = arith.muli %add3A, %mul3A_105 : i32
      %add3A_107 = vector.broadcast %mul3A_106 : i32 to vector<16xi32>
      %add3A_108 = arith.addi %add3A_107, %min3A_104 : vector<16xi32>
      %mul3A_109 = arith.constant 52 : i32
      %mul3A_110 = vector.broadcast %mul3A_109 : i32 to vector<16xi32>
      %mul3A_111 = arith.muli %add3A_108, %mul3A_110 : vector<16xi32>
      %add3A_112 = arith.addi %mul3A_111, %min3A_100 : vector<16xi32>
      %mul3A_113 = arith.constant 3 : i32
      %mul3A_114 = vector.broadcast %mul3A_113 : i32 to vector<16xi32>
      %mul3A_115 = arith.muli %add3A_112, %mul3A_114 : vector<16xi32>
      %add3A_116 = arith.addi %mul3A_115, %select_n3A_96 : vector<16xi32>
      %mul3A_117 = arith.constant 80 : i32
      %mul3A_118 = vector.broadcast %mul3A_117 : i32 to vector<16xi32>
      %mul3A_119 = arith.muli %add3A_116, %mul3A_118 : vector<16xi32>
      %add3A_120 = arith.addi %mul3A_119, %convert_element_type3A_43 : vector<16xi32>
      %swap3A = arith.constant 0 : index
      %swap3A_121 = tpu.vector_load %arg5[%swap3A] {strides = array<i32>} : memref<32xi32, #tpu.memory_space<vmem>>, vector<16xi32>,
      tpu.vector_store %arg5[%swap3A], %add3A_116 {strides = array<i32>} : memref<32xi32, #tpu.memory_space<vmem>>, vector<16xi32>,
      %swap3A_122 = arith.constant 0 : index
      %swap3A_123 = tpu.vector_load %arg6[%swap3A_122] {strides = array<i32>} : memref<32xi32, #tpu.memory_space<vmem>>, vector<16xi32>,
      tpu.vector_store %arg6[%swap3A_122], %add3A_120 {strides = array<i32>} : memref<32xi32, #tpu.memory_space<vmem>>, vector<16xi32>,
      %eq3A = arith.constant 0 : i32
      %eq3A_124 = vector.broadcast %eq3A : i32 to vector<16xi32>
      %eq3A_125 = arith.cmpi eq, %select_n3A_96, %eq3A_124 : vector<16xi32>
      %eq3A_126 = arith.constant 1 : i32
      %eq3A_127 = vector.broadcast %eq3A_126 : i32 to vector<16xi32>
      %eq3A_128 = arith.cmpi eq, %select_n3A_96, %eq3A_127 : vector<16xi32>
      %jit3A_129 = arith.constant 1.950000e+01 : f32
      %jit3A_130 = arith.constant 4.662500e+01 : f32
      %broadcast_in_dim3A_131 = vector.broadcast %jit3A_129 : f32 to vector<16xf32>
      %broadcast_in_dim3A_132 = vector.broadcast %jit3A_130 : f32 to vector<16xf32>
      %select_n3A_133 = arith.select %eq3A_128, %broadcast_in_dim3A_131, %broadcast_in_dim3A_132 : vector<16xi1>, vector<16xf32>
      %jit3A_134 = arith.constant 1.450000e+01 : f32
      %broadcast_in_dim3A_135 = vector.broadcast %jit3A_134 : f32 to vector<16xf32>
      %select_n3A_136 = arith.select %eq3A_125, %broadcast_in_dim3A_135, %select_n3A_133 : vector<16xi1>, vector<16xf32>
      %eq3A_137 = arith.constant 0 : i32
      %eq3A_138 = vector.broadcast %eq3A_137 : i32 to vector<16xi32>
      %eq3A_139 = arith.cmpi eq, %select_n3A_96, %eq3A_138 : vector<16xi32>
      %eq3A_140 = arith.constant 1 : i32
      %eq3A_141 = vector.broadcast %eq3A_140 : i32 to vector<16xi32>
      %eq3A_142 = arith.cmpi eq, %select_n3A_96, %eq3A_141 : vector<16xi32>
      %jit3A_143 = arith.constant 2.475000e+01 : f32
      %jit3A_144 = arith.constant 4.075000e+01 : f32
      %broadcast_in_dim3A_145 = vector.broadcast %jit3A_143 : f32 to vector<16xf32>
      %broadcast_in_dim3A_146 = vector.broadcast %jit3A_144 : f32 to vector<16xf32>
      %select_n3A_147 = arith.select %eq3A_142, %broadcast_in_dim3A_145, %broadcast_in_dim3A_146 : vector<16xi1>, vector<16xf32>
      %jit3A_148 = arith.constant 1.125000e+01 : f32
      %broadcast_in_dim3A_149 = vector.broadcast %jit3A_148 : f32 to vector<16xf32>
      %select_n3A_150 = arith.select %eq3A_139, %broadcast_in_dim3A_149, %select_n3A_147 : vector<16xi1>, vector<16xf32>
      %swap3A_151 = arith.constant 64 : index
      %swap3A_152 = tpu.vector_load %arg7[%swap3A_151] {strides = array<i32>} : memref<256xf32, #tpu.memory_space<vmem>>, vector<16xf32>,
      tpu.vector_store %arg7[%swap3A_151], %select_n3A_136 {strides = array<i32>} : memref<256xf32, #tpu.memory_space<vmem>>, vector<16xf32>,
      %swap3A_153 = arith.constant 96 : index
      %swap3A_154 = tpu.vector_load %arg7[%swap3A_153] {strides = array<i32>} : memref<256xf32, #tpu.memory_space<vmem>>, vector<16xf32>,
      tpu.vector_store %arg7[%swap3A_153], %select_n3A_150 {strides = array<i32>} : memref<256xf32, #tpu.memory_space<vmem>>, vector<16xf32>,
      %convert_element_type3A_155 = arith.sitofp %min3A_100 : vector<16xi32> to vector<16xf32>
      %swap3A_156 = arith.constant 128 : index
      %swap3A_157 = tpu.vector_load %arg7[%swap3A_156] {strides = array<i32>} : memref<256xf32, #tpu.memory_space<vmem>>, vector<16xf32>,
      tpu.vector_store %arg7[%swap3A_156], %convert_element_type3A_155 {strides = array<i32>} : memref<256xf32, #tpu.memory_space<vmem>>, vector<16xf32>,
      %convert_element_type3A_158 = arith.sitofp %min3A_104 : vector<16xi32> to vector<16xf32>
      %swap3A_159 = arith.constant 160 : index
      %swap3A_160 = tpu.vector_load %arg7[%swap3A_159] {strides = array<i32>} : memref<256xf32, #tpu.memory_space<vmem>>, vector<16xf32>,
      tpu.vector_store %arg7[%swap3A_159], %convert_element_type3A_158 {strides = array<i32>} : memref<256xf32, #tpu.memory_space<vmem>>, vector<16xf32>,
      %convert_element_type3A_161 = arith.sitofp %select_n3A_96 : vector<16xi32> to vector<16xf32>
      %swap3A_162 = arith.constant 192 : index
      %swap3A_163 = tpu.vector_load %arg7[%swap3A_162] {strides = array<i32>} : memref<256xf32, #tpu.memory_space<vmem>>, vector<16xf32>,
      tpu.vector_store %arg7[%swap3A_162], %convert_element_type3A_161 {strides = array<i32>} : memref<256xf32, #tpu.memory_space<vmem>>, vector<16xf32>,
      %mul3A_164 = arith.constant 52 : i32
      %mul3A_165 = vector.broadcast %mul3A_164 : i32 to vector<16xi32>
      %mul3A_166 = arith.muli %min3A_104, %mul3A_165 : vector<16xi32>
      %add3A_167 = arith.addi %mul3A_166, %min3A_100 : vector<16xi32>
      %convert_element_type3A_168 = arith.sitofp %add3A_167 : vector<16xi32> to vector<16xf32>
      %swap3A_169 = arith.constant 224 : index
      %swap3A_170 = tpu.vector_load %arg7[%swap3A_169] {strides = array<i32>} : memref<256xf32, #tpu.memory_space<vmem>>, vector<16xf32>,
      tpu.vector_store %arg7[%swap3A_169], %convert_element_type3A_168 {strides = array<i32>} : memref<256xf32, #tpu.memory_space<vmem>>, vector<16xf32>,
      %add3A_171 = arith.constant 16 : i32
      %add3A_172 = vector.broadcast %add3A_171 : i32 to vector<16xi32>
      %add3A_173 = arith.addi %iota3A, %add3A_172 : vector<16xi32>
      %mul3A_174 = arith.constant 5 : i32
      %mul3A_175 = vector.broadcast %mul3A_174 : i32 to vector<16xi32>
      %mul3A_176 = arith.muli %add3A_173, %mul3A_175 : vector<16xi32>
      %gather3A_177 = tpu.vector_load_idx %arg4[%mul3A_176] : memref<160xf32, #tpu.memory_space<vmem>>[vector<16xi32>], vector<16xf32>,
      %add3A_178 = arith.constant 1 : i32
      %add3A_179 = vector.broadcast %add3A_178 : i32 to vector<16xi32>
      %add3A_180 = arith.addi %mul3A_176, %add3A_179 : vector<16xi32>
      %gather3A_181 = tpu.vector_load_idx %arg4[%add3A_180] : memref<160xf32, #tpu.memory_space<vmem>>[vector<16xi32>], vector<16xf32>,
      %add3A_182 = arith.constant 2 : i32
      %add3A_183 = vector.broadcast %add3A_182 : i32 to vector<16xi32>
      %add3A_184 = arith.addi %mul3A_176, %add3A_183 : vector<16xi32>
      %gather3A_185 = tpu.vector_load_idx %arg4[%add3A_184] : memref<160xf32, #tpu.memory_space<vmem>>[vector<16xi32>], vector<16xf32>,
      %add3A_186 = arith.constant 3 : i32
      %add3A_187 = vector.broadcast %add3A_186 : i32 to vector<16xi32>
      %add3A_188 = arith.addi %mul3A_176, %add3A_187 : vector<16xi32>
      %gather3A_189 = tpu.vector_load_idx %arg4[%add3A_188] : memref<160xf32, #tpu.memory_space<vmem>>[vector<16xi32>], vector<16xf32>,
      %add3A_190 = arith.constant 4 : i32
      %add3A_191 = vector.broadcast %add3A_190 : i32 to vector<16xi32>
      %add3A_192 = arith.addi %mul3A_176, %add3A_191 : vector<16xi32>
      %gather3A_193 = tpu.vector_load_idx %arg4[%add3A_192] : memref<160xf32, #tpu.memory_space<vmem>>[vector<16xi32>], vector<16xf32>,
      %mul3A_194 = arith.constant 5.200000e+01 : f32
      %mul3A_195 = vector.broadcast %mul3A_194 : f32 to vector<16xf32>
      %mul3A_196 = arith.mulf %gather3A_177, %mul3A_195 : vector<16xf32>
      %mul3A_197 = arith.constant 5.200000e+01 : f32
      %mul3A_198 = vector.broadcast %mul3A_197 : f32 to vector<16xf32>
      %mul3A_199 = arith.mulf %gather3A_181, %mul3A_198 : vector<16xf32>
      %mul3A_200 = arith.constant 5.200000e+01 : f32
      %mul3A_201 = vector.broadcast %mul3A_200 : f32 to vector<16xf32>
      %mul3A_202 = arith.mulf %gather3A_185, %mul3A_201 : vector<16xf32>
      %mul3A_203 = arith.constant 5.200000e+01 : f32
      %mul3A_204 = vector.broadcast %mul3A_203 : f32 to vector<16xf32>
      %mul3A_205 = arith.mulf %gather3A_189, %mul3A_204 : vector<16xf32>
      %convert_element_type3A_206 = arith.fptosi %gather3A_193 : vector<16xf32> to vector<16xi32>
      %min3A_207 = arith.constant 1.450000e+01 : f32
      %min3A_208 = vector.broadcast %min3A_207 : f32 to vector<16xf32>
      %min3A_209 = arith.minimumf %mul3A_202, %min3A_208 : vector<16xf32>
      %min3A_210 = arith.constant 1.125000e+01 : f32
      %min3A_211 = vector.broadcast %min3A_210 : f32 to vector<16xf32>
      %min3A_212 = arith.minimumf %mul3A_205, %min3A_211 : vector<16xf32>
      %mul3A_213 = arith.mulf %min3A_209, %min3A_212 : vector<16xf32>
      %mul3A_214 = arith.mulf %mul3A_202, %mul3A_205 : vector<16xf32>
      %add3A_215 = arith.constant 1.631250e+02 : f32
      %add3A_216 = vector.broadcast %add3A_215 : f32 to vector<16xf32>
      %add3A_217 = arith.addf %mul3A_214, %add3A_216 : vector<16xf32>
      %sub3A_218 = arith.subf %add3A_217, %mul3A_213 : vector<16xf32>
      %add3A_219 = arith.constant 9.99999997E-7 : f32
      %add3A_220 = vector.broadcast %add3A_219 : f32 to vector<16xf32>
      %add3A_221 = arith.addf %sub3A_218, %add3A_220 : vector<16xf32>
      %div3A_222 = arith.divf %mul3A_213, %add3A_221 : vector<16xf32>
      %broadcast_in_dim3A_223 = arith.constant 0 : i32
      %broadcast_in_dim3A_224 = vector.broadcast %broadcast_in_dim3A_223 : i32 to vector<16xi32>
      %min3A_225 = arith.constant 1.950000e+01 : f32
      %min3A_226 = vector.broadcast %min3A_225 : f32 to vector<16xf32>
      %min3A_227 = arith.minimumf %mul3A_202, %min3A_226 : vector<16xf32>
      %min3A_228 = arith.constant 2.475000e+01 : f32
      %min3A_229 = vector.broadcast %min3A_228 : f32 to vector<16xf32>
      %min3A_230 = arith.minimumf %mul3A_205, %min3A_229 : vector<16xf32>
      %mul3A_231 = arith.mulf %min3A_227, %min3A_230 : vector<16xf32>
      %mul3A_232 = arith.mulf %mul3A_202, %mul3A_205 : vector<16xf32>
      %add3A_233 = arith.constant 4.826250e+02 : f32
      %add3A_234 = vector.broadcast %add3A_233 : f32 to vector<16xf32>
      %add3A_235 = arith.addf %mul3A_232, %add3A_234 : vector<16xf32>
      %sub3A_236 = arith.subf %add3A_235, %mul3A_231 : vector<16xf32>
      %add3A_237 = arith.constant 9.99999997E-7 : f32
      %add3A_238 = vector.broadcast %add3A_237 : f32 to vector<16xf32>
      %add3A_239 = arith.addf %sub3A_236, %add3A_238 : vector<16xf32>
      %div3A_240 = arith.divf %mul3A_231, %add3A_239 : vector<16xf32>
      %gt3A_241 = arith.cmpf ogt, %div3A_240, %div3A_222 : vector<16xf32>
      %select_n3A_242 = arith.select %gt3A_241, %div3A_240, %div3A_222 : vector<16xi1>, vector<16xf32>
      %jit3A_243 = arith.constant 1 : i32
      %broadcast_in_dim3A_244 = vector.broadcast %jit3A_243 : i32 to vector<16xi32>
      %select_n3A_245 = arith.select %gt3A_241, %broadcast_in_dim3A_244, %broadcast_in_dim3A_224 : vector<16xi1>, vector<16xi32>
      %min3A_246 = arith.constant 4.662500e+01 : f32
      %min3A_247 = vector.broadcast %min3A_246 : f32 to vector<16xf32>
      %min3A_248 = arith.minimumf %mul3A_202, %min3A_247 : vector<16xf32>
      %min3A_249 = arith.constant 4.075000e+01 : f32
      %min3A_250 = vector.broadcast %min3A_249 : f32 to vector<16xf32>
      %min3A_251 = arith.minimumf %mul3A_205, %min3A_250 : vector<16xf32>
      %mul3A_252 = arith.mulf %min3A_248, %min3A_251 : vector<16xf32>
      %mul3A_253 = arith.mulf %mul3A_202, %mul3A_205 : vector<16xf32>
      %add3A_254 = arith.constant 1899.96875 : f32
      %add3A_255 = vector.broadcast %add3A_254 : f32 to vector<16xf32>
      %add3A_256 = arith.addf %mul3A_253, %add3A_255 : vector<16xf32>
      %sub3A_257 = arith.subf %add3A_256, %mul3A_252 : vector<16xf32>
      %add3A_258 = arith.constant 9.99999997E-7 : f32
      %add3A_259 = vector.broadcast %add3A_258 : f32 to vector<16xf32>
      %add3A_260 = arith.addf %sub3A_257, %add3A_259 : vector<16xf32>
      %div3A_261 = arith.divf %mul3A_252, %add3A_260 : vector<16xf32>
      %gt3A_262 = arith.cmpf ogt, %div3A_261, %select_n3A_242 : vector<16xf32>
      %select_n3A_263 = arith.select %gt3A_262, %div3A_261, %select_n3A_242 : vector<16xi1>, vector<16xf32>
      %jit3A_264 = arith.constant 2 : i32
      %broadcast_in_dim3A_265 = vector.broadcast %jit3A_264 : i32 to vector<16xi32>
      %select_n3A_266 = arith.select %gt3A_262, %broadcast_in_dim3A_265, %select_n3A_245 : vector<16xi1>, vector<16xi32>
      %convert_element_type3A_267 = arith.fptosi %mul3A_196 : vector<16xf32> to vector<16xi32>
      %min3A_268 = arith.constant 51 : i32
      %min3A_269 = vector.broadcast %min3A_268 : i32 to vector<16xi32>
      %min3A_270 = arith.minsi %convert_element_type3A_267, %min3A_269 : vector<16xi32>
      %convert_element_type3A_271 = arith.fptosi %mul3A_199 : vector<16xf32> to vector<16xi32>
      %min3A_272 = arith.constant 51 : i32
      %min3A_273 = vector.broadcast %min3A_272 : i32 to vector<16xi32>
      %min3A_274 = arith.minsi %convert_element_type3A_271, %min3A_273 : vector<16xi32>
      %mul3A_275 = arith.constant 52 : i32
      %mul3A_276 = arith.muli %add3A, %mul3A_275 : i32
      %add3A_277 = vector.broadcast %mul3A_276 : i32 to vector<16xi32>
      %add3A_278 = arith.addi %add3A_277, %min3A_274 : vector<16xi32>
      %mul3A_279 = arith.constant 52 : i32
      %mul3A_280 = vector.broadcast %mul3A_279 : i32 to vector<16xi32>
      %mul3A_281 = arith.muli %add3A_278, %mul3A_280 : vector<16xi32>
      %add3A_282 = arith.addi %mul3A_281, %min3A_270 : vector<16xi32>
      %mul3A_283 = arith.constant 3 : i32
      %mul3A_284 = vector.broadcast %mul3A_283 : i32 to vector<16xi32>
      %mul3A_285 = arith.muli %add3A_282, %mul3A_284 : vector<16xi32>
      %add3A_286 = arith.addi %mul3A_285, %select_n3A_266 : vector<16xi32>
      %mul3A_287 = arith.constant 80 : i32
      %mul3A_288 = vector.broadcast %mul3A_287 : i32 to vector<16xi32>
      %mul3A_289 = arith.muli %add3A_286, %mul3A_288 : vector<16xi32>
      %add3A_290 = arith.addi %mul3A_289, %convert_element_type3A_206 : vector<16xi32>
      %swap3A_291 = arith.constant 16 : index
      %swap3A_292 = tpu.vector_load %arg5[%swap3A_291] {strides = array<i32>} : memref<32xi32, #tpu.memory_space<vmem>>, vector<16xi32>,
      tpu.vector_store %arg5[%swap3A_291], %add3A_286 {strides = array<i32>} : memref<32xi32, #tpu.memory_space<vmem>>, vector<16xi32>,
      %swap3A_293 = arith.constant 16 : index
      %swap3A_294 = tpu.vector_load %arg6[%swap3A_293] {strides = array<i32>} : memref<32xi32, #tpu.memory_space<vmem>>, vector<16xi32>,
      tpu.vector_store %arg6[%swap3A_293], %add3A_290 {strides = array<i32>} : memref<32xi32, #tpu.memory_space<vmem>>, vector<16xi32>,
      %eq3A_295 = arith.constant 0 : i32
      %eq3A_296 = vector.broadcast %eq3A_295 : i32 to vector<16xi32>
      %eq3A_297 = arith.cmpi eq, %select_n3A_266, %eq3A_296 : vector<16xi32>
      %eq3A_298 = arith.constant 1 : i32
      %eq3A_299 = vector.broadcast %eq3A_298 : i32 to vector<16xi32>
      %eq3A_300 = arith.cmpi eq, %select_n3A_266, %eq3A_299 : vector<16xi32>
      %jit3A_301 = arith.constant 1.950000e+01 : f32
      %jit3A_302 = arith.constant 4.662500e+01 : f32
      %broadcast_in_dim3A_303 = vector.broadcast %jit3A_301 : f32 to vector<16xf32>
      %broadcast_in_dim3A_304 = vector.broadcast %jit3A_302 : f32 to vector<16xf32>
      %select_n3A_305 = arith.select %eq3A_300, %broadcast_in_dim3A_303, %broadcast_in_dim3A_304 : vector<16xi1>, vector<16xf32>
      %jit3A_306 = arith.constant 1.450000e+01 : f32
      %broadcast_in_dim3A_307 = vector.broadcast %jit3A_306 : f32 to vector<16xf32>
      %select_n3A_308 = arith.select %eq3A_297, %broadcast_in_dim3A_307, %select_n3A_305 : vector<16xi1>, vector<16xf32>
      %eq3A_309 = arith.constant 0 : i32
      %eq3A_310 = vector.broadcast %eq3A_309 : i32 to vector<16xi32>
      %eq3A_311 = arith.cmpi eq, %select_n3A_266, %eq3A_310 : vector<16xi32>
      %eq3A_312 = arith.constant 1 : i32
      %eq3A_313 = vector.broadcast %eq3A_312 : i32 to vector<16xi32>
      %eq3A_314 = arith.cmpi eq, %select_n3A_266, %eq3A_313 : vector<16xi32>
      %jit3A_315 = arith.constant 2.475000e+01 : f32
      %jit3A_316 = arith.constant 4.075000e+01 : f32
      %broadcast_in_dim3A_317 = vector.broadcast %jit3A_315 : f32 to vector<16xf32>
      %broadcast_in_dim3A_318 = vector.broadcast %jit3A_316 : f32 to vector<16xf32>
      %select_n3A_319 = arith.select %eq3A_314, %broadcast_in_dim3A_317, %broadcast_in_dim3A_318 : vector<16xi1>, vector<16xf32>
      %jit3A_320 = arith.constant 1.125000e+01 : f32
      %broadcast_in_dim3A_321 = vector.broadcast %jit3A_320 : f32 to vector<16xf32>
      %select_n3A_322 = arith.select %eq3A_311, %broadcast_in_dim3A_321, %select_n3A_319 : vector<16xi1>, vector<16xf32>
      %swap3A_323 = arith.constant 80 : index
      %swap3A_324 = tpu.vector_load %arg7[%swap3A_323] {strides = array<i32>} : memref<256xf32, #tpu.memory_space<vmem>>, vector<16xf32>,
      tpu.vector_store %arg7[%swap3A_323], %select_n3A_308 {strides = array<i32>} : memref<256xf32, #tpu.memory_space<vmem>>, vector<16xf32>,
      %swap3A_325 = arith.constant 112 : index
      %swap3A_326 = tpu.vector_load %arg7[%swap3A_325] {strides = array<i32>} : memref<256xf32, #tpu.memory_space<vmem>>, vector<16xf32>,
      tpu.vector_store %arg7[%swap3A_325], %select_n3A_322 {strides = array<i32>} : memref<256xf32, #tpu.memory_space<vmem>>, vector<16xf32>,
      %convert_element_type3A_327 = arith.sitofp %min3A_270 : vector<16xi32> to vector<16xf32>
      %swap3A_328 = arith.constant 144 : index
      %swap3A_329 = tpu.vector_load %arg7[%swap3A_328] {strides = array<i32>} : memref<256xf32, #tpu.memory_space<vmem>>, vector<16xf32>,
      tpu.vector_store %arg7[%swap3A_328], %convert_element_type3A_327 {strides = array<i32>} : memref<256xf32, #tpu.memory_space<vmem>>, vector<16xf32>,
      %convert_element_type3A_330 = arith.sitofp %min3A_274 : vector<16xi32> to vector<16xf32>
      %swap3A_331 = arith.constant 176 : index
      %swap3A_332 = tpu.vector_load %arg7[%swap3A_331] {strides = array<i32>} : memref<256xf32, #tpu.memory_space<vmem>>, vector<16xf32>,
      tpu.vector_store %arg7[%swap3A_331], %convert_element_type3A_330 {strides = array<i32>} : memref<256xf32, #tpu.memory_space<vmem>>, vector<16xf32>,
      %convert_element_type3A_333 = arith.sitofp %select_n3A_266 : vector<16xi32> to vector<16xf32>
      %swap3A_334 = arith.constant 208 : index
      %swap3A_335 = tpu.vector_load %arg7[%swap3A_334] {strides = array<i32>} : memref<256xf32, #tpu.memory_space<vmem>>, vector<16xf32>,
      tpu.vector_store %arg7[%swap3A_334], %convert_element_type3A_333 {strides = array<i32>} : memref<256xf32, #tpu.memory_space<vmem>>, vector<16xf32>,
      %mul3A_336 = arith.constant 52 : i32
      %mul3A_337 = vector.broadcast %mul3A_336 : i32 to vector<16xi32>
      %mul3A_338 = arith.muli %min3A_274, %mul3A_337 : vector<16xi32>
      %add3A_339 = arith.addi %mul3A_338, %min3A_270 : vector<16xi32>
      %convert_element_type3A_340 = arith.sitofp %add3A_339 : vector<16xi32> to vector<16xf32>
      %swap3A_341 = arith.constant 240 : index
      %swap3A_342 = tpu.vector_load %arg7[%swap3A_341] {strides = array<i32>} : memref<256xf32, #tpu.memory_space<vmem>>, vector<16xf32>,
      tpu.vector_store %arg7[%swap3A_341], %convert_element_type3A_340 {strides = array<i32>} : memref<256xf32, #tpu.memory_space<vmem>>, vector<16xf32>,
      %add3A_343 = arith.constant 16 : i32
      %add3A_344 = vector.broadcast %add3A_343 : i32 to vector<16xi32>
      %add3A_345 = arith.addi %iota3A, %add3A_344 : vector<16xi32>
      %broadcast_in_dim3A_346 = arith.constant 0 : i32
      %broadcast_in_dim3A_347 = vector.broadcast %broadcast_in_dim3A_346 : i32 to vector<16xi32>
      %scan3A = arith.constant 1 : i32
      %scan3A_348 = arith.constant 31 : i32
      %scan3A_349 = arith.addi %scan3A, %scan3A_348 : i32
      %scan3A_350 = arith.constant 1 : i32
      %scan3A_351:4 = scf.for %scan3A_791 = %scan3A to %scan3A_349 step %scan3A_350 iter_args(%scan3A_792 = %broadcast_in_dim3A_347, %scan3A_793 = %broadcast_in_dim3A_347, %scan3A_794 = %broadcast_in_dim3A_347, %scan3A_795 = %broadcast_in_dim3A_347) -> (vector<16xi32>, vector<16xi32>, vector<16xi32>, vector<16xi32>)  : i32 {
        %add3A_796 = vector.broadcast %scan3A_791 : i32 to vector<16xi32>
        %add3A_797 = arith.addi %iota3A, %add3A_796 : vector<16xi32>
        %min3A_798 = arith.constant 31 : i32
        %min3A_799 = vector.broadcast %min3A_798 : i32 to vector<16xi32>
        %min3A_800 = arith.minsi %add3A_797, %min3A_799 : vector<16xi32>
        %add3A_801 = vector.broadcast %scan3A_791 : i32 to vector<16xi32>
        %add3A_802 = arith.addi %iota3A, %add3A_801 : vector<16xi32>
        %le3A = arith.constant 31 : i32
        %le3A_803 = vector.broadcast %le3A : i32 to vector<16xi32>
        %le3A_804 = arith.cmpi sle, %add3A_802, %le3A_803 : vector<16xi32>
        %add3A_805 = vector.broadcast %scan3A_791 : i32 to vector<16xi32>
        %add3A_806 = arith.addi %add3A_345, %add3A_805 : vector<16xi32>
        %min3A_807 = arith.constant 31 : i32
        %min3A_808 = vector.broadcast %min3A_807 : i32 to vector<16xi32>
        %min3A_809 = arith.minsi %add3A_806, %min3A_808 : vector<16xi32>
        %add3A_810 = vector.broadcast %scan3A_791 : i32 to vector<16xi32>
        %add3A_811 = arith.addi %add3A_345, %add3A_810 : vector<16xi32>
        %le3A_812 = arith.constant 31 : i32
        %le3A_813 = vector.broadcast %le3A_812 : i32 to vector<16xi32>
        %le3A_814 = arith.cmpi sle, %add3A_811, %le3A_813 : vector<16xi32>
        %gather3A_815 = tpu.vector_load_idx %arg5[%min3A_800] : memref<32xi32, #tpu.memory_space<vmem>>[vector<16xi32>], vector<16xi32>,
        %gather3A_816 = tpu.vector_load_idx %arg5[%min3A_809] : memref<32xi32, #tpu.memory_space<vmem>>[vector<16xi32>], vector<16xi32>,
        %gather3A_817 = tpu.vector_load_idx %arg6[%min3A_800] : memref<32xi32, #tpu.memory_space<vmem>>[vector<16xi32>], vector<16xi32>,
        %gather3A_818 = tpu.vector_load_idx %arg6[%min3A_809] : memref<32xi32, #tpu.memory_space<vmem>>[vector<16xi32>], vector<16xi32>,
        %eq3A_819 = arith.cmpi eq, %gather3A_815, %add3A_116 : vector<16xi32>
        %and3A = arith.andi %eq3A_819, %le3A_804 : vector<16xi1>
        %jit3A_820 = arith.constant 1 : i32
        %broadcast_in_dim3A_821 = vector.broadcast %jit3A_820 : i32 to vector<16xi32>
        %select_n3A_822 = arith.select %and3A, %broadcast_in_dim3A_821, %broadcast_in_dim3A_347 : vector<16xi1>, vector<16xi32>
        %or3A = arith.ori %scan3A_792, %select_n3A_822 : vector<16xi32>
        %eq3A_823 = arith.cmpi eq, %gather3A_816, %add3A_286 : vector<16xi32>
        %and3A_824 = arith.andi %eq3A_823, %le3A_814 : vector<16xi1>
        %jit3A_825 = arith.constant 1 : i32
        %broadcast_in_dim3A_826 = vector.broadcast %jit3A_825 : i32 to vector<16xi32>
        %select_n3A_827 = arith.select %and3A_824, %broadcast_in_dim3A_826, %broadcast_in_dim3A_347 : vector<16xi1>, vector<16xi32>
        %or3A_828 = arith.ori %scan3A_793, %select_n3A_827 : vector<16xi32>
        %eq3A_829 = arith.cmpi eq, %gather3A_817, %add3A_120 : vector<16xi32>
        %and3A_830 = arith.andi %eq3A_829, %le3A_804 : vector<16xi1>
        %jit3A_831 = arith.constant 1 : i32
        %broadcast_in_dim3A_832 = vector.broadcast %jit3A_831 : i32 to vector<16xi32>
        %select_n3A_833 = arith.select %and3A_830, %broadcast_in_dim3A_832, %broadcast_in_dim3A_347 : vector<16xi1>, vector<16xi32>
        %or3A_834 = arith.ori %scan3A_794, %select_n3A_833 : vector<16xi32>
        %eq3A_835 = arith.cmpi eq, %gather3A_818, %add3A_290 : vector<16xi32>
        %and3A_836 = arith.andi %eq3A_835, %le3A_814 : vector<16xi1>
        %jit3A_837 = arith.constant 1 : i32
        %broadcast_in_dim3A_838 = vector.broadcast %jit3A_837 : i32 to vector<16xi32>
        %select_n3A_839 = arith.select %and3A_836, %broadcast_in_dim3A_838, %broadcast_in_dim3A_347 : vector<16xi1>, vector<16xi32>
        %or3A_840 = arith.ori %scan3A_795, %select_n3A_839 : vector<16xi32>
        scf.yield %or3A, %or3A_828, %or3A_834, %or3A_840 : vector<16xi32>, vector<16xi32>, vector<16xi32>, vector<16xi32>
      }
      %scan3A_352 = arith.constant 31 : i32
      %eq3A_353 = arith.constant 0 : i32
      %eq3A_354 = vector.broadcast %eq3A_353 : i32 to vector<16xi32>
      %eq3A_355 = arith.cmpi eq, %scan3A_351#0, %eq3A_354 : vector<16xi32>
      %jit3A_356 = arith.constant 1.000000e+00 : f32
      %jit3A_357 = arith.constant 0.000000e+00 : f32
      %broadcast_in_dim3A_358 = vector.broadcast %jit3A_356 : f32 to vector<16xf32>
      %broadcast_in_dim3A_359 = vector.broadcast %jit3A_357 : f32 to vector<16xf32>
      %select_n3A_360 = arith.select %eq3A_355, %broadcast_in_dim3A_358, %broadcast_in_dim3A_359 : vector<16xi1>, vector<16xf32>
      %swap3A_361 = arith.constant 0 : index
      %swap3A_362 = tpu.vector_load %arg7[%swap3A_361] {strides = array<i32>} : memref<256xf32, #tpu.memory_space<vmem>>, vector<16xf32>,
      tpu.vector_store %arg7[%swap3A_361], %select_n3A_360 {strides = array<i32>} : memref<256xf32, #tpu.memory_space<vmem>>, vector<16xf32>,
      %eq3A_363 = arith.constant 0 : i32
      %eq3A_364 = vector.broadcast %eq3A_363 : i32 to vector<16xi32>
      %eq3A_365 = arith.cmpi eq, %scan3A_351#1, %eq3A_364 : vector<16xi32>
      %jit3A_366 = arith.constant 1.000000e+00 : f32
      %jit3A_367 = arith.constant 0.000000e+00 : f32
      %broadcast_in_dim3A_368 = vector.broadcast %jit3A_366 : f32 to vector<16xf32>
      %broadcast_in_dim3A_369 = vector.broadcast %jit3A_367 : f32 to vector<16xf32>
      %select_n3A_370 = arith.select %eq3A_365, %broadcast_in_dim3A_368, %broadcast_in_dim3A_369 : vector<16xi1>, vector<16xf32>
      %swap3A_371 = arith.constant 16 : index
      %swap3A_372 = tpu.vector_load %arg7[%swap3A_371] {strides = array<i32>} : memref<256xf32, #tpu.memory_space<vmem>>, vector<16xf32>,
      tpu.vector_store %arg7[%swap3A_371], %select_n3A_370 {strides = array<i32>} : memref<256xf32, #tpu.memory_space<vmem>>, vector<16xf32>,
      %eq3A_373 = arith.constant 0 : i32
      %eq3A_374 = vector.broadcast %eq3A_373 : i32 to vector<16xi32>
      %eq3A_375 = arith.cmpi eq, %scan3A_351#2, %eq3A_374 : vector<16xi32>
      %jit3A_376 = arith.constant 1.000000e+00 : f32
      %jit3A_377 = arith.constant 0.000000e+00 : f32
      %broadcast_in_dim3A_378 = vector.broadcast %jit3A_376 : f32 to vector<16xf32>
      %broadcast_in_dim3A_379 = vector.broadcast %jit3A_377 : f32 to vector<16xf32>
      %select_n3A_380 = arith.select %eq3A_375, %broadcast_in_dim3A_378, %broadcast_in_dim3A_379 : vector<16xi1>, vector<16xf32>
      %swap3A_381 = arith.constant 32 : index
      %swap3A_382 = tpu.vector_load %arg7[%swap3A_381] {strides = array<i32>} : memref<256xf32, #tpu.memory_space<vmem>>, vector<16xf32>,
      tpu.vector_store %arg7[%swap3A_381], %select_n3A_380 {strides = array<i32>} : memref<256xf32, #tpu.memory_space<vmem>>, vector<16xf32>,
      %eq3A_383 = arith.constant 0 : i32
      %eq3A_384 = vector.broadcast %eq3A_383 : i32 to vector<16xi32>
      %eq3A_385 = arith.cmpi eq, %scan3A_351#3, %eq3A_384 : vector<16xi32>
      %jit3A_386 = arith.constant 1.000000e+00 : f32
      %jit3A_387 = arith.constant 0.000000e+00 : f32
      %broadcast_in_dim3A_388 = vector.broadcast %jit3A_386 : f32 to vector<16xf32>
      %broadcast_in_dim3A_389 = vector.broadcast %jit3A_387 : f32 to vector<16xf32>
      %select_n3A_390 = arith.select %eq3A_385, %broadcast_in_dim3A_388, %broadcast_in_dim3A_389 : vector<16xi1>, vector<16xf32>
      %swap3A_391 = arith.constant 48 : index
      %swap3A_392 = tpu.vector_load %arg7[%swap3A_391] {strides = array<i32>} : memref<256xf32, #tpu.memory_space<vmem>>, vector<16xf32>,
      tpu.vector_store %arg7[%swap3A_391], %select_n3A_390 {strides = array<i32>} : memref<256xf32, #tpu.memory_space<vmem>>, vector<16xf32>,
      %run_scoped3A = arith.constant 0 : i32
      "tpu.region"() ({
        %run_scoped3A_791 = tpu.sem_alloc : memref<!tpu.dma_semaphore, #tpu.memory_space<semaphore_mem>>
        %dma_start3A = arith.constant 0 : i32
        %dma_start3A_792 = tpu.memref_slice %arg3[%run_scoped3A, %add3A, %dma_start3A] : memref<3x16x256xf32, #tpu.memory_space<hbm>> -> memref<1x1x256xf32, #tpu.memory_space<hbm>>
        %dma_start3A_793 = tpu.memref_squeeze %dma_start3A_792 : memref<1x1x256xf32, #tpu.memory_space<hbm>> -> memref<256xf32, #tpu.memory_space<hbm>>
        %dma_start3A_794 = arith.constant 0 : i32
        %dma_start3A_795 = tpu.memref_slice %arg3[%run_scoped3A, %add3A, %dma_start3A_794] : memref<3x16x256xf32, #tpu.memory_space<hbm>> -> memref<1x1x256xf32, #tpu.memory_space<hbm>>
        %dma_start3A_796 = tpu.memref_squeeze %dma_start3A_795 : memref<1x1x256xf32, #tpu.memory_space<hbm>> -> memref<256xf32, #tpu.memory_space<hbm>>
        tpu.enqueue_dma source(%arg7 : memref<256xf32, #tpu.memory_space<vmem>>) target(%dma_start3A_796 : memref<256xf32, #tpu.memory_space<hbm>>) target_semaphore(%run_scoped3A_791 : memref<!tpu.dma_semaphore, #tpu.memory_space<semaphore_mem>>)
        %dma_wait3A = arith.constant 0 : i32
        %dma_wait3A_797 = tpu.memref_slice %arg3[%run_scoped3A, %add3A, %dma_wait3A] : memref<3x16x256xf32, #tpu.memory_space<hbm>> -> memref<1x1x256xf32, #tpu.memory_space<hbm>>
        %dma_wait3A_798 = tpu.memref_squeeze %dma_wait3A_797 : memref<1x1x256xf32, #tpu.memory_space<hbm>> -> memref<256xf32, #tpu.memory_space<hbm>>
        %dma_wait3A_799 = arith.constant 0 : i32
        %dma_wait3A_800 = tpu.memref_slice %arg3[%run_scoped3A, %add3A, %dma_wait3A_799] : memref<3x16x256xf32, #tpu.memory_space<hbm>> -> memref<1x1x256xf32, #tpu.memory_space<hbm>>
        %dma_wait3A_801 = tpu.memref_squeeze %dma_wait3A_800 : memref<1x1x256xf32, #tpu.memory_space<hbm>> -> memref<256xf32, #tpu.memory_space<hbm>>
        tpu.wait_dma2 semaphore(%run_scoped3A_791 : memref<!tpu.dma_semaphore, #tpu.memory_space<semaphore_mem>>) src(%arg7 : memref<256xf32, #tpu.memory_space<vmem>>) dst(%dma_wait3A_801 : memref<256xf32, #tpu.memory_space<hbm>>)
        tpu.yield
      }) : () -> ()
      %mul3A_393 = arith.constant 160 : i32
      %mul3A_394 = arith.muli %add3A, %mul3A_393 : i32
      "tpu.region"() ({
        %run_scoped3A_791 = tpu.sem_alloc : memref<!tpu.dma_semaphore, #tpu.memory_space<semaphore_mem>>
        %dma_start3A = tpu.memref_slice %arg2[%mul3A_394] : memref<2560xf32, #tpu.memory_space<hbm>> -> memref<160xf32, #tpu.memory_space<hbm>>
        %dma_start3A_792 = tpu.memref_slice %arg2[%mul3A_394] : memref<2560xf32, #tpu.memory_space<hbm>> -> memref<160xf32, #tpu.memory_space<hbm>>
        tpu.enqueue_dma source(%dma_start3A_792 : memref<160xf32, #tpu.memory_space<hbm>>) target(%arg4 : memref<160xf32, #tpu.memory_space<vmem>>) target_semaphore(%run_scoped3A_791 : memref<!tpu.dma_semaphore, #tpu.memory_space<semaphore_mem>>)
        %dma_wait3A = tpu.memref_slice %arg2[%mul3A_394] : memref<2560xf32, #tpu.memory_space<hbm>> -> memref<160xf32, #tpu.memory_space<hbm>>
        %dma_wait3A_793 = tpu.memref_slice %arg2[%mul3A_394] : memref<2560xf32, #tpu.memory_space<hbm>> -> memref<160xf32, #tpu.memory_space<hbm>>
        tpu.wait_dma2 semaphore(%run_scoped3A_791 : memref<!tpu.dma_semaphore, #tpu.memory_space<semaphore_mem>>) src(%dma_wait3A_793 : memref<160xf32, #tpu.memory_space<hbm>>) dst(%arg4 : memref<160xf32, #tpu.memory_space<vmem>>)
        tpu.yield
      }) : () -> ()
      %add3A_395 = arith.constant 0 : i32
      %add3A_396 = vector.broadcast %add3A_395 : i32 to vector<16xi32>
      %add3A_397 = arith.addi %iota3A, %add3A_396 : vector<16xi32>
      %mul3A_398 = arith.constant 5 : i32
      %mul3A_399 = vector.broadcast %mul3A_398 : i32 to vector<16xi32>
      %mul3A_400 = arith.muli %add3A_397, %mul3A_399 : vector<16xi32>
      %gather3A_401 = tpu.vector_load_idx %arg4[%mul3A_400] : memref<160xf32, #tpu.memory_space<vmem>>[vector<16xi32>], vector<16xf32>,
      %add3A_402 = arith.constant 1 : i32
      %add3A_403 = vector.broadcast %add3A_402 : i32 to vector<16xi32>
      %add3A_404 = arith.addi %mul3A_400, %add3A_403 : vector<16xi32>
      %gather3A_405 = tpu.vector_load_idx %arg4[%add3A_404] : memref<160xf32, #tpu.memory_space<vmem>>[vector<16xi32>], vector<16xf32>,
      %add3A_406 = arith.constant 2 : i32
      %add3A_407 = vector.broadcast %add3A_406 : i32 to vector<16xi32>
      %add3A_408 = arith.addi %mul3A_400, %add3A_407 : vector<16xi32>
      %gather3A_409 = tpu.vector_load_idx %arg4[%add3A_408] : memref<160xf32, #tpu.memory_space<vmem>>[vector<16xi32>], vector<16xf32>,
      %add3A_410 = arith.constant 3 : i32
      %add3A_411 = vector.broadcast %add3A_410 : i32 to vector<16xi32>
      %add3A_412 = arith.addi %mul3A_400, %add3A_411 : vector<16xi32>
      %gather3A_413 = tpu.vector_load_idx %arg4[%add3A_412] : memref<160xf32, #tpu.memory_space<vmem>>[vector<16xi32>], vector<16xf32>,
      %add3A_414 = arith.constant 4 : i32
      %add3A_415 = vector.broadcast %add3A_414 : i32 to vector<16xi32>
      %add3A_416 = arith.addi %mul3A_400, %add3A_415 : vector<16xi32>
      %gather3A_417 = tpu.vector_load_idx %arg4[%add3A_416] : memref<160xf32, #tpu.memory_space<vmem>>[vector<16xi32>], vector<16xf32>,
      %mul3A_418 = arith.constant 1.300000e+01 : f32
      %mul3A_419 = vector.broadcast %mul3A_418 : f32 to vector<16xf32>
      %mul3A_420 = arith.mulf %gather3A_401, %mul3A_419 : vector<16xf32>
      %mul3A_421 = arith.constant 1.300000e+01 : f32
      %mul3A_422 = vector.broadcast %mul3A_421 : f32 to vector<16xf32>
      %mul3A_423 = arith.mulf %gather3A_405, %mul3A_422 : vector<16xf32>
      %mul3A_424 = arith.constant 1.300000e+01 : f32
      %mul3A_425 = vector.broadcast %mul3A_424 : f32 to vector<16xf32>
      %mul3A_426 = arith.mulf %gather3A_409, %mul3A_425 : vector<16xf32>
      %mul3A_427 = arith.constant 1.300000e+01 : f32
      %mul3A_428 = vector.broadcast %mul3A_427 : f32 to vector<16xf32>
      %mul3A_429 = arith.mulf %gather3A_413, %mul3A_428 : vector<16xf32>
      %convert_element_type3A_430 = arith.fptosi %gather3A_417 : vector<16xf32> to vector<16xi32>
      %min3A_431 = arith.constant 3.125000e-01 : f32
      %min3A_432 = vector.broadcast %min3A_431 : f32 to vector<16xf32>
      %min3A_433 = arith.minimumf %mul3A_426, %min3A_432 : vector<16xf32>
      %min3A_434 = arith.constant 4.062500e-01 : f32
      %min3A_435 = vector.broadcast %min3A_434 : f32 to vector<16xf32>
      %min3A_436 = arith.minimumf %mul3A_429, %min3A_435 : vector<16xf32>
      %mul3A_437 = arith.mulf %min3A_433, %min3A_436 : vector<16xf32>
      %mul3A_438 = arith.mulf %mul3A_426, %mul3A_429 : vector<16xf32>
      %add3A_439 = arith.constant 0.126953125 : f32
      %add3A_440 = vector.broadcast %add3A_439 : f32 to vector<16xf32>
      %add3A_441 = arith.addf %mul3A_438, %add3A_440 : vector<16xf32>
      %sub3A_442 = arith.subf %add3A_441, %mul3A_437 : vector<16xf32>
      %add3A_443 = arith.constant 9.99999997E-7 : f32
      %add3A_444 = vector.broadcast %add3A_443 : f32 to vector<16xf32>
      %add3A_445 = arith.addf %sub3A_442, %add3A_444 : vector<16xf32>
      %div3A_446 = arith.divf %mul3A_437, %add3A_445 : vector<16xf32>
      %broadcast_in_dim3A_447 = arith.constant 0 : i32
      %broadcast_in_dim3A_448 = vector.broadcast %broadcast_in_dim3A_447 : i32 to vector<16xi32>
      %min3A_449 = arith.constant 5.000000e-01 : f32
      %min3A_450 = vector.broadcast %min3A_449 : f32 to vector<16xf32>
      %min3A_451 = arith.minimumf %mul3A_426, %min3A_450 : vector<16xf32>
      %min3A_452 = arith.constant 9.375000e-01 : f32
      %min3A_453 = vector.broadcast %min3A_452 : f32 to vector<16xf32>
      %min3A_454 = arith.minimumf %mul3A_429, %min3A_453 : vector<16xf32>
      %mul3A_455 = arith.mulf %min3A_451, %min3A_454 : vector<16xf32>
      %mul3A_456 = arith.mulf %mul3A_426, %mul3A_429 : vector<16xf32>
      %add3A_457 = arith.constant 4.687500e-01 : f32
      %add3A_458 = vector.broadcast %add3A_457 : f32 to vector<16xf32>
      %add3A_459 = arith.addf %mul3A_456, %add3A_458 : vector<16xf32>
      %sub3A_460 = arith.subf %add3A_459, %mul3A_455 : vector<16xf32>
      %add3A_461 = arith.constant 9.99999997E-7 : f32
      %add3A_462 = vector.broadcast %add3A_461 : f32 to vector<16xf32>
      %add3A_463 = arith.addf %sub3A_460, %add3A_462 : vector<16xf32>
      %div3A_464 = arith.divf %mul3A_455, %add3A_463 : vector<16xf32>
      %gt3A_465 = arith.cmpf ogt, %div3A_464, %div3A_446 : vector<16xf32>
      %select_n3A_466 = arith.select %gt3A_465, %div3A_464, %div3A_446 : vector<16xi1>, vector<16xf32>
      %jit3A_467 = arith.constant 1 : i32
      %broadcast_in_dim3A_468 = vector.broadcast %jit3A_467 : i32 to vector<16xi32>
      %select_n3A_469 = arith.select %gt3A_465, %broadcast_in_dim3A_468, %broadcast_in_dim3A_448 : vector<16xi1>, vector<16xi32>
      %min3A_470 = arith.constant 1.031250e+00 : f32
      %min3A_471 = vector.broadcast %min3A_470 : f32 to vector<16xf32>
      %min3A_472 = arith.minimumf %mul3A_426, %min3A_471 : vector<16xf32>
      %min3A_473 = arith.constant 7.187500e-01 : f32
      %min3A_474 = vector.broadcast %min3A_473 : f32 to vector<16xf32>
      %min3A_475 = arith.minimumf %mul3A_429, %min3A_474 : vector<16xf32>
      %mul3A_476 = arith.mulf %min3A_472, %min3A_475 : vector<16xf32>
      %mul3A_477 = arith.mulf %mul3A_426, %mul3A_429 : vector<16xf32>
      %add3A_478 = arith.constant 0.741210938 : f32
      %add3A_479 = vector.broadcast %add3A_478 : f32 to vector<16xf32>
      %add3A_480 = arith.addf %mul3A_477, %add3A_479 : vector<16xf32>
      %sub3A_481 = arith.subf %add3A_480, %mul3A_476 : vector<16xf32>
      %add3A_482 = arith.constant 9.99999997E-7 : f32
      %add3A_483 = vector.broadcast %add3A_482 : f32 to vector<16xf32>
      %add3A_484 = arith.addf %sub3A_481, %add3A_483 : vector<16xf32>
      %div3A_485 = arith.divf %mul3A_476, %add3A_484 : vector<16xf32>
      %gt3A_486 = arith.cmpf ogt, %div3A_485, %select_n3A_466 : vector<16xf32>
      %select_n3A_487 = arith.select %gt3A_486, %div3A_485, %select_n3A_466 : vector<16xi1>, vector<16xf32>
      %jit3A_488 = arith.constant 2 : i32
      %broadcast_in_dim3A_489 = vector.broadcast %jit3A_488 : i32 to vector<16xi32>
      %select_n3A_490 = arith.select %gt3A_486, %broadcast_in_dim3A_489, %select_n3A_469 : vector<16xi1>, vector<16xi32>
      %convert_element_type3A_491 = arith.fptosi %mul3A_420 : vector<16xf32> to vector<16xi32>
      %min3A_492 = arith.constant 12 : i32
      %min3A_493 = vector.broadcast %min3A_492 : i32 to vector<16xi32>
      %min3A_494 = arith.minsi %convert_element_type3A_491, %min3A_493 : vector<16xi32>
      %convert_element_type3A_495 = arith.fptosi %mul3A_423 : vector<16xf32> to vector<16xi32>
      %min3A_496 = arith.constant 12 : i32
      %min3A_497 = vector.broadcast %min3A_496 : i32 to vector<16xi32>
      %min3A_498 = arith.minsi %convert_element_type3A_495, %min3A_497 : vector<16xi32>
      %mul3A_499 = arith.constant 13 : i32
      %mul3A_500 = arith.muli %add3A, %mul3A_499 : i32
      %add3A_501 = vector.broadcast %mul3A_500 : i32 to vector<16xi32>
      %add3A_502 = arith.addi %add3A_501, %min3A_498 : vector<16xi32>
      %mul3A_503 = arith.constant 13 : i32
      %mul3A_504 = vector.broadcast %mul3A_503 : i32 to vector<16xi32>
      %mul3A_505 = arith.muli %add3A_502, %mul3A_504 : vector<16xi32>
      %add3A_506 = arith.addi %mul3A_505, %min3A_494 : vector<16xi32>
      %mul3A_507 = arith.constant 3 : i32
      %mul3A_508 = vector.broadcast %mul3A_507 : i32 to vector<16xi32>
      %mul3A_509 = arith.muli %add3A_506, %mul3A_508 : vector<16xi32>
      %add3A_510 = arith.addi %mul3A_509, %select_n3A_490 : vector<16xi32>
      %mul3A_511 = arith.constant 80 : i32
      %mul3A_512 = vector.broadcast %mul3A_511 : i32 to vector<16xi32>
      %mul3A_513 = arith.muli %add3A_510, %mul3A_512 : vector<16xi32>
      %add3A_514 = arith.addi %mul3A_513, %convert_element_type3A_430 : vector<16xi32>
      %swap3A_515 = arith.constant 0 : index
      %swap3A_516 = tpu.vector_load %arg5[%swap3A_515] {strides = array<i32>} : memref<32xi32, #tpu.memory_space<vmem>>, vector<16xi32>,
      tpu.vector_store %arg5[%swap3A_515], %add3A_510 {strides = array<i32>} : memref<32xi32, #tpu.memory_space<vmem>>, vector<16xi32>,
      %swap3A_517 = arith.constant 0 : index
      %swap3A_518 = tpu.vector_load %arg6[%swap3A_517] {strides = array<i32>} : memref<32xi32, #tpu.memory_space<vmem>>, vector<16xi32>,
      tpu.vector_store %arg6[%swap3A_517], %add3A_514 {strides = array<i32>} : memref<32xi32, #tpu.memory_space<vmem>>, vector<16xi32>,
      %eq3A_519 = arith.constant 0 : i32
      %eq3A_520 = vector.broadcast %eq3A_519 : i32 to vector<16xi32>
      %eq3A_521 = arith.cmpi eq, %select_n3A_490, %eq3A_520 : vector<16xi32>
      %eq3A_522 = arith.constant 1 : i32
      %eq3A_523 = vector.broadcast %eq3A_522 : i32 to vector<16xi32>
      %eq3A_524 = arith.cmpi eq, %select_n3A_490, %eq3A_523 : vector<16xi32>
      %jit3A_525 = arith.constant 5.000000e-01 : f32
      %jit3A_526 = arith.constant 1.031250e+00 : f32
      %broadcast_in_dim3A_527 = vector.broadcast %jit3A_525 : f32 to vector<16xf32>
      %broadcast_in_dim3A_528 = vector.broadcast %jit3A_526 : f32 to vector<16xf32>
      %select_n3A_529 = arith.select %eq3A_524, %broadcast_in_dim3A_527, %broadcast_in_dim3A_528 : vector<16xi1>, vector<16xf32>
      %jit3A_530 = arith.constant 3.125000e-01 : f32
      %broadcast_in_dim3A_531 = vector.broadcast %jit3A_530 : f32 to vector<16xf32>
      %select_n3A_532 = arith.select %eq3A_521, %broadcast_in_dim3A_531, %select_n3A_529 : vector<16xi1>, vector<16xf32>
      %eq3A_533 = arith.constant 0 : i32
      %eq3A_534 = vector.broadcast %eq3A_533 : i32 to vector<16xi32>
      %eq3A_535 = arith.cmpi eq, %select_n3A_490, %eq3A_534 : vector<16xi32>
      %eq3A_536 = arith.constant 1 : i32
      %eq3A_537 = vector.broadcast %eq3A_536 : i32 to vector<16xi32>
      %eq3A_538 = arith.cmpi eq, %select_n3A_490, %eq3A_537 : vector<16xi32>
      %jit3A_539 = arith.constant 9.375000e-01 : f32
      %jit3A_540 = arith.constant 7.187500e-01 : f32
      %broadcast_in_dim3A_541 = vector.broadcast %jit3A_539 : f32 to vector<16xf32>
      %broadcast_in_dim3A_542 = vector.broadcast %jit3A_540 : f32 to vector<16xf32>
      %select_n3A_543 = arith.select %eq3A_538, %broadcast_in_dim3A_541, %broadcast_in_dim3A_542 : vector<16xi1>, vector<16xf32>
      %jit3A_544 = arith.constant 4.062500e-01 : f32
      %broadcast_in_dim3A_545 = vector.broadcast %jit3A_544 : f32 to vector<16xf32>
      %select_n3A_546 = arith.select %eq3A_535, %broadcast_in_dim3A_545, %select_n3A_543 : vector<16xi1>, vector<16xf32>
      %swap3A_547 = arith.constant 64 : index
      %swap3A_548 = tpu.vector_load %arg7[%swap3A_547] {strides = array<i32>} : memref<256xf32, #tpu.memory_space<vmem>>, vector<16xf32>,
      tpu.vector_store %arg7[%swap3A_547], %select_n3A_532 {strides = array<i32>} : memref<256xf32, #tpu.memory_space<vmem>>, vector<16xf32>,
      %swap3A_549 = arith.constant 96 : index
      %swap3A_550 = tpu.vector_load %arg7[%swap3A_549] {strides = array<i32>} : memref<256xf32, #tpu.memory_space<vmem>>, vector<16xf32>,
      tpu.vector_store %arg7[%swap3A_549], %select_n3A_546 {strides = array<i32>} : memref<256xf32, #tpu.memory_space<vmem>>, vector<16xf32>,
      %convert_element_type3A_551 = arith.sitofp %min3A_494 : vector<16xi32> to vector<16xf32>
      %swap3A_552 = arith.constant 128 : index
      %swap3A_553 = tpu.vector_load %arg7[%swap3A_552] {strides = array<i32>} : memref<256xf32, #tpu.memory_space<vmem>>, vector<16xf32>,
      tpu.vector_store %arg7[%swap3A_552], %convert_element_type3A_551 {strides = array<i32>} : memref<256xf32, #tpu.memory_space<vmem>>, vector<16xf32>,
      %convert_element_type3A_554 = arith.sitofp %min3A_498 : vector<16xi32> to vector<16xf32>
      %swap3A_555 = arith.constant 160 : index
      %swap3A_556 = tpu.vector_load %arg7[%swap3A_555] {strides = array<i32>} : memref<256xf32, #tpu.memory_space<vmem>>, vector<16xf32>,
      tpu.vector_store %arg7[%swap3A_555], %convert_element_type3A_554 {strides = array<i32>} : memref<256xf32, #tpu.memory_space<vmem>>, vector<16xf32>,
      %convert_element_type3A_557 = arith.sitofp %select_n3A_490 : vector<16xi32> to vector<16xf32>
      %swap3A_558 = arith.constant 192 : index
      %swap3A_559 = tpu.vector_load %arg7[%swap3A_558] {strides = array<i32>} : memref<256xf32, #tpu.memory_space<vmem>>, vector<16xf32>,
      tpu.vector_store %arg7[%swap3A_558], %convert_element_type3A_557 {strides = array<i32>} : memref<256xf32, #tpu.memory_space<vmem>>, vector<16xf32>,
      %mul3A_560 = arith.constant 13 : i32
      %mul3A_561 = vector.broadcast %mul3A_560 : i32 to vector<16xi32>
      %mul3A_562 = arith.muli %min3A_498, %mul3A_561 : vector<16xi32>
      %add3A_563 = arith.addi %mul3A_562, %min3A_494 : vector<16xi32>
      %convert_element_type3A_564 = arith.sitofp %add3A_563 : vector<16xi32> to vector<16xf32>
      %swap3A_565 = arith.constant 224 : index
      %swap3A_566 = tpu.vector_load %arg7[%swap3A_565] {strides = array<i32>} : memref<256xf32, #tpu.memory_space<vmem>>, vector<16xf32>,
      tpu.vector_store %arg7[%swap3A_565], %convert_element_type3A_564 {strides = array<i32>} : memref<256xf32, #tpu.memory_space<vmem>>, vector<16xf32>,
      %add3A_567 = arith.constant 16 : i32
      %add3A_568 = vector.broadcast %add3A_567 : i32 to vector<16xi32>
      %add3A_569 = arith.addi %iota3A, %add3A_568 : vector<16xi32>
      %mul3A_570 = arith.constant 5 : i32
      %mul3A_571 = vector.broadcast %mul3A_570 : i32 to vector<16xi32>
      %mul3A_572 = arith.muli %add3A_569, %mul3A_571 : vector<16xi32>
      %gather3A_573 = tpu.vector_load_idx %arg4[%mul3A_572] : memref<160xf32, #tpu.memory_space<vmem>>[vector<16xi32>], vector<16xf32>,
      %add3A_574 = arith.constant 1 : i32
      %add3A_575 = vector.broadcast %add3A_574 : i32 to vector<16xi32>
      %add3A_576 = arith.addi %mul3A_572, %add3A_575 : vector<16xi32>
      %gather3A_577 = tpu.vector_load_idx %arg4[%add3A_576] : memref<160xf32, #tpu.memory_space<vmem>>[vector<16xi32>], vector<16xf32>,
      %add3A_578 = arith.constant 2 : i32
      %add3A_579 = vector.broadcast %add3A_578 : i32 to vector<16xi32>
      %add3A_580 = arith.addi %mul3A_572, %add3A_579 : vector<16xi32>
      %gather3A_581 = tpu.vector_load_idx %arg4[%add3A_580] : memref<160xf32, #tpu.memory_space<vmem>>[vector<16xi32>], vector<16xf32>,
      %add3A_582 = arith.constant 3 : i32
      %add3A_583 = vector.broadcast %add3A_582 : i32 to vector<16xi32>
      %add3A_584 = arith.addi %mul3A_572, %add3A_583 : vector<16xi32>
      %gather3A_585 = tpu.vector_load_idx %arg4[%add3A_584] : memref<160xf32, #tpu.memory_space<vmem>>[vector<16xi32>], vector<16xf32>,
      %add3A_586 = arith.constant 4 : i32
      %add3A_587 = vector.broadcast %add3A_586 : i32 to vector<16xi32>
      %add3A_588 = arith.addi %mul3A_572, %add3A_587 : vector<16xi32>
      %gather3A_589 = tpu.vector_load_idx %arg4[%add3A_588] : memref<160xf32, #tpu.memory_space<vmem>>[vector<16xi32>], vector<16xf32>,
      %mul3A_590 = arith.constant 1.300000e+01 : f32
      %mul3A_591 = vector.broadcast %mul3A_590 : f32 to vector<16xf32>
      %mul3A_592 = arith.mulf %gather3A_573, %mul3A_591 : vector<16xf32>
      %mul3A_593 = arith.constant 1.300000e+01 : f32
      %mul3A_594 = vector.broadcast %mul3A_593 : f32 to vector<16xf32>
      %mul3A_595 = arith.mulf %gather3A_577, %mul3A_594 : vector<16xf32>
      %mul3A_596 = arith.constant 1.300000e+01 : f32
      %mul3A_597 = vector.broadcast %mul3A_596 : f32 to vector<16xf32>
      %mul3A_598 = arith.mulf %gather3A_581, %mul3A_597 : vector<16xf32>
      %mul3A_599 = arith.constant 1.300000e+01 : f32
      %mul3A_600 = vector.broadcast %mul3A_599 : f32 to vector<16xf32>
      %mul3A_601 = arith.mulf %gather3A_585, %mul3A_600 : vector<16xf32>
      %convert_element_type3A_602 = arith.fptosi %gather3A_589 : vector<16xf32> to vector<16xi32>
      %min3A_603 = arith.constant 3.125000e-01 : f32
      %min3A_604 = vector.broadcast %min3A_603 : f32 to vector<16xf32>
      %min3A_605 = arith.minimumf %mul3A_598, %min3A_604 : vector<16xf32>
      %min3A_606 = arith.constant 4.062500e-01 : f32
      %min3A_607 = vector.broadcast %min3A_606 : f32 to vector<16xf32>
      %min3A_608 = arith.minimumf %mul3A_601, %min3A_607 : vector<16xf32>
      %mul3A_609 = arith.mulf %min3A_605, %min3A_608 : vector<16xf32>
      %mul3A_610 = arith.mulf %mul3A_598, %mul3A_601 : vector<16xf32>
      %add3A_611 = arith.constant 0.126953125 : f32
      %add3A_612 = vector.broadcast %add3A_611 : f32 to vector<16xf32>
      %add3A_613 = arith.addf %mul3A_610, %add3A_612 : vector<16xf32>
      %sub3A_614 = arith.subf %add3A_613, %mul3A_609 : vector<16xf32>
      %add3A_615 = arith.constant 9.99999997E-7 : f32
      %add3A_616 = vector.broadcast %add3A_615 : f32 to vector<16xf32>
      %add3A_617 = arith.addf %sub3A_614, %add3A_616 : vector<16xf32>
      %div3A_618 = arith.divf %mul3A_609, %add3A_617 : vector<16xf32>
      %broadcast_in_dim3A_619 = arith.constant 0 : i32
      %broadcast_in_dim3A_620 = vector.broadcast %broadcast_in_dim3A_619 : i32 to vector<16xi32>
      %min3A_621 = arith.constant 5.000000e-01 : f32
      %min3A_622 = vector.broadcast %min3A_621 : f32 to vector<16xf32>
      %min3A_623 = arith.minimumf %mul3A_598, %min3A_622 : vector<16xf32>
      %min3A_624 = arith.constant 9.375000e-01 : f32
      %min3A_625 = vector.broadcast %min3A_624 : f32 to vector<16xf32>
      %min3A_626 = arith.minimumf %mul3A_601, %min3A_625 : vector<16xf32>
      %mul3A_627 = arith.mulf %min3A_623, %min3A_626 : vector<16xf32>
      %mul3A_628 = arith.mulf %mul3A_598, %mul3A_601 : vector<16xf32>
      %add3A_629 = arith.constant 4.687500e-01 : f32
      %add3A_630 = vector.broadcast %add3A_629 : f32 to vector<16xf32>
      %add3A_631 = arith.addf %mul3A_628, %add3A_630 : vector<16xf32>
      %sub3A_632 = arith.subf %add3A_631, %mul3A_627 : vector<16xf32>
      %add3A_633 = arith.constant 9.99999997E-7 : f32
      %add3A_634 = vector.broadcast %add3A_633 : f32 to vector<16xf32>
      %add3A_635 = arith.addf %sub3A_632, %add3A_634 : vector<16xf32>
      %div3A_636 = arith.divf %mul3A_627, %add3A_635 : vector<16xf32>
      %gt3A_637 = arith.cmpf ogt, %div3A_636, %div3A_618 : vector<16xf32>
      %select_n3A_638 = arith.select %gt3A_637, %div3A_636, %div3A_618 : vector<16xi1>, vector<16xf32>
      %jit3A_639 = arith.constant 1 : i32
      %broadcast_in_dim3A_640 = vector.broadcast %jit3A_639 : i32 to vector<16xi32>
      %select_n3A_641 = arith.select %gt3A_637, %broadcast_in_dim3A_640, %broadcast_in_dim3A_620 : vector<16xi1>, vector<16xi32>
      %min3A_642 = arith.constant 1.031250e+00 : f32
      %min3A_643 = vector.broadcast %min3A_642 : f32 to vector<16xf32>
      %min3A_644 = arith.minimumf %mul3A_598, %min3A_643 : vector<16xf32>
      %min3A_645 = arith.constant 7.187500e-01 : f32
      %min3A_646 = vector.broadcast %min3A_645 : f32 to vector<16xf32>
      %min3A_647 = arith.minimumf %mul3A_601, %min3A_646 : vector<16xf32>
      %mul3A_648 = arith.mulf %min3A_644, %min3A_647 : vector<16xf32>
      %mul3A_649 = arith.mulf %mul3A_598, %mul3A_601 : vector<16xf32>
      %add3A_650 = arith.constant 0.741210938 : f32
      %add3A_651 = vector.broadcast %add3A_650 : f32 to vector<16xf32>
      %add3A_652 = arith.addf %mul3A_649, %add3A_651 : vector<16xf32>
      %sub3A_653 = arith.subf %add3A_652, %mul3A_648 : vector<16xf32>
      %add3A_654 = arith.constant 9.99999997E-7 : f32
      %add3A_655 = vector.broadcast %add3A_654 : f32 to vector<16xf32>
      %add3A_656 = arith.addf %sub3A_653, %add3A_655 : vector<16xf32>
      %div3A_657 = arith.divf %mul3A_648, %add3A_656 : vector<16xf32>
      %gt3A_658 = arith.cmpf ogt, %div3A_657, %select_n3A_638 : vector<16xf32>
      %select_n3A_659 = arith.select %gt3A_658, %div3A_657, %select_n3A_638 : vector<16xi1>, vector<16xf32>
      %jit3A_660 = arith.constant 2 : i32
      %broadcast_in_dim3A_661 = vector.broadcast %jit3A_660 : i32 to vector<16xi32>
      %select_n3A_662 = arith.select %gt3A_658, %broadcast_in_dim3A_661, %select_n3A_641 : vector<16xi1>, vector<16xi32>
      %convert_element_type3A_663 = arith.fptosi %mul3A_592 : vector<16xf32> to vector<16xi32>
      %min3A_664 = arith.constant 12 : i32
      %min3A_665 = vector.broadcast %min3A_664 : i32 to vector<16xi32>
      %min3A_666 = arith.minsi %convert_element_type3A_663, %min3A_665 : vector<16xi32>
      %convert_element_type3A_667 = arith.fptosi %mul3A_595 : vector<16xf32> to vector<16xi32>
      %min3A_668 = arith.constant 12 : i32
      %min3A_669 = vector.broadcast %min3A_668 : i32 to vector<16xi32>
      %min3A_670 = arith.minsi %convert_element_type3A_667, %min3A_669 : vector<16xi32>
      %mul3A_671 = arith.constant 13 : i32
      %mul3A_672 = arith.muli %add3A, %mul3A_671 : i32
      %add3A_673 = vector.broadcast %mul3A_672 : i32 to vector<16xi32>
      %add3A_674 = arith.addi %add3A_673, %min3A_670 : vector<16xi32>
      %mul3A_675 = arith.constant 13 : i32
      %mul3A_676 = vector.broadcast %mul3A_675 : i32 to vector<16xi32>
      %mul3A_677 = arith.muli %add3A_674, %mul3A_676 : vector<16xi32>
      %add3A_678 = arith.addi %mul3A_677, %min3A_666 : vector<16xi32>
      %mul3A_679 = arith.constant 3 : i32
      %mul3A_680 = vector.broadcast %mul3A_679 : i32 to vector<16xi32>
      %mul3A_681 = arith.muli %add3A_678, %mul3A_680 : vector<16xi32>
      %add3A_682 = arith.addi %mul3A_681, %select_n3A_662 : vector<16xi32>
      %mul3A_683 = arith.constant 80 : i32
      %mul3A_684 = vector.broadcast %mul3A_683 : i32 to vector<16xi32>
      %mul3A_685 = arith.muli %add3A_682, %mul3A_684 : vector<16xi32>
      %add3A_686 = arith.addi %mul3A_685, %convert_element_type3A_602 : vector<16xi32>
      %swap3A_687 = arith.constant 16 : index
      %swap3A_688 = tpu.vector_load %arg5[%swap3A_687] {strides = array<i32>} : memref<32xi32, #tpu.memory_space<vmem>>, vector<16xi32>,
      tpu.vector_store %arg5[%swap3A_687], %add3A_682 {strides = array<i32>} : memref<32xi32, #tpu.memory_space<vmem>>, vector<16xi32>,
      %swap3A_689 = arith.constant 16 : index
      %swap3A_690 = tpu.vector_load %arg6[%swap3A_689] {strides = array<i32>} : memref<32xi32, #tpu.memory_space<vmem>>, vector<16xi32>,
      tpu.vector_store %arg6[%swap3A_689], %add3A_686 {strides = array<i32>} : memref<32xi32, #tpu.memory_space<vmem>>, vector<16xi32>,
      %eq3A_691 = arith.constant 0 : i32
      %eq3A_692 = vector.broadcast %eq3A_691 : i32 to vector<16xi32>
      %eq3A_693 = arith.cmpi eq, %select_n3A_662, %eq3A_692 : vector<16xi32>
      %eq3A_694 = arith.constant 1 : i32
      %eq3A_695 = vector.broadcast %eq3A_694 : i32 to vector<16xi32>
      %eq3A_696 = arith.cmpi eq, %select_n3A_662, %eq3A_695 : vector<16xi32>
      %jit3A_697 = arith.constant 5.000000e-01 : f32
      %jit3A_698 = arith.constant 1.031250e+00 : f32
      %broadcast_in_dim3A_699 = vector.broadcast %jit3A_697 : f32 to vector<16xf32>
      %broadcast_in_dim3A_700 = vector.broadcast %jit3A_698 : f32 to vector<16xf32>
      %select_n3A_701 = arith.select %eq3A_696, %broadcast_in_dim3A_699, %broadcast_in_dim3A_700 : vector<16xi1>, vector<16xf32>
      %jit3A_702 = arith.constant 3.125000e-01 : f32
      %broadcast_in_dim3A_703 = vector.broadcast %jit3A_702 : f32 to vector<16xf32>
      %select_n3A_704 = arith.select %eq3A_693, %broadcast_in_dim3A_703, %select_n3A_701 : vector<16xi1>, vector<16xf32>
      %eq3A_705 = arith.constant 0 : i32
      %eq3A_706 = vector.broadcast %eq3A_705 : i32 to vector<16xi32>
      %eq3A_707 = arith.cmpi eq, %select_n3A_662, %eq3A_706 : vector<16xi32>
      %eq3A_708 = arith.constant 1 : i32
      %eq3A_709 = vector.broadcast %eq3A_708 : i32 to vector<16xi32>
      %eq3A_710 = arith.cmpi eq, %select_n3A_662, %eq3A_709 : vector<16xi32>
      %jit3A_711 = arith.constant 9.375000e-01 : f32
      %jit3A_712 = arith.constant 7.187500e-01 : f32
      %broadcast_in_dim3A_713 = vector.broadcast %jit3A_711 : f32 to vector<16xf32>
      %broadcast_in_dim3A_714 = vector.broadcast %jit3A_712 : f32 to vector<16xf32>
      %select_n3A_715 = arith.select %eq3A_710, %broadcast_in_dim3A_713, %broadcast_in_dim3A_714 : vector<16xi1>, vector<16xf32>
      %jit3A_716 = arith.constant 4.062500e-01 : f32
      %broadcast_in_dim3A_717 = vector.broadcast %jit3A_716 : f32 to vector<16xf32>
      %select_n3A_718 = arith.select %eq3A_707, %broadcast_in_dim3A_717, %select_n3A_715 : vector<16xi1>, vector<16xf32>
      %swap3A_719 = arith.constant 80 : index
      %swap3A_720 = tpu.vector_load %arg7[%swap3A_719] {strides = array<i32>} : memref<256xf32, #tpu.memory_space<vmem>>, vector<16xf32>,
      tpu.vector_store %arg7[%swap3A_719], %select_n3A_704 {strides = array<i32>} : memref<256xf32, #tpu.memory_space<vmem>>, vector<16xf32>,
      %swap3A_721 = arith.constant 112 : index
      %swap3A_722 = tpu.vector_load %arg7[%swap3A_721] {strides = array<i32>} : memref<256xf32, #tpu.memory_space<vmem>>, vector<16xf32>,
      tpu.vector_store %arg7[%swap3A_721], %select_n3A_718 {strides = array<i32>} : memref<256xf32, #tpu.memory_space<vmem>>, vector<16xf32>,
      %convert_element_type3A_723 = arith.sitofp %min3A_666 : vector<16xi32> to vector<16xf32>
      %swap3A_724 = arith.constant 144 : index
      %swap3A_725 = tpu.vector_load %arg7[%swap3A_724] {strides = array<i32>} : memref<256xf32, #tpu.memory_space<vmem>>, vector<16xf32>,
      tpu.vector_store %arg7[%swap3A_724], %convert_element_type3A_723 {strides = array<i32>} : memref<256xf32, #tpu.memory_space<vmem>>, vector<16xf32>,
      %convert_element_type3A_726 = arith.sitofp %min3A_670 : vector<16xi32> to vector<16xf32>
      %swap3A_727 = arith.constant 176 : index
      %swap3A_728 = tpu.vector_load %arg7[%swap3A_727] {strides = array<i32>} : memref<256xf32, #tpu.memory_space<vmem>>, vector<16xf32>,
      tpu.vector_store %arg7[%swap3A_727], %convert_element_type3A_726 {strides = array<i32>} : memref<256xf32, #tpu.memory_space<vmem>>, vector<16xf32>,
      %convert_element_type3A_729 = arith.sitofp %select_n3A_662 : vector<16xi32> to vector<16xf32>
      %swap3A_730 = arith.constant 208 : index
      %swap3A_731 = tpu.vector_load %arg7[%swap3A_730] {strides = array<i32>} : memref<256xf32, #tpu.memory_space<vmem>>, vector<16xf32>,
      tpu.vector_store %arg7[%swap3A_730], %convert_element_type3A_729 {strides = array<i32>} : memref<256xf32, #tpu.memory_space<vmem>>, vector<16xf32>,
      %mul3A_732 = arith.constant 13 : i32
      %mul3A_733 = vector.broadcast %mul3A_732 : i32 to vector<16xi32>
      %mul3A_734 = arith.muli %min3A_670, %mul3A_733 : vector<16xi32>
      %add3A_735 = arith.addi %mul3A_734, %min3A_666 : vector<16xi32>
      %convert_element_type3A_736 = arith.sitofp %add3A_735 : vector<16xi32> to vector<16xf32>
      %swap3A_737 = arith.constant 240 : index
      %swap3A_738 = tpu.vector_load %arg7[%swap3A_737] {strides = array<i32>} : memref<256xf32, #tpu.memory_space<vmem>>, vector<16xf32>,
      tpu.vector_store %arg7[%swap3A_737], %convert_element_type3A_736 {strides = array<i32>} : memref<256xf32, #tpu.memory_space<vmem>>, vector<16xf32>,
      %add3A_739 = arith.constant 16 : i32
      %add3A_740 = vector.broadcast %add3A_739 : i32 to vector<16xi32>
      %add3A_741 = arith.addi %iota3A, %add3A_740 : vector<16xi32>
      %broadcast_in_dim3A_742 = arith.constant 0 : i32
      %broadcast_in_dim3A_743 = vector.broadcast %broadcast_in_dim3A_742 : i32 to vector<16xi32>
      %scan3A_744 = arith.constant 1 : i32
      %scan3A_745 = arith.constant 31 : i32
      %scan3A_746 = arith.addi %scan3A_744, %scan3A_745 : i32
      %scan3A_747 = arith.constant 1 : i32
      %scan3A_748:4 = scf.for %scan3A_791 = %scan3A_744 to %scan3A_746 step %scan3A_747 iter_args(%scan3A_792 = %broadcast_in_dim3A_743, %scan3A_793 = %broadcast_in_dim3A_743, %scan3A_794 = %broadcast_in_dim3A_743, %scan3A_795 = %broadcast_in_dim3A_743) -> (vector<16xi32>, vector<16xi32>, vector<16xi32>, vector<16xi32>)  : i32 {
        %add3A_796 = vector.broadcast %scan3A_791 : i32 to vector<16xi32>
        %add3A_797 = arith.addi %iota3A, %add3A_796 : vector<16xi32>
        %min3A_798 = arith.constant 31 : i32
        %min3A_799 = vector.broadcast %min3A_798 : i32 to vector<16xi32>
        %min3A_800 = arith.minsi %add3A_797, %min3A_799 : vector<16xi32>
        %add3A_801 = vector.broadcast %scan3A_791 : i32 to vector<16xi32>
        %add3A_802 = arith.addi %iota3A, %add3A_801 : vector<16xi32>
        %le3A = arith.constant 31 : i32
        %le3A_803 = vector.broadcast %le3A : i32 to vector<16xi32>
        %le3A_804 = arith.cmpi sle, %add3A_802, %le3A_803 : vector<16xi32>
        %add3A_805 = vector.broadcast %scan3A_791 : i32 to vector<16xi32>
        %add3A_806 = arith.addi %add3A_741, %add3A_805 : vector<16xi32>
        %min3A_807 = arith.constant 31 : i32
        %min3A_808 = vector.broadcast %min3A_807 : i32 to vector<16xi32>
        %min3A_809 = arith.minsi %add3A_806, %min3A_808 : vector<16xi32>
        %add3A_810 = vector.broadcast %scan3A_791 : i32 to vector<16xi32>
        %add3A_811 = arith.addi %add3A_741, %add3A_810 : vector<16xi32>
        %le3A_812 = arith.constant 31 : i32
        %le3A_813 = vector.broadcast %le3A_812 : i32 to vector<16xi32>
        %le3A_814 = arith.cmpi sle, %add3A_811, %le3A_813 : vector<16xi32>
        %gather3A_815 = tpu.vector_load_idx %arg5[%min3A_800] : memref<32xi32, #tpu.memory_space<vmem>>[vector<16xi32>], vector<16xi32>,
        %gather3A_816 = tpu.vector_load_idx %arg5[%min3A_809] : memref<32xi32, #tpu.memory_space<vmem>>[vector<16xi32>], vector<16xi32>,
        %gather3A_817 = tpu.vector_load_idx %arg6[%min3A_800] : memref<32xi32, #tpu.memory_space<vmem>>[vector<16xi32>], vector<16xi32>,
        %gather3A_818 = tpu.vector_load_idx %arg6[%min3A_809] : memref<32xi32, #tpu.memory_space<vmem>>[vector<16xi32>], vector<16xi32>,
        %eq3A_819 = arith.cmpi eq, %gather3A_815, %add3A_510 : vector<16xi32>
        %and3A = arith.andi %eq3A_819, %le3A_804 : vector<16xi1>
        %jit3A_820 = arith.constant 1 : i32
        %broadcast_in_dim3A_821 = vector.broadcast %jit3A_820 : i32 to vector<16xi32>
        %select_n3A_822 = arith.select %and3A, %broadcast_in_dim3A_821, %broadcast_in_dim3A_743 : vector<16xi1>, vector<16xi32>
        %or3A = arith.ori %scan3A_792, %select_n3A_822 : vector<16xi32>
        %eq3A_823 = arith.cmpi eq, %gather3A_816, %add3A_682 : vector<16xi32>
        %and3A_824 = arith.andi %eq3A_823, %le3A_814 : vector<16xi1>
        %jit3A_825 = arith.constant 1 : i32
        %broadcast_in_dim3A_826 = vector.broadcast %jit3A_825 : i32 to vector<16xi32>
        %select_n3A_827 = arith.select %and3A_824, %broadcast_in_dim3A_826, %broadcast_in_dim3A_743 : vector<16xi1>, vector<16xi32>
        %or3A_828 = arith.ori %scan3A_793, %select_n3A_827 : vector<16xi32>
        %eq3A_829 = arith.cmpi eq, %gather3A_817, %add3A_514 : vector<16xi32>
        %and3A_830 = arith.andi %eq3A_829, %le3A_804 : vector<16xi1>
        %jit3A_831 = arith.constant 1 : i32
        %broadcast_in_dim3A_832 = vector.broadcast %jit3A_831 : i32 to vector<16xi32>
        %select_n3A_833 = arith.select %and3A_830, %broadcast_in_dim3A_832, %broadcast_in_dim3A_743 : vector<16xi1>, vector<16xi32>
        %or3A_834 = arith.ori %scan3A_794, %select_n3A_833 : vector<16xi32>
        %eq3A_835 = arith.cmpi eq, %gather3A_818, %add3A_686 : vector<16xi32>
        %and3A_836 = arith.andi %eq3A_835, %le3A_814 : vector<16xi1>
        %jit3A_837 = arith.constant 1 : i32
        %broadcast_in_dim3A_838 = vector.broadcast %jit3A_837 : i32 to vector<16xi32>
        %select_n3A_839 = arith.select %and3A_836, %broadcast_in_dim3A_838, %broadcast_in_dim3A_743 : vector<16xi1>, vector<16xi32>
        %or3A_840 = arith.ori %scan3A_795, %select_n3A_839 : vector<16xi32>
        scf.yield %or3A, %or3A_828, %or3A_834, %or3A_840 : vector<16xi32>, vector<16xi32>, vector<16xi32>, vector<16xi32>
      }
      %scan3A_749 = arith.constant 31 : i32
      %eq3A_750 = arith.constant 0 : i32
      %eq3A_751 = vector.broadcast %eq3A_750 : i32 to vector<16xi32>
      %eq3A_752 = arith.cmpi eq, %scan3A_748#0, %eq3A_751 : vector<16xi32>
      %jit3A_753 = arith.constant 1.000000e+00 : f32
      %jit3A_754 = arith.constant 0.000000e+00 : f32
      %broadcast_in_dim3A_755 = vector.broadcast %jit3A_753 : f32 to vector<16xf32>
      %broadcast_in_dim3A_756 = vector.broadcast %jit3A_754 : f32 to vector<16xf32>
      %select_n3A_757 = arith.select %eq3A_752, %broadcast_in_dim3A_755, %broadcast_in_dim3A_756 : vector<16xi1>, vector<16xf32>
      %swap3A_758 = arith.constant 0 : index
      %swap3A_759 = tpu.vector_load %arg7[%swap3A_758] {strides = array<i32>} : memref<256xf32, #tpu.memory_space<vmem>>, vector<16xf32>,
      tpu.vector_store %arg7[%swap3A_758], %select_n3A_757 {strides = array<i32>} : memref<256xf32, #tpu.memory_space<vmem>>, vector<16xf32>,
      %eq3A_760 = arith.constant 0 : i32
      %eq3A_761 = vector.broadcast %eq3A_760 : i32 to vector<16xi32>
      %eq3A_762 = arith.cmpi eq, %scan3A_748#1, %eq3A_761 : vector<16xi32>
      %jit3A_763 = arith.constant 1.000000e+00 : f32
      %jit3A_764 = arith.constant 0.000000e+00 : f32
      %broadcast_in_dim3A_765 = vector.broadcast %jit3A_763 : f32 to vector<16xf32>
      %broadcast_in_dim3A_766 = vector.broadcast %jit3A_764 : f32 to vector<16xf32>
      %select_n3A_767 = arith.select %eq3A_762, %broadcast_in_dim3A_765, %broadcast_in_dim3A_766 : vector<16xi1>, vector<16xf32>
      %swap3A_768 = arith.constant 16 : index
      %swap3A_769 = tpu.vector_load %arg7[%swap3A_768] {strides = array<i32>} : memref<256xf32, #tpu.memory_space<vmem>>, vector<16xf32>,
      tpu.vector_store %arg7[%swap3A_768], %select_n3A_767 {strides = array<i32>} : memref<256xf32, #tpu.memory_space<vmem>>, vector<16xf32>,
      %eq3A_770 = arith.constant 0 : i32
      %eq3A_771 = vector.broadcast %eq3A_770 : i32 to vector<16xi32>
      %eq3A_772 = arith.cmpi eq, %scan3A_748#2, %eq3A_771 : vector<16xi32>
      %jit3A_773 = arith.constant 1.000000e+00 : f32
      %jit3A_774 = arith.constant 0.000000e+00 : f32
      %broadcast_in_dim3A_775 = vector.broadcast %jit3A_773 : f32 to vector<16xf32>
      %broadcast_in_dim3A_776 = vector.broadcast %jit3A_774 : f32 to vector<16xf32>
      %select_n3A_777 = arith.select %eq3A_772, %broadcast_in_dim3A_775, %broadcast_in_dim3A_776 : vector<16xi1>, vector<16xf32>
      %swap3A_778 = arith.constant 32 : index
      %swap3A_779 = tpu.vector_load %arg7[%swap3A_778] {strides = array<i32>} : memref<256xf32, #tpu.memory_space<vmem>>, vector<16xf32>,
      tpu.vector_store %arg7[%swap3A_778], %select_n3A_777 {strides = array<i32>} : memref<256xf32, #tpu.memory_space<vmem>>, vector<16xf32>,
      %eq3A_780 = arith.constant 0 : i32
      %eq3A_781 = vector.broadcast %eq3A_780 : i32 to vector<16xi32>
      %eq3A_782 = arith.cmpi eq, %scan3A_748#3, %eq3A_781 : vector<16xi32>
      %jit3A_783 = arith.constant 1.000000e+00 : f32
      %jit3A_784 = arith.constant 0.000000e+00 : f32
      %broadcast_in_dim3A_785 = vector.broadcast %jit3A_783 : f32 to vector<16xf32>
      %broadcast_in_dim3A_786 = vector.broadcast %jit3A_784 : f32 to vector<16xf32>
      %select_n3A_787 = arith.select %eq3A_782, %broadcast_in_dim3A_785, %broadcast_in_dim3A_786 : vector<16xi1>, vector<16xf32>
      %swap3A_788 = arith.constant 48 : index
      %swap3A_789 = tpu.vector_load %arg7[%swap3A_788] {strides = array<i32>} : memref<256xf32, #tpu.memory_space<vmem>>, vector<16xf32>,
      tpu.vector_store %arg7[%swap3A_788], %select_n3A_787 {strides = array<i32>} : memref<256xf32, #tpu.memory_space<vmem>>, vector<16xf32>,
      %run_scoped3A_790 = arith.constant 2 : i32
      "tpu.region"() ({
        %run_scoped3A_791 = tpu.sem_alloc : memref<!tpu.dma_semaphore, #tpu.memory_space<semaphore_mem>>
        %dma_start3A = arith.constant 0 : i32
        %dma_start3A_792 = tpu.memref_slice %arg3[%run_scoped3A_790, %add3A, %dma_start3A] : memref<3x16x256xf32, #tpu.memory_space<hbm>> -> memref<1x1x256xf32, #tpu.memory_space<hbm>>
        %dma_start3A_793 = tpu.memref_squeeze %dma_start3A_792 : memref<1x1x256xf32, #tpu.memory_space<hbm>> -> memref<256xf32, #tpu.memory_space<hbm>>
        %dma_start3A_794 = arith.constant 0 : i32
        %dma_start3A_795 = tpu.memref_slice %arg3[%run_scoped3A_790, %add3A, %dma_start3A_794] : memref<3x16x256xf32, #tpu.memory_space<hbm>> -> memref<1x1x256xf32, #tpu.memory_space<hbm>>
        %dma_start3A_796 = tpu.memref_squeeze %dma_start3A_795 : memref<1x1x256xf32, #tpu.memory_space<hbm>> -> memref<256xf32, #tpu.memory_space<hbm>>
        tpu.enqueue_dma source(%arg7 : memref<256xf32, #tpu.memory_space<vmem>>) target(%dma_start3A_796 : memref<256xf32, #tpu.memory_space<hbm>>) target_semaphore(%run_scoped3A_791 : memref<!tpu.dma_semaphore, #tpu.memory_space<semaphore_mem>>)
        %dma_wait3A = arith.constant 0 : i32
        %dma_wait3A_797 = tpu.memref_slice %arg3[%run_scoped3A_790, %add3A, %dma_wait3A] : memref<3x16x256xf32, #tpu.memory_space<hbm>> -> memref<1x1x256xf32, #tpu.memory_space<hbm>>
        %dma_wait3A_798 = tpu.memref_squeeze %dma_wait3A_797 : memref<1x1x256xf32, #tpu.memory_space<hbm>> -> memref<256xf32, #tpu.memory_space<hbm>>
        %dma_wait3A_799 = arith.constant 0 : i32
        %dma_wait3A_800 = tpu.memref_slice %arg3[%run_scoped3A_790, %add3A, %dma_wait3A_799] : memref<3x16x256xf32, #tpu.memory_space<hbm>> -> memref<1x1x256xf32, #tpu.memory_space<hbm>>
        %dma_wait3A_801 = tpu.memref_squeeze %dma_wait3A_800 : memref<1x1x256xf32, #tpu.memory_space<hbm>> -> memref<256xf32, #tpu.memory_space<hbm>>
        tpu.wait_dma2 semaphore(%run_scoped3A_791 : memref<!tpu.dma_semaphore, #tpu.memory_space<semaphore_mem>>) src(%arg7 : memref<256xf32, #tpu.memory_space<vmem>>) dst(%dma_wait3A_801 : memref<256xf32, #tpu.memory_space<hbm>>)
        tpu.yield
      }) : () -> ()
    } else {
    }
    %ge3A = arith.constant 16 : i32
    %ge3A_3 = arith.cmpi sge, %add3A, %ge3A : i32
    %convert_element_type3A_4 = arith.extui %ge3A_3 : i1 to i32
    %cond3A_5 = arith.constant 0 : i32
    %cond3A_6 = arith.cmpi ne, %convert_element_type3A_4, %cond3A_5 : i32
    scf.if %cond3A_6 {
      %sub3A = arith.constant 16 : i32
      %sub3A_7 = arith.subi %add3A, %sub3A : i32
      %mul3A_8 = arith.constant 160 : i32
      %mul3A_9 = arith.muli %sub3A_7, %mul3A_8 : i32
      "tpu.region"() ({
        %run_scoped3A_395 = tpu.sem_alloc : memref<!tpu.dma_semaphore, #tpu.memory_space<semaphore_mem>>
        %dma_start3A = tpu.memref_slice %arg2[%mul3A_9] : memref<2560xf32, #tpu.memory_space<hbm>> -> memref<160xf32, #tpu.memory_space<hbm>>
        %dma_start3A_396 = tpu.memref_slice %arg2[%mul3A_9] : memref<2560xf32, #tpu.memory_space<hbm>> -> memref<160xf32, #tpu.memory_space<hbm>>
        tpu.enqueue_dma source(%dma_start3A_396 : memref<160xf32, #tpu.memory_space<hbm>>) target(%arg4 : memref<160xf32, #tpu.memory_space<vmem>>) target_semaphore(%run_scoped3A_395 : memref<!tpu.dma_semaphore, #tpu.memory_space<semaphore_mem>>)
        %dma_wait3A = tpu.memref_slice %arg2[%mul3A_9] : memref<2560xf32, #tpu.memory_space<hbm>> -> memref<160xf32, #tpu.memory_space<hbm>>
        %dma_wait3A_397 = tpu.memref_slice %arg2[%mul3A_9] : memref<2560xf32, #tpu.memory_space<hbm>> -> memref<160xf32, #tpu.memory_space<hbm>>
        tpu.wait_dma2 semaphore(%run_scoped3A_395 : memref<!tpu.dma_semaphore, #tpu.memory_space<semaphore_mem>>) src(%dma_wait3A_397 : memref<160xf32, #tpu.memory_space<hbm>>) dst(%arg4 : memref<160xf32, #tpu.memory_space<vmem>>)
        tpu.yield
      }) : () -> ()
      %add3A_10 = arith.constant 0 : i32
      %add3A_11 = vector.broadcast %add3A_10 : i32 to vector<16xi32>
      %add3A_12 = arith.addi %iota3A, %add3A_11 : vector<16xi32>
      %mul3A_13 = arith.constant 5 : i32
      %mul3A_14 = vector.broadcast %mul3A_13 : i32 to vector<16xi32>
      %mul3A_15 = arith.muli %add3A_12, %mul3A_14 : vector<16xi32>
      %gather3A = tpu.vector_load_idx %arg4[%mul3A_15] : memref<160xf32, #tpu.memory_space<vmem>>[vector<16xi32>], vector<16xf32>,
      %add3A_16 = arith.constant 1 : i32
      %add3A_17 = vector.broadcast %add3A_16 : i32 to vector<16xi32>
      %add3A_18 = arith.addi %mul3A_15, %add3A_17 : vector<16xi32>
      %gather3A_19 = tpu.vector_load_idx %arg4[%add3A_18] : memref<160xf32, #tpu.memory_space<vmem>>[vector<16xi32>], vector<16xf32>,
      %add3A_20 = arith.constant 2 : i32
      %add3A_21 = vector.broadcast %add3A_20 : i32 to vector<16xi32>
      %add3A_22 = arith.addi %mul3A_15, %add3A_21 : vector<16xi32>
      %gather3A_23 = tpu.vector_load_idx %arg4[%add3A_22] : memref<160xf32, #tpu.memory_space<vmem>>[vector<16xi32>], vector<16xf32>,
      %add3A_24 = arith.constant 3 : i32
      %add3A_25 = vector.broadcast %add3A_24 : i32 to vector<16xi32>
      %add3A_26 = arith.addi %mul3A_15, %add3A_25 : vector<16xi32>
      %gather3A_27 = tpu.vector_load_idx %arg4[%add3A_26] : memref<160xf32, #tpu.memory_space<vmem>>[vector<16xi32>], vector<16xf32>,
      %add3A_28 = arith.constant 4 : i32
      %add3A_29 = vector.broadcast %add3A_28 : i32 to vector<16xi32>
      %add3A_30 = arith.addi %mul3A_15, %add3A_29 : vector<16xi32>
      %gather3A_31 = tpu.vector_load_idx %arg4[%add3A_30] : memref<160xf32, #tpu.memory_space<vmem>>[vector<16xi32>], vector<16xf32>,
      %mul3A_32 = arith.constant 2.600000e+01 : f32
      %mul3A_33 = vector.broadcast %mul3A_32 : f32 to vector<16xf32>
      %mul3A_34 = arith.mulf %gather3A, %mul3A_33 : vector<16xf32>
      %mul3A_35 = arith.constant 2.600000e+01 : f32
      %mul3A_36 = vector.broadcast %mul3A_35 : f32 to vector<16xf32>
      %mul3A_37 = arith.mulf %gather3A_19, %mul3A_36 : vector<16xf32>
      %mul3A_38 = arith.constant 2.600000e+01 : f32
      %mul3A_39 = vector.broadcast %mul3A_38 : f32 to vector<16xf32>
      %mul3A_40 = arith.mulf %gather3A_23, %mul3A_39 : vector<16xf32>
      %mul3A_41 = arith.constant 2.600000e+01 : f32
      %mul3A_42 = vector.broadcast %mul3A_41 : f32 to vector<16xf32>
      %mul3A_43 = arith.mulf %gather3A_27, %mul3A_42 : vector<16xf32>
      %convert_element_type3A_44 = arith.fptosi %gather3A_31 : vector<16xf32> to vector<16xi32>
      %min3A = arith.constant 1.875000e+00 : f32
      %min3A_45 = vector.broadcast %min3A : f32 to vector<16xf32>
      %min3A_46 = arith.minimumf %mul3A_40, %min3A_45 : vector<16xf32>
      %min3A_47 = arith.constant 3.812500e+00 : f32
      %min3A_48 = vector.broadcast %min3A_47 : f32 to vector<16xf32>
      %min3A_49 = arith.minimumf %mul3A_43, %min3A_48 : vector<16xf32>
      %mul3A_50 = arith.mulf %min3A_46, %min3A_49 : vector<16xf32>
      %mul3A_51 = arith.mulf %mul3A_40, %mul3A_43 : vector<16xf32>
      %add3A_52 = arith.constant 7.1484375 : f32
      %add3A_53 = vector.broadcast %add3A_52 : f32 to vector<16xf32>
      %add3A_54 = arith.addf %mul3A_51, %add3A_53 : vector<16xf32>
      %sub3A_55 = arith.subf %add3A_54, %mul3A_50 : vector<16xf32>
      %add3A_56 = arith.constant 9.99999997E-7 : f32
      %add3A_57 = vector.broadcast %add3A_56 : f32 to vector<16xf32>
      %add3A_58 = arith.addf %sub3A_55, %add3A_57 : vector<16xf32>
      %div3A = arith.divf %mul3A_50, %add3A_58 : vector<16xf32>
      %broadcast_in_dim3A = arith.constant 0 : i32
      %broadcast_in_dim3A_59 = vector.broadcast %broadcast_in_dim3A : i32 to vector<16xi32>
      %min3A_60 = arith.constant 3.875000e+00 : f32
      %min3A_61 = vector.broadcast %min3A_60 : f32 to vector<16xf32>
      %min3A_62 = arith.minimumf %mul3A_40, %min3A_61 : vector<16xf32>
      %min3A_63 = arith.constant 2.812500e+00 : f32
      %min3A_64 = vector.broadcast %min3A_63 : f32 to vector<16xf32>
      %min3A_65 = arith.minimumf %mul3A_43, %min3A_64 : vector<16xf32>
      %mul3A_66 = arith.mulf %min3A_62, %min3A_65 : vector<16xf32>
      %mul3A_67 = arith.mulf %mul3A_40, %mul3A_43 : vector<16xf32>
      %add3A_68 = arith.constant 10.8984375 : f32
      %add3A_69 = vector.broadcast %add3A_68 : f32 to vector<16xf32>
      %add3A_70 = arith.addf %mul3A_67, %add3A_69 : vector<16xf32>
      %sub3A_71 = arith.subf %add3A_70, %mul3A_66 : vector<16xf32>
      %add3A_72 = arith.constant 9.99999997E-7 : f32
      %add3A_73 = vector.broadcast %add3A_72 : f32 to vector<16xf32>
      %add3A_74 = arith.addf %sub3A_71, %add3A_73 : vector<16xf32>
      %div3A_75 = arith.divf %mul3A_66, %add3A_74 : vector<16xf32>
      %gt3A = arith.cmpf ogt, %div3A_75, %div3A : vector<16xf32>
      %select_n3A = arith.select %gt3A, %div3A_75, %div3A : vector<16xi1>, vector<16xf32>
      %jit3A = arith.constant 1 : i32
      %broadcast_in_dim3A_76 = vector.broadcast %jit3A : i32 to vector<16xi32>
      %select_n3A_77 = arith.select %gt3A, %broadcast_in_dim3A_76, %broadcast_in_dim3A_59 : vector<16xi1>, vector<16xi32>
      %min3A_78 = arith.constant 3.687500e+00 : f32
      %min3A_79 = vector.broadcast %min3A_78 : f32 to vector<16xf32>
      %min3A_80 = arith.minimumf %mul3A_40, %min3A_79 : vector<16xf32>
      %min3A_81 = arith.constant 7.437500e+00 : f32
      %min3A_82 = vector.broadcast %min3A_81 : f32 to vector<16xf32>
      %min3A_83 = arith.minimumf %mul3A_43, %min3A_82 : vector<16xf32>
      %mul3A_84 = arith.mulf %min3A_80, %min3A_83 : vector<16xf32>
      %mul3A_85 = arith.mulf %mul3A_40, %mul3A_43 : vector<16xf32>
      %add3A_86 = arith.constant 27.4257813 : f32
      %add3A_87 = vector.broadcast %add3A_86 : f32 to vector<16xf32>
      %add3A_88 = arith.addf %mul3A_85, %add3A_87 : vector<16xf32>
      %sub3A_89 = arith.subf %add3A_88, %mul3A_84 : vector<16xf32>
      %add3A_90 = arith.constant 9.99999997E-7 : f32
      %add3A_91 = vector.broadcast %add3A_90 : f32 to vector<16xf32>
      %add3A_92 = arith.addf %sub3A_89, %add3A_91 : vector<16xf32>
      %div3A_93 = arith.divf %mul3A_84, %add3A_92 : vector<16xf32>
      %gt3A_94 = arith.cmpf ogt, %div3A_93, %select_n3A : vector<16xf32>
      %select_n3A_95 = arith.select %gt3A_94, %div3A_93, %select_n3A : vector<16xi1>, vector<16xf32>
      %jit3A_96 = arith.constant 2 : i32
      %broadcast_in_dim3A_97 = vector.broadcast %jit3A_96 : i32 to vector<16xi32>
      %select_n3A_98 = arith.select %gt3A_94, %broadcast_in_dim3A_97, %select_n3A_77 : vector<16xi1>, vector<16xi32>
      %convert_element_type3A_99 = arith.fptosi %mul3A_34 : vector<16xf32> to vector<16xi32>
      %min3A_100 = arith.constant 25 : i32
      %min3A_101 = vector.broadcast %min3A_100 : i32 to vector<16xi32>
      %min3A_102 = arith.minsi %convert_element_type3A_99, %min3A_101 : vector<16xi32>
      %convert_element_type3A_103 = arith.fptosi %mul3A_37 : vector<16xf32> to vector<16xi32>
      %min3A_104 = arith.constant 25 : i32
      %min3A_105 = vector.broadcast %min3A_104 : i32 to vector<16xi32>
      %min3A_106 = arith.minsi %convert_element_type3A_103, %min3A_105 : vector<16xi32>
      %mul3A_107 = arith.constant 26 : i32
      %mul3A_108 = arith.muli %sub3A_7, %mul3A_107 : i32
      %add3A_109 = vector.broadcast %mul3A_108 : i32 to vector<16xi32>
      %add3A_110 = arith.addi %add3A_109, %min3A_106 : vector<16xi32>
      %mul3A_111 = arith.constant 26 : i32
      %mul3A_112 = vector.broadcast %mul3A_111 : i32 to vector<16xi32>
      %mul3A_113 = arith.muli %add3A_110, %mul3A_112 : vector<16xi32>
      %add3A_114 = arith.addi %mul3A_113, %min3A_102 : vector<16xi32>
      %mul3A_115 = arith.constant 3 : i32
      %mul3A_116 = vector.broadcast %mul3A_115 : i32 to vector<16xi32>
      %mul3A_117 = arith.muli %add3A_114, %mul3A_116 : vector<16xi32>
      %add3A_118 = arith.addi %mul3A_117, %select_n3A_98 : vector<16xi32>
      %mul3A_119 = arith.constant 80 : i32
      %mul3A_120 = vector.broadcast %mul3A_119 : i32 to vector<16xi32>
      %mul3A_121 = arith.muli %add3A_118, %mul3A_120 : vector<16xi32>
      %add3A_122 = arith.addi %mul3A_121, %convert_element_type3A_44 : vector<16xi32>
      %swap3A = arith.constant 0 : index
      %swap3A_123 = tpu.vector_load %arg5[%swap3A] {strides = array<i32>} : memref<32xi32, #tpu.memory_space<vmem>>, vector<16xi32>,
      tpu.vector_store %arg5[%swap3A], %add3A_118 {strides = array<i32>} : memref<32xi32, #tpu.memory_space<vmem>>, vector<16xi32>,
      %swap3A_124 = arith.constant 0 : index
      %swap3A_125 = tpu.vector_load %arg6[%swap3A_124] {strides = array<i32>} : memref<32xi32, #tpu.memory_space<vmem>>, vector<16xi32>,
      tpu.vector_store %arg6[%swap3A_124], %add3A_122 {strides = array<i32>} : memref<32xi32, #tpu.memory_space<vmem>>, vector<16xi32>,
      %eq3A = arith.constant 0 : i32
      %eq3A_126 = vector.broadcast %eq3A : i32 to vector<16xi32>
      %eq3A_127 = arith.cmpi eq, %select_n3A_98, %eq3A_126 : vector<16xi32>
      %eq3A_128 = arith.constant 1 : i32
      %eq3A_129 = vector.broadcast %eq3A_128 : i32 to vector<16xi32>
      %eq3A_130 = arith.cmpi eq, %select_n3A_98, %eq3A_129 : vector<16xi32>
      %jit3A_131 = arith.constant 3.875000e+00 : f32
      %jit3A_132 = arith.constant 3.687500e+00 : f32
      %broadcast_in_dim3A_133 = vector.broadcast %jit3A_131 : f32 to vector<16xf32>
      %broadcast_in_dim3A_134 = vector.broadcast %jit3A_132 : f32 to vector<16xf32>
      %select_n3A_135 = arith.select %eq3A_130, %broadcast_in_dim3A_133, %broadcast_in_dim3A_134 : vector<16xi1>, vector<16xf32>
      %jit3A_136 = arith.constant 1.875000e+00 : f32
      %broadcast_in_dim3A_137 = vector.broadcast %jit3A_136 : f32 to vector<16xf32>
      %select_n3A_138 = arith.select %eq3A_127, %broadcast_in_dim3A_137, %select_n3A_135 : vector<16xi1>, vector<16xf32>
      %eq3A_139 = arith.constant 0 : i32
      %eq3A_140 = vector.broadcast %eq3A_139 : i32 to vector<16xi32>
      %eq3A_141 = arith.cmpi eq, %select_n3A_98, %eq3A_140 : vector<16xi32>
      %eq3A_142 = arith.constant 1 : i32
      %eq3A_143 = vector.broadcast %eq3A_142 : i32 to vector<16xi32>
      %eq3A_144 = arith.cmpi eq, %select_n3A_98, %eq3A_143 : vector<16xi32>
      %jit3A_145 = arith.constant 2.812500e+00 : f32
      %jit3A_146 = arith.constant 7.437500e+00 : f32
      %broadcast_in_dim3A_147 = vector.broadcast %jit3A_145 : f32 to vector<16xf32>
      %broadcast_in_dim3A_148 = vector.broadcast %jit3A_146 : f32 to vector<16xf32>
      %select_n3A_149 = arith.select %eq3A_144, %broadcast_in_dim3A_147, %broadcast_in_dim3A_148 : vector<16xi1>, vector<16xf32>
      %jit3A_150 = arith.constant 3.812500e+00 : f32
      %broadcast_in_dim3A_151 = vector.broadcast %jit3A_150 : f32 to vector<16xf32>
      %select_n3A_152 = arith.select %eq3A_141, %broadcast_in_dim3A_151, %select_n3A_149 : vector<16xi1>, vector<16xf32>
      %swap3A_153 = arith.constant 64 : index
      %swap3A_154 = tpu.vector_load %arg7[%swap3A_153] {strides = array<i32>} : memref<256xf32, #tpu.memory_space<vmem>>, vector<16xf32>,
      tpu.vector_store %arg7[%swap3A_153], %select_n3A_138 {strides = array<i32>} : memref<256xf32, #tpu.memory_space<vmem>>, vector<16xf32>,
      %swap3A_155 = arith.constant 96 : index
      %swap3A_156 = tpu.vector_load %arg7[%swap3A_155] {strides = array<i32>} : memref<256xf32, #tpu.memory_space<vmem>>, vector<16xf32>,
      tpu.vector_store %arg7[%swap3A_155], %select_n3A_152 {strides = array<i32>} : memref<256xf32, #tpu.memory_space<vmem>>, vector<16xf32>,
      %convert_element_type3A_157 = arith.sitofp %min3A_102 : vector<16xi32> to vector<16xf32>
      %swap3A_158 = arith.constant 128 : index
      %swap3A_159 = tpu.vector_load %arg7[%swap3A_158] {strides = array<i32>} : memref<256xf32, #tpu.memory_space<vmem>>, vector<16xf32>,
      tpu.vector_store %arg7[%swap3A_158], %convert_element_type3A_157 {strides = array<i32>} : memref<256xf32, #tpu.memory_space<vmem>>, vector<16xf32>,
      %convert_element_type3A_160 = arith.sitofp %min3A_106 : vector<16xi32> to vector<16xf32>
      %swap3A_161 = arith.constant 160 : index
      %swap3A_162 = tpu.vector_load %arg7[%swap3A_161] {strides = array<i32>} : memref<256xf32, #tpu.memory_space<vmem>>, vector<16xf32>,
      tpu.vector_store %arg7[%swap3A_161], %convert_element_type3A_160 {strides = array<i32>} : memref<256xf32, #tpu.memory_space<vmem>>, vector<16xf32>,
      %convert_element_type3A_163 = arith.sitofp %select_n3A_98 : vector<16xi32> to vector<16xf32>
      %swap3A_164 = arith.constant 192 : index
      %swap3A_165 = tpu.vector_load %arg7[%swap3A_164] {strides = array<i32>} : memref<256xf32, #tpu.memory_space<vmem>>, vector<16xf32>,
      tpu.vector_store %arg7[%swap3A_164], %convert_element_type3A_163 {strides = array<i32>} : memref<256xf32, #tpu.memory_space<vmem>>, vector<16xf32>,
      %mul3A_166 = arith.constant 26 : i32
      %mul3A_167 = vector.broadcast %mul3A_166 : i32 to vector<16xi32>
      %mul3A_168 = arith.muli %min3A_106, %mul3A_167 : vector<16xi32>
      %add3A_169 = arith.addi %mul3A_168, %min3A_102 : vector<16xi32>
      %convert_element_type3A_170 = arith.sitofp %add3A_169 : vector<16xi32> to vector<16xf32>
      %swap3A_171 = arith.constant 224 : index
      %swap3A_172 = tpu.vector_load %arg7[%swap3A_171] {strides = array<i32>} : memref<256xf32, #tpu.memory_space<vmem>>, vector<16xf32>,
      tpu.vector_store %arg7[%swap3A_171], %convert_element_type3A_170 {strides = array<i32>} : memref<256xf32, #tpu.memory_space<vmem>>, vector<16xf32>,
      %add3A_173 = arith.constant 16 : i32
      %add3A_174 = vector.broadcast %add3A_173 : i32 to vector<16xi32>
      %add3A_175 = arith.addi %iota3A, %add3A_174 : vector<16xi32>
      %mul3A_176 = arith.constant 5 : i32
      %mul3A_177 = vector.broadcast %mul3A_176 : i32 to vector<16xi32>
      %mul3A_178 = arith.muli %add3A_175, %mul3A_177 : vector<16xi32>
      %gather3A_179 = tpu.vector_load_idx %arg4[%mul3A_178] : memref<160xf32, #tpu.memory_space<vmem>>[vector<16xi32>], vector<16xf32>,
      %add3A_180 = arith.constant 1 : i32
      %add3A_181 = vector.broadcast %add3A_180 : i32 to vector<16xi32>
      %add3A_182 = arith.addi %mul3A_178, %add3A_181 : vector<16xi32>
      %gather3A_183 = tpu.vector_load_idx %arg4[%add3A_182] : memref<160xf32, #tpu.memory_space<vmem>>[vector<16xi32>], vector<16xf32>,
      %add3A_184 = arith.constant 2 : i32
      %add3A_185 = vector.broadcast %add3A_184 : i32 to vector<16xi32>
      %add3A_186 = arith.addi %mul3A_178, %add3A_185 : vector<16xi32>
      %gather3A_187 = tpu.vector_load_idx %arg4[%add3A_186] : memref<160xf32, #tpu.memory_space<vmem>>[vector<16xi32>], vector<16xf32>,
      %add3A_188 = arith.constant 3 : i32
      %add3A_189 = vector.broadcast %add3A_188 : i32 to vector<16xi32>
      %add3A_190 = arith.addi %mul3A_178, %add3A_189 : vector<16xi32>
      %gather3A_191 = tpu.vector_load_idx %arg4[%add3A_190] : memref<160xf32, #tpu.memory_space<vmem>>[vector<16xi32>], vector<16xf32>,
      %add3A_192 = arith.constant 4 : i32
      %add3A_193 = vector.broadcast %add3A_192 : i32 to vector<16xi32>
      %add3A_194 = arith.addi %mul3A_178, %add3A_193 : vector<16xi32>
      %gather3A_195 = tpu.vector_load_idx %arg4[%add3A_194] : memref<160xf32, #tpu.memory_space<vmem>>[vector<16xi32>], vector<16xf32>,
      %mul3A_196 = arith.constant 2.600000e+01 : f32
      %mul3A_197 = vector.broadcast %mul3A_196 : f32 to vector<16xf32>
      %mul3A_198 = arith.mulf %gather3A_179, %mul3A_197 : vector<16xf32>
      %mul3A_199 = arith.constant 2.600000e+01 : f32
      %mul3A_200 = vector.broadcast %mul3A_199 : f32 to vector<16xf32>
      %mul3A_201 = arith.mulf %gather3A_183, %mul3A_200 : vector<16xf32>
      %mul3A_202 = arith.constant 2.600000e+01 : f32
      %mul3A_203 = vector.broadcast %mul3A_202 : f32 to vector<16xf32>
      %mul3A_204 = arith.mulf %gather3A_187, %mul3A_203 : vector<16xf32>
      %mul3A_205 = arith.constant 2.600000e+01 : f32
      %mul3A_206 = vector.broadcast %mul3A_205 : f32 to vector<16xf32>
      %mul3A_207 = arith.mulf %gather3A_191, %mul3A_206 : vector<16xf32>
      %convert_element_type3A_208 = arith.fptosi %gather3A_195 : vector<16xf32> to vector<16xi32>
      %min3A_209 = arith.constant 1.875000e+00 : f32
      %min3A_210 = vector.broadcast %min3A_209 : f32 to vector<16xf32>
      %min3A_211 = arith.minimumf %mul3A_204, %min3A_210 : vector<16xf32>
      %min3A_212 = arith.constant 3.812500e+00 : f32
      %min3A_213 = vector.broadcast %min3A_212 : f32 to vector<16xf32>
      %min3A_214 = arith.minimumf %mul3A_207, %min3A_213 : vector<16xf32>
      %mul3A_215 = arith.mulf %min3A_211, %min3A_214 : vector<16xf32>
      %mul3A_216 = arith.mulf %mul3A_204, %mul3A_207 : vector<16xf32>
      %add3A_217 = arith.constant 7.1484375 : f32
      %add3A_218 = vector.broadcast %add3A_217 : f32 to vector<16xf32>
      %add3A_219 = arith.addf %mul3A_216, %add3A_218 : vector<16xf32>
      %sub3A_220 = arith.subf %add3A_219, %mul3A_215 : vector<16xf32>
      %add3A_221 = arith.constant 9.99999997E-7 : f32
      %add3A_222 = vector.broadcast %add3A_221 : f32 to vector<16xf32>
      %add3A_223 = arith.addf %sub3A_220, %add3A_222 : vector<16xf32>
      %div3A_224 = arith.divf %mul3A_215, %add3A_223 : vector<16xf32>
      %broadcast_in_dim3A_225 = arith.constant 0 : i32
      %broadcast_in_dim3A_226 = vector.broadcast %broadcast_in_dim3A_225 : i32 to vector<16xi32>
      %min3A_227 = arith.constant 3.875000e+00 : f32
      %min3A_228 = vector.broadcast %min3A_227 : f32 to vector<16xf32>
      %min3A_229 = arith.minimumf %mul3A_204, %min3A_228 : vector<16xf32>
      %min3A_230 = arith.constant 2.812500e+00 : f32
      %min3A_231 = vector.broadcast %min3A_230 : f32 to vector<16xf32>
      %min3A_232 = arith.minimumf %mul3A_207, %min3A_231 : vector<16xf32>
      %mul3A_233 = arith.mulf %min3A_229, %min3A_232 : vector<16xf32>
      %mul3A_234 = arith.mulf %mul3A_204, %mul3A_207 : vector<16xf32>
      %add3A_235 = arith.constant 10.8984375 : f32
      %add3A_236 = vector.broadcast %add3A_235 : f32 to vector<16xf32>
      %add3A_237 = arith.addf %mul3A_234, %add3A_236 : vector<16xf32>
      %sub3A_238 = arith.subf %add3A_237, %mul3A_233 : vector<16xf32>
      %add3A_239 = arith.constant 9.99999997E-7 : f32
      %add3A_240 = vector.broadcast %add3A_239 : f32 to vector<16xf32>
      %add3A_241 = arith.addf %sub3A_238, %add3A_240 : vector<16xf32>
      %div3A_242 = arith.divf %mul3A_233, %add3A_241 : vector<16xf32>
      %gt3A_243 = arith.cmpf ogt, %div3A_242, %div3A_224 : vector<16xf32>
      %select_n3A_244 = arith.select %gt3A_243, %div3A_242, %div3A_224 : vector<16xi1>, vector<16xf32>
      %jit3A_245 = arith.constant 1 : i32
      %broadcast_in_dim3A_246 = vector.broadcast %jit3A_245 : i32 to vector<16xi32>
      %select_n3A_247 = arith.select %gt3A_243, %broadcast_in_dim3A_246, %broadcast_in_dim3A_226 : vector<16xi1>, vector<16xi32>
      %min3A_248 = arith.constant 3.687500e+00 : f32
      %min3A_249 = vector.broadcast %min3A_248 : f32 to vector<16xf32>
      %min3A_250 = arith.minimumf %mul3A_204, %min3A_249 : vector<16xf32>
      %min3A_251 = arith.constant 7.437500e+00 : f32
      %min3A_252 = vector.broadcast %min3A_251 : f32 to vector<16xf32>
      %min3A_253 = arith.minimumf %mul3A_207, %min3A_252 : vector<16xf32>
      %mul3A_254 = arith.mulf %min3A_250, %min3A_253 : vector<16xf32>
      %mul3A_255 = arith.mulf %mul3A_204, %mul3A_207 : vector<16xf32>
      %add3A_256 = arith.constant 27.4257813 : f32
      %add3A_257 = vector.broadcast %add3A_256 : f32 to vector<16xf32>
      %add3A_258 = arith.addf %mul3A_255, %add3A_257 : vector<16xf32>
      %sub3A_259 = arith.subf %add3A_258, %mul3A_254 : vector<16xf32>
      %add3A_260 = arith.constant 9.99999997E-7 : f32
      %add3A_261 = vector.broadcast %add3A_260 : f32 to vector<16xf32>
      %add3A_262 = arith.addf %sub3A_259, %add3A_261 : vector<16xf32>
      %div3A_263 = arith.divf %mul3A_254, %add3A_262 : vector<16xf32>
      %gt3A_264 = arith.cmpf ogt, %div3A_263, %select_n3A_244 : vector<16xf32>
      %select_n3A_265 = arith.select %gt3A_264, %div3A_263, %select_n3A_244 : vector<16xi1>, vector<16xf32>
      %jit3A_266 = arith.constant 2 : i32
      %broadcast_in_dim3A_267 = vector.broadcast %jit3A_266 : i32 to vector<16xi32>
      %select_n3A_268 = arith.select %gt3A_264, %broadcast_in_dim3A_267, %select_n3A_247 : vector<16xi1>, vector<16xi32>
      %convert_element_type3A_269 = arith.fptosi %mul3A_198 : vector<16xf32> to vector<16xi32>
      %min3A_270 = arith.constant 25 : i32
      %min3A_271 = vector.broadcast %min3A_270 : i32 to vector<16xi32>
      %min3A_272 = arith.minsi %convert_element_type3A_269, %min3A_271 : vector<16xi32>
      %convert_element_type3A_273 = arith.fptosi %mul3A_201 : vector<16xf32> to vector<16xi32>
      %min3A_274 = arith.constant 25 : i32
      %min3A_275 = vector.broadcast %min3A_274 : i32 to vector<16xi32>
      %min3A_276 = arith.minsi %convert_element_type3A_273, %min3A_275 : vector<16xi32>
      %mul3A_277 = arith.constant 26 : i32
      %mul3A_278 = arith.muli %sub3A_7, %mul3A_277 : i32
      %add3A_279 = vector.broadcast %mul3A_278 : i32 to vector<16xi32>
      %add3A_280 = arith.addi %add3A_279, %min3A_276 : vector<16xi32>
      %mul3A_281 = arith.constant 26 : i32
      %mul3A_282 = vector.broadcast %mul3A_281 : i32 to vector<16xi32>
      %mul3A_283 = arith.muli %add3A_280, %mul3A_282 : vector<16xi32>
      %add3A_284 = arith.addi %mul3A_283, %min3A_272 : vector<16xi32>
      %mul3A_285 = arith.constant 3 : i32
      %mul3A_286 = vector.broadcast %mul3A_285 : i32 to vector<16xi32>
      %mul3A_287 = arith.muli %add3A_284, %mul3A_286 : vector<16xi32>
      %add3A_288 = arith.addi %mul3A_287, %select_n3A_268 : vector<16xi32>
      %mul3A_289 = arith.constant 80 : i32
      %mul3A_290 = vector.broadcast %mul3A_289 : i32 to vector<16xi32>
      %mul3A_291 = arith.muli %add3A_288, %mul3A_290 : vector<16xi32>
      %add3A_292 = arith.addi %mul3A_291, %convert_element_type3A_208 : vector<16xi32>
      %swap3A_293 = arith.constant 16 : index
      %swap3A_294 = tpu.vector_load %arg5[%swap3A_293] {strides = array<i32>} : memref<32xi32, #tpu.memory_space<vmem>>, vector<16xi32>,
      tpu.vector_store %arg5[%swap3A_293], %add3A_288 {strides = array<i32>} : memref<32xi32, #tpu.memory_space<vmem>>, vector<16xi32>,
      %swap3A_295 = arith.constant 16 : index
      %swap3A_296 = tpu.vector_load %arg6[%swap3A_295] {strides = array<i32>} : memref<32xi32, #tpu.memory_space<vmem>>, vector<16xi32>,
      tpu.vector_store %arg6[%swap3A_295], %add3A_292 {strides = array<i32>} : memref<32xi32, #tpu.memory_space<vmem>>, vector<16xi32>,
      %eq3A_297 = arith.constant 0 : i32
      %eq3A_298 = vector.broadcast %eq3A_297 : i32 to vector<16xi32>
      %eq3A_299 = arith.cmpi eq, %select_n3A_268, %eq3A_298 : vector<16xi32>
      %eq3A_300 = arith.constant 1 : i32
      %eq3A_301 = vector.broadcast %eq3A_300 : i32 to vector<16xi32>
      %eq3A_302 = arith.cmpi eq, %select_n3A_268, %eq3A_301 : vector<16xi32>
      %jit3A_303 = arith.constant 3.875000e+00 : f32
      %jit3A_304 = arith.constant 3.687500e+00 : f32
      %broadcast_in_dim3A_305 = vector.broadcast %jit3A_303 : f32 to vector<16xf32>
      %broadcast_in_dim3A_306 = vector.broadcast %jit3A_304 : f32 to vector<16xf32>
      %select_n3A_307 = arith.select %eq3A_302, %broadcast_in_dim3A_305, %broadcast_in_dim3A_306 : vector<16xi1>, vector<16xf32>
      %jit3A_308 = arith.constant 1.875000e+00 : f32
      %broadcast_in_dim3A_309 = vector.broadcast %jit3A_308 : f32 to vector<16xf32>
      %select_n3A_310 = arith.select %eq3A_299, %broadcast_in_dim3A_309, %select_n3A_307 : vector<16xi1>, vector<16xf32>
      %eq3A_311 = arith.constant 0 : i32
      %eq3A_312 = vector.broadcast %eq3A_311 : i32 to vector<16xi32>
      %eq3A_313 = arith.cmpi eq, %select_n3A_268, %eq3A_312 : vector<16xi32>
      %eq3A_314 = arith.constant 1 : i32
      %eq3A_315 = vector.broadcast %eq3A_314 : i32 to vector<16xi32>
      %eq3A_316 = arith.cmpi eq, %select_n3A_268, %eq3A_315 : vector<16xi32>
      %jit3A_317 = arith.constant 2.812500e+00 : f32
      %jit3A_318 = arith.constant 7.437500e+00 : f32
      %broadcast_in_dim3A_319 = vector.broadcast %jit3A_317 : f32 to vector<16xf32>
      %broadcast_in_dim3A_320 = vector.broadcast %jit3A_318 : f32 to vector<16xf32>
      %select_n3A_321 = arith.select %eq3A_316, %broadcast_in_dim3A_319, %broadcast_in_dim3A_320 : vector<16xi1>, vector<16xf32>
      %jit3A_322 = arith.constant 3.812500e+00 : f32
      %broadcast_in_dim3A_323 = vector.broadcast %jit3A_322 : f32 to vector<16xf32>
      %select_n3A_324 = arith.select %eq3A_313, %broadcast_in_dim3A_323, %select_n3A_321 : vector<16xi1>, vector<16xf32>
      %swap3A_325 = arith.constant 80 : index
      %swap3A_326 = tpu.vector_load %arg7[%swap3A_325] {strides = array<i32>} : memref<256xf32, #tpu.memory_space<vmem>>, vector<16xf32>,
      tpu.vector_store %arg7[%swap3A_325], %select_n3A_310 {strides = array<i32>} : memref<256xf32, #tpu.memory_space<vmem>>, vector<16xf32>,
      %swap3A_327 = arith.constant 112 : index
      %swap3A_328 = tpu.vector_load %arg7[%swap3A_327] {strides = array<i32>} : memref<256xf32, #tpu.memory_space<vmem>>, vector<16xf32>,
      tpu.vector_store %arg7[%swap3A_327], %select_n3A_324 {strides = array<i32>} : memref<256xf32, #tpu.memory_space<vmem>>, vector<16xf32>,
      %convert_element_type3A_329 = arith.sitofp %min3A_272 : vector<16xi32> to vector<16xf32>
      %swap3A_330 = arith.constant 144 : index
      %swap3A_331 = tpu.vector_load %arg7[%swap3A_330] {strides = array<i32>} : memref<256xf32, #tpu.memory_space<vmem>>, vector<16xf32>,
      tpu.vector_store %arg7[%swap3A_330], %convert_element_type3A_329 {strides = array<i32>} : memref<256xf32, #tpu.memory_space<vmem>>, vector<16xf32>,
      %convert_element_type3A_332 = arith.sitofp %min3A_276 : vector<16xi32> to vector<16xf32>
      %swap3A_333 = arith.constant 176 : index
      %swap3A_334 = tpu.vector_load %arg7[%swap3A_333] {strides = array<i32>} : memref<256xf32, #tpu.memory_space<vmem>>, vector<16xf32>,
      tpu.vector_store %arg7[%swap3A_333], %convert_element_type3A_332 {strides = array<i32>} : memref<256xf32, #tpu.memory_space<vmem>>, vector<16xf32>,
      %convert_element_type3A_335 = arith.sitofp %select_n3A_268 : vector<16xi32> to vector<16xf32>
      %swap3A_336 = arith.constant 208 : index
      %swap3A_337 = tpu.vector_load %arg7[%swap3A_336] {strides = array<i32>} : memref<256xf32, #tpu.memory_space<vmem>>, vector<16xf32>,
      tpu.vector_store %arg7[%swap3A_336], %convert_element_type3A_335 {strides = array<i32>} : memref<256xf32, #tpu.memory_space<vmem>>, vector<16xf32>,
      %mul3A_338 = arith.constant 26 : i32
      %mul3A_339 = vector.broadcast %mul3A_338 : i32 to vector<16xi32>
      %mul3A_340 = arith.muli %min3A_276, %mul3A_339 : vector<16xi32>
      %add3A_341 = arith.addi %mul3A_340, %min3A_272 : vector<16xi32>
      %convert_element_type3A_342 = arith.sitofp %add3A_341 : vector<16xi32> to vector<16xf32>
      %swap3A_343 = arith.constant 240 : index
      %swap3A_344 = tpu.vector_load %arg7[%swap3A_343] {strides = array<i32>} : memref<256xf32, #tpu.memory_space<vmem>>, vector<16xf32>,
      tpu.vector_store %arg7[%swap3A_343], %convert_element_type3A_342 {strides = array<i32>} : memref<256xf32, #tpu.memory_space<vmem>>, vector<16xf32>,
      %add3A_345 = arith.constant 16 : i32
      %add3A_346 = vector.broadcast %add3A_345 : i32 to vector<16xi32>
      %add3A_347 = arith.addi %iota3A, %add3A_346 : vector<16xi32>
      %broadcast_in_dim3A_348 = arith.constant 0 : i32
      %broadcast_in_dim3A_349 = vector.broadcast %broadcast_in_dim3A_348 : i32 to vector<16xi32>
      %scan3A = arith.constant 1 : i32
      %scan3A_350 = arith.constant 31 : i32
      %scan3A_351 = arith.addi %scan3A, %scan3A_350 : i32
      %scan3A_352 = arith.constant 1 : i32
      %scan3A_353:4 = scf.for %scan3A_395 = %scan3A to %scan3A_351 step %scan3A_352 iter_args(%scan3A_396 = %broadcast_in_dim3A_349, %scan3A_397 = %broadcast_in_dim3A_349, %scan3A_398 = %broadcast_in_dim3A_349, %scan3A_399 = %broadcast_in_dim3A_349) -> (vector<16xi32>, vector<16xi32>, vector<16xi32>, vector<16xi32>)  : i32 {
        %add3A_400 = vector.broadcast %scan3A_395 : i32 to vector<16xi32>
        %add3A_401 = arith.addi %iota3A, %add3A_400 : vector<16xi32>
        %min3A_402 = arith.constant 31 : i32
        %min3A_403 = vector.broadcast %min3A_402 : i32 to vector<16xi32>
        %min3A_404 = arith.minsi %add3A_401, %min3A_403 : vector<16xi32>
        %add3A_405 = vector.broadcast %scan3A_395 : i32 to vector<16xi32>
        %add3A_406 = arith.addi %iota3A, %add3A_405 : vector<16xi32>
        %le3A = arith.constant 31 : i32
        %le3A_407 = vector.broadcast %le3A : i32 to vector<16xi32>
        %le3A_408 = arith.cmpi sle, %add3A_406, %le3A_407 : vector<16xi32>
        %add3A_409 = vector.broadcast %scan3A_395 : i32 to vector<16xi32>
        %add3A_410 = arith.addi %add3A_347, %add3A_409 : vector<16xi32>
        %min3A_411 = arith.constant 31 : i32
        %min3A_412 = vector.broadcast %min3A_411 : i32 to vector<16xi32>
        %min3A_413 = arith.minsi %add3A_410, %min3A_412 : vector<16xi32>
        %add3A_414 = vector.broadcast %scan3A_395 : i32 to vector<16xi32>
        %add3A_415 = arith.addi %add3A_347, %add3A_414 : vector<16xi32>
        %le3A_416 = arith.constant 31 : i32
        %le3A_417 = vector.broadcast %le3A_416 : i32 to vector<16xi32>
        %le3A_418 = arith.cmpi sle, %add3A_415, %le3A_417 : vector<16xi32>
        %gather3A_419 = tpu.vector_load_idx %arg5[%min3A_404] : memref<32xi32, #tpu.memory_space<vmem>>[vector<16xi32>], vector<16xi32>,
        %gather3A_420 = tpu.vector_load_idx %arg5[%min3A_413] : memref<32xi32, #tpu.memory_space<vmem>>[vector<16xi32>], vector<16xi32>,
        %gather3A_421 = tpu.vector_load_idx %arg6[%min3A_404] : memref<32xi32, #tpu.memory_space<vmem>>[vector<16xi32>], vector<16xi32>,
        %gather3A_422 = tpu.vector_load_idx %arg6[%min3A_413] : memref<32xi32, #tpu.memory_space<vmem>>[vector<16xi32>], vector<16xi32>,
        %eq3A_423 = arith.cmpi eq, %gather3A_419, %add3A_118 : vector<16xi32>
        %and3A = arith.andi %eq3A_423, %le3A_408 : vector<16xi1>
        %jit3A_424 = arith.constant 1 : i32
        %broadcast_in_dim3A_425 = vector.broadcast %jit3A_424 : i32 to vector<16xi32>
        %select_n3A_426 = arith.select %and3A, %broadcast_in_dim3A_425, %broadcast_in_dim3A_349 : vector<16xi1>, vector<16xi32>
        %or3A = arith.ori %scan3A_396, %select_n3A_426 : vector<16xi32>
        %eq3A_427 = arith.cmpi eq, %gather3A_420, %add3A_288 : vector<16xi32>
        %and3A_428 = arith.andi %eq3A_427, %le3A_418 : vector<16xi1>
        %jit3A_429 = arith.constant 1 : i32
        %broadcast_in_dim3A_430 = vector.broadcast %jit3A_429 : i32 to vector<16xi32>
        %select_n3A_431 = arith.select %and3A_428, %broadcast_in_dim3A_430, %broadcast_in_dim3A_349 : vector<16xi1>, vector<16xi32>
        %or3A_432 = arith.ori %scan3A_397, %select_n3A_431 : vector<16xi32>
        %eq3A_433 = arith.cmpi eq, %gather3A_421, %add3A_122 : vector<16xi32>
        %and3A_434 = arith.andi %eq3A_433, %le3A_408 : vector<16xi1>
        %jit3A_435 = arith.constant 1 : i32
        %broadcast_in_dim3A_436 = vector.broadcast %jit3A_435 : i32 to vector<16xi32>
        %select_n3A_437 = arith.select %and3A_434, %broadcast_in_dim3A_436, %broadcast_in_dim3A_349 : vector<16xi1>, vector<16xi32>
        %or3A_438 = arith.ori %scan3A_398, %select_n3A_437 : vector<16xi32>
        %eq3A_439 = arith.cmpi eq, %gather3A_422, %add3A_292 : vector<16xi32>
        %and3A_440 = arith.andi %eq3A_439, %le3A_418 : vector<16xi1>
        %jit3A_441 = arith.constant 1 : i32
        %broadcast_in_dim3A_442 = vector.broadcast %jit3A_441 : i32 to vector<16xi32>
        %select_n3A_443 = arith.select %and3A_440, %broadcast_in_dim3A_442, %broadcast_in_dim3A_349 : vector<16xi1>, vector<16xi32>
        %or3A_444 = arith.ori %scan3A_399, %select_n3A_443 : vector<16xi32>
        scf.yield %or3A, %or3A_432, %or3A_438, %or3A_444 : vector<16xi32>, vector<16xi32>, vector<16xi32>, vector<16xi32>
      }
      %scan3A_354 = arith.constant 31 : i32
      %eq3A_355 = arith.constant 0 : i32
      %eq3A_356 = vector.broadcast %eq3A_355 : i32 to vector<16xi32>
      %eq3A_357 = arith.cmpi eq, %scan3A_353#0, %eq3A_356 : vector<16xi32>
      %jit3A_358 = arith.constant 1.000000e+00 : f32
      %jit3A_359 = arith.constant 0.000000e+00 : f32
      %broadcast_in_dim3A_360 = vector.broadcast %jit3A_358 : f32 to vector<16xf32>
      %broadcast_in_dim3A_361 = vector.broadcast %jit3A_359 : f32 to vector<16xf32>
      %select_n3A_362 = arith.select %eq3A_357, %broadcast_in_dim3A_360, %broadcast_in_dim3A_361 : vector<16xi1>, vector<16xf32>
      %swap3A_363 = arith.constant 0 : index
      %swap3A_364 = tpu.vector_load %arg7[%swap3A_363] {strides = array<i32>} : memref<256xf32, #tpu.memory_space<vmem>>, vector<16xf32>,
      tpu.vector_store %arg7[%swap3A_363], %select_n3A_362 {strides = array<i32>} : memref<256xf32, #tpu.memory_space<vmem>>, vector<16xf32>,
      %eq3A_365 = arith.constant 0 : i32
      %eq3A_366 = vector.broadcast %eq3A_365 : i32 to vector<16xi32>
      %eq3A_367 = arith.cmpi eq, %scan3A_353#1, %eq3A_366 : vector<16xi32>
      %jit3A_368 = arith.constant 1.000000e+00 : f32
      %jit3A_369 = arith.constant 0.000000e+00 : f32
      %broadcast_in_dim3A_370 = vector.broadcast %jit3A_368 : f32 to vector<16xf32>
      %broadcast_in_dim3A_371 = vector.broadcast %jit3A_369 : f32 to vector<16xf32>
      %select_n3A_372 = arith.select %eq3A_367, %broadcast_in_dim3A_370, %broadcast_in_dim3A_371 : vector<16xi1>, vector<16xf32>
      %swap3A_373 = arith.constant 16 : index
      %swap3A_374 = tpu.vector_load %arg7[%swap3A_373] {strides = array<i32>} : memref<256xf32, #tpu.memory_space<vmem>>, vector<16xf32>,
      tpu.vector_store %arg7[%swap3A_373], %select_n3A_372 {strides = array<i32>} : memref<256xf32, #tpu.memory_space<vmem>>, vector<16xf32>,
      %eq3A_375 = arith.constant 0 : i32
      %eq3A_376 = vector.broadcast %eq3A_375 : i32 to vector<16xi32>
      %eq3A_377 = arith.cmpi eq, %scan3A_353#2, %eq3A_376 : vector<16xi32>
      %jit3A_378 = arith.constant 1.000000e+00 : f32
      %jit3A_379 = arith.constant 0.000000e+00 : f32
      %broadcast_in_dim3A_380 = vector.broadcast %jit3A_378 : f32 to vector<16xf32>
      %broadcast_in_dim3A_381 = vector.broadcast %jit3A_379 : f32 to vector<16xf32>
      %select_n3A_382 = arith.select %eq3A_377, %broadcast_in_dim3A_380, %broadcast_in_dim3A_381 : vector<16xi1>, vector<16xf32>
      %swap3A_383 = arith.constant 32 : index
      %swap3A_384 = tpu.vector_load %arg7[%swap3A_383] {strides = array<i32>} : memref<256xf32, #tpu.memory_space<vmem>>, vector<16xf32>,
      tpu.vector_store %arg7[%swap3A_383], %select_n3A_382 {strides = array<i32>} : memref<256xf32, #tpu.memory_space<vmem>>, vector<16xf32>,
      %eq3A_385 = arith.constant 0 : i32
      %eq3A_386 = vector.broadcast %eq3A_385 : i32 to vector<16xi32>
      %eq3A_387 = arith.cmpi eq, %scan3A_353#3, %eq3A_386 : vector<16xi32>
      %jit3A_388 = arith.constant 1.000000e+00 : f32
      %jit3A_389 = arith.constant 0.000000e+00 : f32
      %broadcast_in_dim3A_390 = vector.broadcast %jit3A_388 : f32 to vector<16xf32>
      %broadcast_in_dim3A_391 = vector.broadcast %jit3A_389 : f32 to vector<16xf32>
      %select_n3A_392 = arith.select %eq3A_387, %broadcast_in_dim3A_390, %broadcast_in_dim3A_391 : vector<16xi1>, vector<16xf32>
      %swap3A_393 = arith.constant 48 : index
      %swap3A_394 = tpu.vector_load %arg7[%swap3A_393] {strides = array<i32>} : memref<256xf32, #tpu.memory_space<vmem>>, vector<16xf32>,
      tpu.vector_store %arg7[%swap3A_393], %select_n3A_392 {strides = array<i32>} : memref<256xf32, #tpu.memory_space<vmem>>, vector<16xf32>,
      %run_scoped3A = arith.constant 1 : i32
      "tpu.region"() ({
        %run_scoped3A_395 = tpu.sem_alloc : memref<!tpu.dma_semaphore, #tpu.memory_space<semaphore_mem>>
        %dma_start3A = arith.constant 0 : i32
        %dma_start3A_396 = tpu.memref_slice %arg3[%run_scoped3A, %sub3A_7, %dma_start3A] : memref<3x16x256xf32, #tpu.memory_space<hbm>> -> memref<1x1x256xf32, #tpu.memory_space<hbm>>
        %dma_start3A_397 = tpu.memref_squeeze %dma_start3A_396 : memref<1x1x256xf32, #tpu.memory_space<hbm>> -> memref<256xf32, #tpu.memory_space<hbm>>
        %dma_start3A_398 = arith.constant 0 : i32
        %dma_start3A_399 = tpu.memref_slice %arg3[%run_scoped3A, %sub3A_7, %dma_start3A_398] : memref<3x16x256xf32, #tpu.memory_space<hbm>> -> memref<1x1x256xf32, #tpu.memory_space<hbm>>
        %dma_start3A_400 = tpu.memref_squeeze %dma_start3A_399 : memref<1x1x256xf32, #tpu.memory_space<hbm>> -> memref<256xf32, #tpu.memory_space<hbm>>
        tpu.enqueue_dma source(%arg7 : memref<256xf32, #tpu.memory_space<vmem>>) target(%dma_start3A_400 : memref<256xf32, #tpu.memory_space<hbm>>) target_semaphore(%run_scoped3A_395 : memref<!tpu.dma_semaphore, #tpu.memory_space<semaphore_mem>>)
        %dma_wait3A = arith.constant 0 : i32
        %dma_wait3A_401 = tpu.memref_slice %arg3[%run_scoped3A, %sub3A_7, %dma_wait3A] : memref<3x16x256xf32, #tpu.memory_space<hbm>> -> memref<1x1x256xf32, #tpu.memory_space<hbm>>
        %dma_wait3A_402 = tpu.memref_squeeze %dma_wait3A_401 : memref<1x1x256xf32, #tpu.memory_space<hbm>> -> memref<256xf32, #tpu.memory_space<hbm>>
        %dma_wait3A_403 = arith.constant 0 : i32
        %dma_wait3A_404 = tpu.memref_slice %arg3[%run_scoped3A, %sub3A_7, %dma_wait3A_403] : memref<3x16x256xf32, #tpu.memory_space<hbm>> -> memref<1x1x256xf32, #tpu.memory_space<hbm>>
        %dma_wait3A_405 = tpu.memref_squeeze %dma_wait3A_404 : memref<1x1x256xf32, #tpu.memory_space<hbm>> -> memref<256xf32, #tpu.memory_space<hbm>>
        tpu.wait_dma2 semaphore(%run_scoped3A_395 : memref<!tpu.dma_semaphore, #tpu.memory_space<semaphore_mem>>) src(%arg7 : memref<256xf32, #tpu.memory_space<vmem>>) dst(%dma_wait3A_405 : memref<256xf32, #tpu.memory_space<hbm>>)
        tpu.yield
      }) : () -> ()
    } else {
    }
    return
  }
}

module attributes {stable_mosaic.version = 14 : i64} {
  func.func @body(%arg0: i32, %arg1: memref<1x52x52x255xf32, #tpu.memory_space<vmem>>, %arg2: memref<1x26x26x255xf32, #tpu.memory_space<vmem>>, %arg3: memref<1x13x13x255xf32, #tpu.memory_space<vmem>>, %arg4: memref<3x1x8x32xf32, #tpu.memory_space<vmem>>, %arg5: memref<3x16x8x32xf32, #tpu.memory_space<vmem>>, %arg6: memref<16x32x5xf32, #tpu.memory_space<vmem>>, %arg7: memref<1x1xf32, #tpu.memory_space<vmem>>, %arg8: memref<3xf32, #tpu.memory_space<smem>>, %arg9: memref<3x16x32x255xf32, #tpu.memory_space<vmem>>) attributes {dimension_semantics = [#tpu.dimension_semantics<arbitrary>], iteration_bounds = array<i64: 16>, scalar_prefetch = 0 : i64, scratch_operands = 2 : i64, tpu.core_type = #tpu.core_type<tc>, window_params = [{transform_indices = @transform_0, window_bounds = array<i64: 1, 52, 52, 255>}, {transform_indices = @transform_1, window_bounds = array<i64: 1, 26, 26, 255>}, {transform_indices = @transform_2, window_bounds = array<i64: 1, 13, 13, 255>}, {transform_indices = @transform_3, window_bounds = array<i64: 3, 1, 8, 32>}, {pipeline_mode = #tpu.pipeline_mode<synchronous>, transform_indices = @transform_4, window_bounds = array<i64: 3, 16, 8, 32>}, {pipeline_mode = #tpu.pipeline_mode<synchronous>, transform_indices = @transform_5, window_bounds = array<i64: 16, 32, 5>}, {pipeline_mode = #tpu.pipeline_mode<synchronous>, transform_indices = @transform_6, window_bounds = array<i64: 1, 1>}]} {
    %eq3A = arith.constant 0 : i32
    %eq3A_0 = arith.cmpi eq, %arg0, %eq3A : i32
    %convert_element_type3A = arith.extui %eq3A_0 : i1 to i32
    %cond3A = arith.constant 0 : i32
    %cond3A_1 = arith.cmpi ne, %convert_element_type3A, %cond3A : i32
    scf.if %cond3A_1 {
      %swap3A_173 = arith.constant 0.000000e+00 : f32
      %swap3A_174 = arith.constant 0 : index
      %swap3A_175 = memref.load %arg8[%swap3A_174] : memref<3xf32, #tpu.memory_space<smem>>
      memref.store %swap3A_173, %arg8[%swap3A_174] : memref<3xf32, #tpu.memory_space<smem>>
      %swap3A_176 = arith.constant 0.000000e+00 : f32
      %swap3A_177 = arith.constant 1 : index
      %swap3A_178 = memref.load %arg8[%swap3A_177] : memref<3xf32, #tpu.memory_space<smem>>
      memref.store %swap3A_176, %arg8[%swap3A_177] : memref<3xf32, #tpu.memory_space<smem>>
      %swap3A_179 = arith.constant 0.000000e+00 : f32
      %swap3A_180 = arith.constant 2 : index
      %swap3A_181 = memref.load %arg8[%swap3A_180] : memref<3xf32, #tpu.memory_space<smem>>
      memref.store %swap3A_179, %arg8[%swap3A_180] : memref<3xf32, #tpu.memory_space<smem>>
    } else {
    }
    %iota3A = tpu.iota {dimensions = array<i32: 0>} : vector<255x3xi32>
    %iota3A_2 = tpu.iota {dimensions = array<i32: 1>} : vector<255x3xi32>
    %mul3A = arith.constant 85 : i32
    %mul3A_3 = vector.broadcast %mul3A : i32 to vector<255x3xi32>
    %mul3A_4 = arith.muli %iota3A_2, %mul3A_3 : vector<255x3xi32>
    %add3A = arith.constant 4 : i32
    %add3A_5 = vector.broadcast %add3A : i32 to vector<255x3xi32>
    %add3A_6 = arith.addi %mul3A_4, %add3A_5 : vector<255x3xi32>
    %eq3A_7 = arith.cmpi eq, %iota3A, %add3A_6 : vector<255x3xi32>
    %convert_element_type3A_8 = arith.extui %eq3A_7 : vector<255x3xi1> to vector<255x3xi32>
    %convert_element_type3A_9 = arith.sitofp %convert_element_type3A_8 : vector<255x3xi32> to vector<255x3xf32>
    %get3A = arith.constant 0 : index
    %get3A_10 = arith.constant 0 : index
    %get3A_11 = arith.constant 0 : index
    %get3A_12 = arith.constant 0 : index
    %get3A_13 = vector.load %arg4[%get3A, %get3A_10, %get3A_11, %get3A_12] : memref<3x1x8x32xf32, #tpu.memory_space<vmem>>, vector<3x1x8x32xf32>
    %get3A_14 = arith.constant 0 : index
    %get3A_15 = arith.constant 0 : index
    %get3A_16 = arith.constant 0 : index
    %get3A_17 = arith.constant 0 : index
    %get3A_18 = vector.load %arg1[%get3A_14, %get3A_15, %get3A_16, %get3A_17] : memref<1x52x52x255xf32, #tpu.memory_space<vmem>>, vector<1x52x52x255xf32>
    %reshape3A = vector.shape_cast %get3A_18 : vector<1x52x52x255xf32> to vector<2704x255xf32>
    %dot_general3A = arith.constant dense<0.000000e+00> : vector<3x2704xf32>
    %dot_general3A_19 = tpu.matmul %convert_element_type3A_9, %reshape3A, %dot_general3A {dimension_numbers = #tpu.dot_dimension_numbers<[0], [1], [1], [0], [0, 1, 1, 0], [], []>, transpose_lhs_hint = false} : vector<255x3xf32>, vector<2704x255xf32>, vector<3x2704xf32> -> vector<3x2704xf32>
    %logistic3A = arith.negf %dot_general3A_19 : vector<3x2704xf32>
    %logistic3A_20 = math.exp %logistic3A : vector<3x2704xf32>
    %logistic3A_21 = arith.constant 1.000000e+00 : f32
    %logistic3A_22 = vector.broadcast %logistic3A_21 : f32 to vector<3x2704xf32>
    %logistic3A_23 = arith.addf %logistic3A_22, %logistic3A_20 : vector<3x2704xf32>
    %logistic3A_24 = arith.divf %logistic3A_22, %logistic3A_23 : vector<3x2704xf32>
    %jit3A = arith.constant 1.000000e-07 : f32
    %jit3A_25 = arith.constant 0.99999988 : f32
    %max3A = vector.broadcast %jit3A : f32 to vector<3x2704xf32>
    %max3A_26 = arith.maximumf %max3A, %logistic3A_24 : vector<3x2704xf32>
    %min3A = vector.broadcast %jit3A_25 : f32 to vector<3x2704xf32>
    %min3A_27 = arith.minimumf %min3A, %max3A_26 : vector<3x2704xf32>
    %sub3A = arith.constant 1.000000e+00 : f32
    %sub3A_28 = vector.broadcast %sub3A : f32 to vector<3x2704xf32>
    %sub3A_29 = arith.subf %sub3A_28, %min3A_27 : vector<3x2704xf32>
    %log3A = math.log %sub3A_29 : vector<3x2704xf32>
    %neg3A = arith.constant 0.000000e+00 : f32
    %neg3A_30 = vector.broadcast %neg3A : f32 to vector<3x2704xf32>
    %neg3A_31 = arith.subf %neg3A_30, %log3A : vector<3x2704xf32>
    %get3A_32 = arith.constant 0 : index
    %get3A_33 = memref.load %arg8[%get3A_32] : memref<3xf32, #tpu.memory_space<smem>>
    %reduce_sum3A = vector.shape_cast %neg3A_31 : vector<3x2704xf32> to vector<1x3x2704xf32>
    %reduce_sum3A_34 = arith.constant dense<0.000000e+00> : vector<1xf32>
    %reduce_sum3A_35 = vector.multi_reduction <add>, %reduce_sum3A, %reduce_sum3A_34 [1, 2] : vector<1x3x2704xf32> to vector<1xf32>
    %reduce_sum3A_36 = vector.shape_cast %reduce_sum3A_35 : vector<1xf32> to vector<1x1x1xf32>
    %reduce_sum3A_37 = vector.extract %reduce_sum3A_36[0, 0, 0] : f32 from vector<1x1x1xf32>
    %add3A_38 = arith.addf %get3A_33, %reduce_sum3A_37 : f32
    %swap3A = arith.constant 0 : index
    %swap3A_39 = memref.load %arg8[%swap3A] : memref<3xf32, #tpu.memory_space<smem>>
    memref.store %add3A_38, %arg8[%swap3A] : memref<3xf32, #tpu.memory_space<smem>>
    %slice3A = vector.extract_strided_slice %get3A_13 {offsets = [0, 0, 7, 0], sizes = [1, 1, 1, 32], strides = [1, 1, 1, 1]} : vector<3x1x8x32xf32> to vector<1x1x1x32xf32>
    %squeeze3A = vector.shape_cast %slice3A : vector<1x1x1x32xf32> to vector<32xf32>
    %convert_element_type3A_40 = arith.fptosi %squeeze3A : vector<32xf32> to vector<32xi32>
    %iota3A_41 = tpu.iota {dimensions = array<i32: 1>} : vector<32x2704xi32>
    %broadcast_in_dim3A = vector.shape_cast %convert_element_type3A_40 : vector<32xi32> to vector<32x1xi32>
    %eq3A_42 = vector.broadcast %broadcast_in_dim3A : vector<32x1xi32> to vector<32x2704xi32>
    %eq3A_43 = arith.cmpi eq, %iota3A_41, %eq3A_42 : vector<32x2704xi32>
    %convert_element_type3A_44 = arith.extui %eq3A_43 : vector<32x2704xi1> to vector<32x2704xi32>
    %convert_element_type3A_45 = arith.sitofp %convert_element_type3A_44 : vector<32x2704xi32> to vector<32x2704xf32>
    %dot_general3A_46 = arith.constant dense<0.000000e+00> : vector<32x255xf32>
    %dot_general3A_47 = tpu.matmul %convert_element_type3A_45, %reshape3A, %dot_general3A_46 {dimension_numbers = #tpu.dot_dimension_numbers<[1], [0], [0], [1], [0, 0, 1, 1], [], []>, transpose_lhs_hint = false} : vector<32x2704xf32>, vector<2704x255xf32>, vector<32x255xf32> -> vector<32x255xf32>
    %broadcast_in_dim3A_48 = vector.shape_cast %dot_general3A_47 : vector<32x255xf32> to vector<1x32x255xf32>
    %swap3A_49 = arith.constant 0 : index
    %swap3A_50 = arith.index_cast %arg0 : i32 to index
    %swap3A_51 = arith.constant 0 : index
    %swap3A_52 = arith.constant 0 : index
    %swap3A_53 = vector.load %arg9[%swap3A_49, %swap3A_50, %swap3A_51, %swap3A_52] : memref<3x16x32x255xf32, #tpu.memory_space<vmem>>, vector<1x1x32x255xf32>
    %swap3A_54 = vector.shape_cast %swap3A_53 : vector<1x1x32x255xf32> to vector<1x32x255xf32>
    %swap3A_55 = vector.shape_cast %broadcast_in_dim3A_48 : vector<1x32x255xf32> to vector<1x1x32x255xf32>
    tpu.vector_store %arg9[%swap3A_49, %swap3A_50, %swap3A_51, %swap3A_52], %swap3A_55 {strides = array<i32>} : memref<3x16x32x255xf32, #tpu.memory_space<vmem>>, vector<1x1x32x255xf32>,
    %get3A_56 = arith.constant 0 : index
    %get3A_57 = arith.constant 0 : index
    %get3A_58 = arith.constant 0 : index
    %get3A_59 = arith.constant 0 : index
    %get3A_60 = vector.load %arg2[%get3A_56, %get3A_57, %get3A_58, %get3A_59] : memref<1x26x26x255xf32, #tpu.memory_space<vmem>>, vector<1x26x26x255xf32>
    %reshape3A_61 = vector.shape_cast %get3A_60 : vector<1x26x26x255xf32> to vector<676x255xf32>
    %dot_general3A_62 = arith.constant dense<0.000000e+00> : vector<3x676xf32>
    %dot_general3A_63 = tpu.matmul %convert_element_type3A_9, %reshape3A_61, %dot_general3A_62 {dimension_numbers = #tpu.dot_dimension_numbers<[0], [1], [1], [0], [0, 1, 1, 0], [], []>, transpose_lhs_hint = false} : vector<255x3xf32>, vector<676x255xf32>, vector<3x676xf32> -> vector<3x676xf32>
    %logistic3A_64 = arith.negf %dot_general3A_63 : vector<3x676xf32>
    %logistic3A_65 = math.exp %logistic3A_64 : vector<3x676xf32>
    %logistic3A_66 = arith.constant 1.000000e+00 : f32
    %logistic3A_67 = vector.broadcast %logistic3A_66 : f32 to vector<3x676xf32>
    %logistic3A_68 = arith.addf %logistic3A_67, %logistic3A_65 : vector<3x676xf32>
    %logistic3A_69 = arith.divf %logistic3A_67, %logistic3A_68 : vector<3x676xf32>
    %jit3A_70 = arith.constant 1.000000e-07 : f32
    %jit3A_71 = arith.constant 0.99999988 : f32
    %max3A_72 = vector.broadcast %jit3A_70 : f32 to vector<3x676xf32>
    %max3A_73 = arith.maximumf %max3A_72, %logistic3A_69 : vector<3x676xf32>
    %min3A_74 = vector.broadcast %jit3A_71 : f32 to vector<3x676xf32>
    %min3A_75 = arith.minimumf %min3A_74, %max3A_73 : vector<3x676xf32>
    %sub3A_76 = arith.constant 1.000000e+00 : f32
    %sub3A_77 = vector.broadcast %sub3A_76 : f32 to vector<3x676xf32>
    %sub3A_78 = arith.subf %sub3A_77, %min3A_75 : vector<3x676xf32>
    %log3A_79 = math.log %sub3A_78 : vector<3x676xf32>
    %neg3A_80 = arith.constant 0.000000e+00 : f32
    %neg3A_81 = vector.broadcast %neg3A_80 : f32 to vector<3x676xf32>
    %neg3A_82 = arith.subf %neg3A_81, %log3A_79 : vector<3x676xf32>
    %get3A_83 = arith.constant 1 : index
    %get3A_84 = memref.load %arg8[%get3A_83] : memref<3xf32, #tpu.memory_space<smem>>
    %reduce_sum3A_85 = vector.shape_cast %neg3A_82 : vector<3x676xf32> to vector<1x3x676xf32>
    %reduce_sum3A_86 = arith.constant dense<0.000000e+00> : vector<1xf32>
    %reduce_sum3A_87 = vector.multi_reduction <add>, %reduce_sum3A_85, %reduce_sum3A_86 [1, 2] : vector<1x3x676xf32> to vector<1xf32>
    %reduce_sum3A_88 = vector.shape_cast %reduce_sum3A_87 : vector<1xf32> to vector<1x1x1xf32>
    %reduce_sum3A_89 = vector.extract %reduce_sum3A_88[0, 0, 0] : f32 from vector<1x1x1xf32>
    %add3A_90 = arith.addf %get3A_84, %reduce_sum3A_89 : f32
    %swap3A_91 = arith.constant 1 : index
    %swap3A_92 = memref.load %arg8[%swap3A_91] : memref<3xf32, #tpu.memory_space<smem>>
    memref.store %add3A_90, %arg8[%swap3A_91] : memref<3xf32, #tpu.memory_space<smem>>
    %slice3A_93 = vector.extract_strided_slice %get3A_13 {offsets = [1, 0, 7, 0], sizes = [1, 1, 1, 32], strides = [1, 1, 1, 1]} : vector<3x1x8x32xf32> to vector<1x1x1x32xf32>
    %squeeze3A_94 = vector.shape_cast %slice3A_93 : vector<1x1x1x32xf32> to vector<32xf32>
    %convert_element_type3A_95 = arith.fptosi %squeeze3A_94 : vector<32xf32> to vector<32xi32>
    %iota3A_96 = tpu.iota {dimensions = array<i32: 1>} : vector<32x676xi32>
    %broadcast_in_dim3A_97 = vector.shape_cast %convert_element_type3A_95 : vector<32xi32> to vector<32x1xi32>
    %eq3A_98 = vector.broadcast %broadcast_in_dim3A_97 : vector<32x1xi32> to vector<32x676xi32>
    %eq3A_99 = arith.cmpi eq, %iota3A_96, %eq3A_98 : vector<32x676xi32>
    %convert_element_type3A_100 = arith.extui %eq3A_99 : vector<32x676xi1> to vector<32x676xi32>
    %convert_element_type3A_101 = arith.sitofp %convert_element_type3A_100 : vector<32x676xi32> to vector<32x676xf32>
    %dot_general3A_102 = arith.constant dense<0.000000e+00> : vector<32x255xf32>
    %dot_general3A_103 = tpu.matmul %convert_element_type3A_101, %reshape3A_61, %dot_general3A_102 {dimension_numbers = #tpu.dot_dimension_numbers<[1], [0], [0], [1], [0, 0, 1, 1], [], []>, transpose_lhs_hint = false} : vector<32x676xf32>, vector<676x255xf32>, vector<32x255xf32> -> vector<32x255xf32>
    %broadcast_in_dim3A_104 = vector.shape_cast %dot_general3A_103 : vector<32x255xf32> to vector<1x32x255xf32>
    %swap3A_105 = arith.constant 1 : index
    %swap3A_106 = arith.index_cast %arg0 : i32 to index
    %swap3A_107 = arith.constant 0 : index
    %swap3A_108 = arith.constant 0 : index
    %swap3A_109 = vector.load %arg9[%swap3A_105, %swap3A_106, %swap3A_107, %swap3A_108] : memref<3x16x32x255xf32, #tpu.memory_space<vmem>>, vector<1x1x32x255xf32>
    %swap3A_110 = vector.shape_cast %swap3A_109 : vector<1x1x32x255xf32> to vector<1x32x255xf32>
    %swap3A_111 = vector.shape_cast %broadcast_in_dim3A_104 : vector<1x32x255xf32> to vector<1x1x32x255xf32>
    tpu.vector_store %arg9[%swap3A_105, %swap3A_106, %swap3A_107, %swap3A_108], %swap3A_111 {strides = array<i32>} : memref<3x16x32x255xf32, #tpu.memory_space<vmem>>, vector<1x1x32x255xf32>,
    %get3A_112 = arith.constant 0 : index
    %get3A_113 = arith.constant 0 : index
    %get3A_114 = arith.constant 0 : index
    %get3A_115 = arith.constant 0 : index
    %get3A_116 = vector.load %arg3[%get3A_112, %get3A_113, %get3A_114, %get3A_115] : memref<1x13x13x255xf32, #tpu.memory_space<vmem>>, vector<1x13x13x255xf32>
    %reshape3A_117 = vector.shape_cast %get3A_116 : vector<1x13x13x255xf32> to vector<169x255xf32>
    %dot_general3A_118 = arith.constant dense<0.000000e+00> : vector<3x169xf32>
    %dot_general3A_119 = tpu.matmul %convert_element_type3A_9, %reshape3A_117, %dot_general3A_118 {dimension_numbers = #tpu.dot_dimension_numbers<[0], [1], [1], [0], [0, 1, 1, 0], [], []>, transpose_lhs_hint = false} : vector<255x3xf32>, vector<169x255xf32>, vector<3x169xf32> -> vector<3x169xf32>
    %logistic3A_120 = arith.negf %dot_general3A_119 : vector<3x169xf32>
    %logistic3A_121 = math.exp %logistic3A_120 : vector<3x169xf32>
    %logistic3A_122 = arith.constant 1.000000e+00 : f32
    %logistic3A_123 = vector.broadcast %logistic3A_122 : f32 to vector<3x169xf32>
    %logistic3A_124 = arith.addf %logistic3A_123, %logistic3A_121 : vector<3x169xf32>
    %logistic3A_125 = arith.divf %logistic3A_123, %logistic3A_124 : vector<3x169xf32>
    %jit3A_126 = arith.constant 1.000000e-07 : f32
    %jit3A_127 = arith.constant 0.99999988 : f32
    %max3A_128 = vector.broadcast %jit3A_126 : f32 to vector<3x169xf32>
    %max3A_129 = arith.maximumf %max3A_128, %logistic3A_125 : vector<3x169xf32>
    %min3A_130 = vector.broadcast %jit3A_127 : f32 to vector<3x169xf32>
    %min3A_131 = arith.minimumf %min3A_130, %max3A_129 : vector<3x169xf32>
    %sub3A_132 = arith.constant 1.000000e+00 : f32
    %sub3A_133 = vector.broadcast %sub3A_132 : f32 to vector<3x169xf32>
    %sub3A_134 = arith.subf %sub3A_133, %min3A_131 : vector<3x169xf32>
    %log3A_135 = math.log %sub3A_134 : vector<3x169xf32>
    %neg3A_136 = arith.constant 0.000000e+00 : f32
    %neg3A_137 = vector.broadcast %neg3A_136 : f32 to vector<3x169xf32>
    %neg3A_138 = arith.subf %neg3A_137, %log3A_135 : vector<3x169xf32>
    %get3A_139 = arith.constant 2 : index
    %get3A_140 = memref.load %arg8[%get3A_139] : memref<3xf32, #tpu.memory_space<smem>>
    %reduce_sum3A_141 = vector.shape_cast %neg3A_138 : vector<3x169xf32> to vector<1x3x169xf32>
    %reduce_sum3A_142 = arith.constant dense<0.000000e+00> : vector<1xf32>
    %reduce_sum3A_143 = vector.multi_reduction <add>, %reduce_sum3A_141, %reduce_sum3A_142 [1, 2] : vector<1x3x169xf32> to vector<1xf32>
    %reduce_sum3A_144 = vector.shape_cast %reduce_sum3A_143 : vector<1xf32> to vector<1x1x1xf32>
    %reduce_sum3A_145 = vector.extract %reduce_sum3A_144[0, 0, 0] : f32 from vector<1x1x1xf32>
    %add3A_146 = arith.addf %get3A_140, %reduce_sum3A_145 : f32
    %swap3A_147 = arith.constant 2 : index
    %swap3A_148 = memref.load %arg8[%swap3A_147] : memref<3xf32, #tpu.memory_space<smem>>
    memref.store %add3A_146, %arg8[%swap3A_147] : memref<3xf32, #tpu.memory_space<smem>>
    %slice3A_149 = vector.extract_strided_slice %get3A_13 {offsets = [2, 0, 7, 0], sizes = [1, 1, 1, 32], strides = [1, 1, 1, 1]} : vector<3x1x8x32xf32> to vector<1x1x1x32xf32>
    %squeeze3A_150 = vector.shape_cast %slice3A_149 : vector<1x1x1x32xf32> to vector<32xf32>
    %convert_element_type3A_151 = arith.fptosi %squeeze3A_150 : vector<32xf32> to vector<32xi32>
    %iota3A_152 = tpu.iota {dimensions = array<i32: 1>} : vector<32x169xi32>
    %broadcast_in_dim3A_153 = vector.shape_cast %convert_element_type3A_151 : vector<32xi32> to vector<32x1xi32>
    %eq3A_154 = vector.broadcast %broadcast_in_dim3A_153 : vector<32x1xi32> to vector<32x169xi32>
    %eq3A_155 = arith.cmpi eq, %iota3A_152, %eq3A_154 : vector<32x169xi32>
    %convert_element_type3A_156 = arith.extui %eq3A_155 : vector<32x169xi1> to vector<32x169xi32>
    %convert_element_type3A_157 = arith.sitofp %convert_element_type3A_156 : vector<32x169xi32> to vector<32x169xf32>
    %dot_general3A_158 = arith.constant dense<0.000000e+00> : vector<32x255xf32>
    %dot_general3A_159 = tpu.matmul %convert_element_type3A_157, %reshape3A_117, %dot_general3A_158 {dimension_numbers = #tpu.dot_dimension_numbers<[1], [0], [0], [1], [0, 0, 1, 1], [], []>, transpose_lhs_hint = false} : vector<32x169xf32>, vector<169x255xf32>, vector<32x255xf32> -> vector<32x255xf32>
    %broadcast_in_dim3A_160 = vector.shape_cast %dot_general3A_159 : vector<32x255xf32> to vector<1x32x255xf32>
    %swap3A_161 = arith.constant 2 : index
    %swap3A_162 = arith.index_cast %arg0 : i32 to index
    %swap3A_163 = arith.constant 0 : index
    %swap3A_164 = arith.constant 0 : index
    %swap3A_165 = vector.load %arg9[%swap3A_161, %swap3A_162, %swap3A_163, %swap3A_164] : memref<3x16x32x255xf32, #tpu.memory_space<vmem>>, vector<1x1x32x255xf32>
    %swap3A_166 = vector.shape_cast %swap3A_165 : vector<1x1x32x255xf32> to vector<1x32x255xf32>
    %swap3A_167 = vector.shape_cast %broadcast_in_dim3A_160 : vector<1x32x255xf32> to vector<1x1x32x255xf32>
    tpu.vector_store %arg9[%swap3A_161, %swap3A_162, %swap3A_163, %swap3A_164], %swap3A_167 {strides = array<i32>} : memref<3x16x32x255xf32, #tpu.memory_space<vmem>>, vector<1x1x32x255xf32>,
    %eq3A_168 = arith.constant 15 : i32
    %eq3A_169 = arith.cmpi eq, %arg0, %eq3A_168 : i32
    %convert_element_type3A_170 = arith.extui %eq3A_169 : i1 to i32
    %cond3A_171 = arith.constant 0 : i32
    %cond3A_172 = arith.cmpi ne, %convert_element_type3A_170, %cond3A_171 : i32
    scf.if %cond3A_172 {
      %get3A_173 = arith.constant 0 : index
      %get3A_174 = arith.constant 0 : index
      %get3A_175 = arith.constant 0 : index
      %get3A_176 = vector.load %arg6[%get3A_173, %get3A_174, %get3A_175] : memref<16x32x5xf32, #tpu.memory_space<vmem>>, vector<16x32x5xf32>
      %get3A_177 = arith.constant 0 : index
      %get3A_178 = arith.constant 0 : index
      %get3A_179 = arith.constant 0 : index
      %get3A_180 = arith.constant 0 : index
      %get3A_181 = vector.load %arg9[%get3A_177, %get3A_178, %get3A_179, %get3A_180] : memref<3x16x32x255xf32, #tpu.memory_space<vmem>>, vector<1x16x32x255xf32>
      %get3A_182 = vector.shape_cast %get3A_181 : vector<1x16x32x255xf32> to vector<16x32x255xf32>
      %get3A_183 = arith.constant 0 : index
      %get3A_184 = arith.constant 0 : index
      %get3A_185 = arith.constant 0 : index
      %get3A_186 = arith.constant 0 : index
      %get3A_187 = vector.load %arg5[%get3A_183, %get3A_184, %get3A_185, %get3A_186] : memref<3x16x8x32xf32, #tpu.memory_space<vmem>>, vector<1x16x8x32xf32>
      %get3A_188 = vector.shape_cast %get3A_187 : vector<1x16x8x32xf32> to vector<16x8x32xf32>
      %slice3A_189 = vector.extract_strided_slice %get3A_188 {offsets = [0, 0, 0], sizes = [16, 1, 32], strides = [1, 1, 1]} : vector<16x8x32xf32> to vector<16x1x32xf32>
      %squeeze3A_190 = vector.shape_cast %slice3A_189 : vector<16x1x32xf32> to vector<16x32xf32>
      %slice3A_191 = vector.extract_strided_slice %get3A_188 {offsets = [0, 1, 0], sizes = [16, 1, 32], strides = [1, 1, 1]} : vector<16x8x32xf32> to vector<16x1x32xf32>
      %squeeze3A_192 = vector.shape_cast %slice3A_191 : vector<16x1x32xf32> to vector<16x32xf32>
      %slice3A_193 = vector.extract_strided_slice %get3A_188 {offsets = [0, 2, 0], sizes = [16, 1, 32], strides = [1, 1, 1]} : vector<16x8x32xf32> to vector<16x1x32xf32>
      %squeeze3A_194 = vector.shape_cast %slice3A_193 : vector<16x1x32xf32> to vector<16x32xf32>
      %slice3A_195 = vector.extract_strided_slice %get3A_188 {offsets = [0, 3, 0], sizes = [16, 1, 32], strides = [1, 1, 1]} : vector<16x8x32xf32> to vector<16x1x32xf32>
      %squeeze3A_196 = vector.shape_cast %slice3A_195 : vector<16x1x32xf32> to vector<16x32xf32>
      %slice3A_197 = vector.extract_strided_slice %get3A_188 {offsets = [0, 4, 0], sizes = [16, 1, 32], strides = [1, 1, 1]} : vector<16x8x32xf32> to vector<16x1x32xf32>
      %squeeze3A_198 = vector.shape_cast %slice3A_197 : vector<16x1x32xf32> to vector<16x32xf32>
      %slice3A_199 = vector.extract_strided_slice %get3A_188 {offsets = [0, 5, 0], sizes = [16, 1, 32], strides = [1, 1, 1]} : vector<16x8x32xf32> to vector<16x1x32xf32>
      %squeeze3A_200 = vector.shape_cast %slice3A_199 : vector<16x1x32xf32> to vector<16x32xf32>
      %slice3A_201 = vector.extract_strided_slice %get3A_188 {offsets = [0, 6, 0], sizes = [16, 1, 32], strides = [1, 1, 1]} : vector<16x8x32xf32> to vector<16x1x32xf32>
      %squeeze3A_202 = vector.shape_cast %slice3A_201 : vector<16x1x32xf32> to vector<16x32xf32>
      %broadcast_in_dim3A_203 = vector.shape_cast %squeeze3A_202 : vector<16x32xf32> to vector<16x32x1xf32>
      %eq3A_204 = arith.constant 0.000000e+00 : f32
      %eq3A_205 = vector.broadcast %eq3A_204 : f32 to vector<16x32x1xf32>
      %eq3A_206 = arith.cmpf oeq, %broadcast_in_dim3A_203, %eq3A_205 : vector<16x32x1xf32>
      %slice3A_207 = vector.extract_strided_slice %get3A_182 {offsets = [0, 0, 0], sizes = [16, 32, 85], strides = [1, 1, 1]} : vector<16x32x255xf32> to vector<16x32x85xf32>
      %eq3A_208 = arith.constant 1.000000e+00 : f32
      %eq3A_209 = vector.broadcast %eq3A_208 : f32 to vector<16x32x1xf32>
      %eq3A_210 = arith.cmpf oeq, %broadcast_in_dim3A_203, %eq3A_209 : vector<16x32x1xf32>
      %slice3A_211 = vector.extract_strided_slice %get3A_182 {offsets = [0, 0, 85], sizes = [16, 32, 85], strides = [1, 1, 1]} : vector<16x32x255xf32> to vector<16x32x85xf32>
      %slice3A_212 = vector.extract_strided_slice %get3A_182 {offsets = [0, 0, 170], sizes = [16, 32, 85], strides = [1, 1, 1]} : vector<16x32x255xf32> to vector<16x32x85xf32>
      %broadcast_in_dim3A_213 = vector.shape_cast %eq3A_210 : vector<16x32x1xi1> to vector<16x32x1xi1>
      %broadcast_in_dim3A_214 = vector.broadcast %broadcast_in_dim3A_213 : vector<16x32x1xi1> to vector<16x32x85xi1>
      %select_n3A = arith.select %broadcast_in_dim3A_214, %slice3A_211, %slice3A_212 : vector<16x32x85xi1>, vector<16x32x85xf32>
      %broadcast_in_dim3A_215 = vector.shape_cast %eq3A_206 : vector<16x32x1xi1> to vector<16x32x1xi1>
      %broadcast_in_dim3A_216 = vector.broadcast %broadcast_in_dim3A_215 : vector<16x32x1xi1> to vector<16x32x85xi1>
      %select_n3A_217 = arith.select %broadcast_in_dim3A_216, %slice3A_207, %select_n3A : vector<16x32x85xi1>, vector<16x32x85xf32>
      %slice3A_218 = vector.extract_strided_slice %get3A_176 {offsets = [0, 0, 0], sizes = [16, 32, 1], strides = [1, 1, 1]} : vector<16x32x5xf32> to vector<16x32x1xf32>
      %squeeze3A_219 = vector.shape_cast %slice3A_218 : vector<16x32x1xf32> to vector<16x32xf32>
      %mul3A_220 = arith.constant 5.200000e+01 : f32
      %mul3A_221 = vector.broadcast %mul3A_220 : f32 to vector<16x32xf32>
      %mul3A_222 = arith.mulf %squeeze3A_219, %mul3A_221 : vector<16x32xf32>
      %slice3A_223 = vector.extract_strided_slice %get3A_176 {offsets = [0, 0, 1], sizes = [16, 32, 1], strides = [1, 1, 1]} : vector<16x32x5xf32> to vector<16x32x1xf32>
      %squeeze3A_224 = vector.shape_cast %slice3A_223 : vector<16x32x1xf32> to vector<16x32xf32>
      %mul3A_225 = arith.constant 5.200000e+01 : f32
      %mul3A_226 = vector.broadcast %mul3A_225 : f32 to vector<16x32xf32>
      %mul3A_227 = arith.mulf %squeeze3A_224, %mul3A_226 : vector<16x32xf32>
      %slice3A_228 = vector.extract_strided_slice %get3A_176 {offsets = [0, 0, 2], sizes = [16, 32, 1], strides = [1, 1, 1]} : vector<16x32x5xf32> to vector<16x32x1xf32>
      %squeeze3A_229 = vector.shape_cast %slice3A_228 : vector<16x32x1xf32> to vector<16x32xf32>
      %mul3A_230 = arith.constant 5.200000e+01 : f32
      %mul3A_231 = vector.broadcast %mul3A_230 : f32 to vector<16x32xf32>
      %mul3A_232 = arith.mulf %squeeze3A_229, %mul3A_231 : vector<16x32xf32>
      %slice3A_233 = vector.extract_strided_slice %get3A_176 {offsets = [0, 0, 3], sizes = [16, 32, 1], strides = [1, 1, 1]} : vector<16x32x5xf32> to vector<16x32x1xf32>
      %squeeze3A_234 = vector.shape_cast %slice3A_233 : vector<16x32x1xf32> to vector<16x32xf32>
      %mul3A_235 = arith.constant 5.200000e+01 : f32
      %mul3A_236 = vector.broadcast %mul3A_235 : f32 to vector<16x32xf32>
      %mul3A_237 = arith.mulf %squeeze3A_234, %mul3A_236 : vector<16x32xf32>
      %slice3A_238 = vector.extract_strided_slice %get3A_176 {offsets = [0, 0, 4], sizes = [16, 32, 1], strides = [1, 1, 1]} : vector<16x32x5xf32> to vector<16x32x1xf32>
      %squeeze3A_239 = vector.shape_cast %slice3A_238 : vector<16x32x1xf32> to vector<16x32xf32>
      %convert_element_type3A_240 = arith.fptosi %squeeze3A_239 : vector<16x32xf32> to vector<16x32xi32>
      %slice3A_241 = vector.extract_strided_slice %select_n3A_217 {offsets = [0, 0, 0], sizes = [16, 32, 1], strides = [1, 1, 1]} : vector<16x32x85xf32> to vector<16x32x1xf32>
      %squeeze3A_242 = vector.shape_cast %slice3A_241 : vector<16x32x1xf32> to vector<16x32xf32>
      %logistic3A_243 = arith.negf %squeeze3A_242 : vector<16x32xf32>
      %logistic3A_244 = math.exp %logistic3A_243 : vector<16x32xf32>
      %logistic3A_245 = arith.constant 1.000000e+00 : f32
      %logistic3A_246 = vector.broadcast %logistic3A_245 : f32 to vector<16x32xf32>
      %logistic3A_247 = arith.addf %logistic3A_246, %logistic3A_244 : vector<16x32xf32>
      %logistic3A_248 = arith.divf %logistic3A_246, %logistic3A_247 : vector<16x32xf32>
      %add3A_249 = arith.addf %logistic3A_248, %squeeze3A_198 : vector<16x32xf32>
      %sub3A_250 = arith.subf %mul3A_222, %squeeze3A_198 : vector<16x32xf32>
      %sub3A_251 = arith.subf %add3A_249, %sub3A_250 : vector<16x32xf32>
      %slice3A_252 = vector.extract_strided_slice %select_n3A_217 {offsets = [0, 0, 1], sizes = [16, 32, 1], strides = [1, 1, 1]} : vector<16x32x85xf32> to vector<16x32x1xf32>
      %squeeze3A_253 = vector.shape_cast %slice3A_252 : vector<16x32x1xf32> to vector<16x32xf32>
      %logistic3A_254 = arith.negf %squeeze3A_253 : vector<16x32xf32>
      %logistic3A_255 = math.exp %logistic3A_254 : vector<16x32xf32>
      %logistic3A_256 = arith.constant 1.000000e+00 : f32
      %logistic3A_257 = vector.broadcast %logistic3A_256 : f32 to vector<16x32xf32>
      %logistic3A_258 = arith.addf %logistic3A_257, %logistic3A_255 : vector<16x32xf32>
      %logistic3A_259 = arith.divf %logistic3A_257, %logistic3A_258 : vector<16x32xf32>
      %add3A_260 = arith.addf %logistic3A_259, %squeeze3A_200 : vector<16x32xf32>
      %sub3A_261 = arith.subf %mul3A_227, %squeeze3A_200 : vector<16x32xf32>
      %sub3A_262 = arith.subf %add3A_260, %sub3A_261 : vector<16x32xf32>
      %slice3A_263 = vector.extract_strided_slice %select_n3A_217 {offsets = [0, 0, 2], sizes = [16, 32, 1], strides = [1, 1, 1]} : vector<16x32x85xf32> to vector<16x32x1xf32>
      %squeeze3A_264 = vector.shape_cast %slice3A_263 : vector<16x32x1xf32> to vector<16x32xf32>
      %exp3A = math.exp %squeeze3A_264 : vector<16x32xf32>
      %mul3A_265 = arith.mulf %exp3A, %squeeze3A_194 : vector<16x32xf32>
      %div3A = arith.divf %mul3A_232, %squeeze3A_194 : vector<16x32xf32>
      %add3A_266 = arith.constant 9.99999997E-7 : f32
      %add3A_267 = vector.broadcast %add3A_266 : f32 to vector<16x32xf32>
      %add3A_268 = arith.addf %div3A, %add3A_267 : vector<16x32xf32>
      %log3A_269 = math.log %add3A_268 : vector<16x32xf32>
      %sub3A_270 = arith.subf %mul3A_265, %log3A_269 : vector<16x32xf32>
      %slice3A_271 = vector.extract_strided_slice %select_n3A_217 {offsets = [0, 0, 3], sizes = [16, 32, 1], strides = [1, 1, 1]} : vector<16x32x85xf32> to vector<16x32x1xf32>
      %squeeze3A_272 = vector.shape_cast %slice3A_271 : vector<16x32x1xf32> to vector<16x32xf32>
      %exp3A_273 = math.exp %squeeze3A_272 : vector<16x32xf32>
      %mul3A_274 = arith.mulf %exp3A_273, %squeeze3A_196 : vector<16x32xf32>
      %div3A_275 = arith.divf %mul3A_237, %squeeze3A_196 : vector<16x32xf32>
      %add3A_276 = arith.constant 9.99999997E-7 : f32
      %add3A_277 = vector.broadcast %add3A_276 : f32 to vector<16x32xf32>
      %add3A_278 = arith.addf %div3A_275, %add3A_277 : vector<16x32xf32>
      %log3A_279 = math.log %add3A_278 : vector<16x32xf32>
      %sub3A_280 = arith.subf %mul3A_274, %log3A_279 : vector<16x32xf32>
      %mul3A_281 = arith.mulf %sub3A_251, %sub3A_251 : vector<16x32xf32>
      %mul3A_282 = arith.mulf %sub3A_262, %sub3A_262 : vector<16x32xf32>
      %add3A_283 = arith.addf %mul3A_281, %mul3A_282 : vector<16x32xf32>
      %mul3A_284 = arith.mulf %sub3A_270, %sub3A_270 : vector<16x32xf32>
      %add3A_285 = arith.addf %add3A_283, %mul3A_284 : vector<16x32xf32>
      %mul3A_286 = arith.mulf %sub3A_280, %sub3A_280 : vector<16x32xf32>
      %add3A_287 = arith.addf %add3A_285, %mul3A_286 : vector<16x32xf32>
      %mul3A_288 = arith.mulf %add3A_287, %squeeze3A_190 : vector<16x32xf32>
      %reduce_sum3A_289 = vector.shape_cast %mul3A_288 : vector<16x32xf32> to vector<1x16x32xf32>
      %reduce_sum3A_290 = arith.constant dense<0.000000e+00> : vector<1xf32>
      %reduce_sum3A_291 = vector.multi_reduction <add>, %reduce_sum3A_289, %reduce_sum3A_290 [1, 2] : vector<1x16x32xf32> to vector<1xf32>
      %reduce_sum3A_292 = vector.shape_cast %reduce_sum3A_291 : vector<1xf32> to vector<1x1x1xf32>
      %reduce_sum3A_293 = vector.extract %reduce_sum3A_292[0, 0, 0] : f32 from vector<1x1x1xf32>
      %mul3A_294 = arith.constant 5.000000e+00 : f32
      %mul3A_295 = arith.mulf %mul3A_294, %reduce_sum3A_293 : f32
      %div3A_296 = arith.constant 1.297920e+05 : f32
      %div3A_297 = arith.divf %mul3A_295, %div3A_296 : f32
      %slice3A_298 = vector.extract_strided_slice %select_n3A_217 {offsets = [0, 0, 4], sizes = [16, 32, 1], strides = [1, 1, 1]} : vector<16x32x85xf32> to vector<16x32x1xf32>
      %squeeze3A_299 = vector.shape_cast %slice3A_298 : vector<16x32x1xf32> to vector<16x32xf32>
      %logistic3A_300 = arith.negf %squeeze3A_299 : vector<16x32xf32>
      %logistic3A_301 = math.exp %logistic3A_300 : vector<16x32xf32>
      %logistic3A_302 = arith.constant 1.000000e+00 : f32
      %logistic3A_303 = vector.broadcast %logistic3A_302 : f32 to vector<16x32xf32>
      %logistic3A_304 = arith.addf %logistic3A_303, %logistic3A_301 : vector<16x32xf32>
      %logistic3A_305 = arith.divf %logistic3A_303, %logistic3A_304 : vector<16x32xf32>
      %reduce_sum3A_306 = vector.shape_cast %squeeze3A_190 : vector<16x32xf32> to vector<1x16x32xf32>
      %reduce_sum3A_307 = arith.constant dense<0.000000e+00> : vector<1xf32>
      %reduce_sum3A_308 = vector.multi_reduction <add>, %reduce_sum3A_306, %reduce_sum3A_307 [1, 2] : vector<1x16x32xf32> to vector<1xf32>
      %reduce_sum3A_309 = vector.shape_cast %reduce_sum3A_308 : vector<1xf32> to vector<1x1x1xf32>
      %reduce_sum3A_310 = vector.extract %reduce_sum3A_309[0, 0, 0] : f32 from vector<1x1x1xf32>
      %jit3A_311 = arith.constant 1.000000e-07 : f32
      %jit3A_312 = arith.constant 0.99999988 : f32
      %max3A_313 = vector.broadcast %jit3A_311 : f32 to vector<16x32xf32>
      %max3A_314 = arith.maximumf %max3A_313, %logistic3A_305 : vector<16x32xf32>
      %min3A_315 = vector.broadcast %jit3A_312 : f32 to vector<16x32xf32>
      %min3A_316 = arith.minimumf %min3A_315, %max3A_314 : vector<16x32xf32>
      %log3A_317 = math.log %min3A_316 : vector<16x32xf32>
      %neg3A_318 = arith.constant 0.000000e+00 : f32
      %neg3A_319 = vector.broadcast %neg3A_318 : f32 to vector<16x32xf32>
      %neg3A_320 = arith.subf %neg3A_319, %log3A_317 : vector<16x32xf32>
      %mul3A_321 = arith.mulf %neg3A_320, %squeeze3A_190 : vector<16x32xf32>
      %reduce_sum3A_322 = vector.shape_cast %mul3A_321 : vector<16x32xf32> to vector<1x16x32xf32>
      %reduce_sum3A_323 = arith.constant dense<0.000000e+00> : vector<1xf32>
      %reduce_sum3A_324 = vector.multi_reduction <add>, %reduce_sum3A_322, %reduce_sum3A_323 [1, 2] : vector<1x16x32xf32> to vector<1xf32>
      %reduce_sum3A_325 = vector.shape_cast %reduce_sum3A_324 : vector<1xf32> to vector<1x1x1xf32>
      %reduce_sum3A_326 = vector.extract %reduce_sum3A_325[0, 0, 0] : f32 from vector<1x1x1xf32>
      %sub3A_327 = arith.constant 1.297920e+05 : f32
      %sub3A_328 = arith.subf %sub3A_327, %reduce_sum3A_310 : f32
      %mul3A_329 = arith.constant 1.19209304E-7 : f32
      %mul3A_330 = arith.mulf %sub3A_328, %mul3A_329 : f32
      %add3A_331 = arith.addf %reduce_sum3A_326, %mul3A_330 : f32
      %div3A_332 = arith.constant 1.297920e+05 : f32
      %div3A_333 = arith.divf %add3A_331, %div3A_332 : f32
      %get3A_334 = arith.constant 0 : index
      %get3A_335 = memref.load %arg8[%get3A_334] : memref<3xf32, #tpu.memory_space<smem>>
      %jit3A_336 = arith.constant 1.000000e-07 : f32
      %jit3A_337 = arith.constant 0.99999988 : f32
      %max3A_338 = vector.broadcast %jit3A_336 : f32 to vector<16x32xf32>
      %max3A_339 = arith.maximumf %max3A_338, %logistic3A_305 : vector<16x32xf32>
      %min3A_340 = vector.broadcast %jit3A_337 : f32 to vector<16x32xf32>
      %min3A_341 = arith.minimumf %min3A_340, %max3A_339 : vector<16x32xf32>
      %sub3A_342 = arith.constant 1.000000e+00 : f32
      %sub3A_343 = vector.broadcast %sub3A_342 : f32 to vector<16x32xf32>
      %sub3A_344 = arith.subf %sub3A_343, %min3A_341 : vector<16x32xf32>
      %log3A_345 = math.log %sub3A_344 : vector<16x32xf32>
      %neg3A_346 = arith.constant 0.000000e+00 : f32
      %neg3A_347 = vector.broadcast %neg3A_346 : f32 to vector<16x32xf32>
      %neg3A_348 = arith.subf %neg3A_347, %log3A_345 : vector<16x32xf32>
      %mul3A_349 = arith.mulf %neg3A_348, %squeeze3A_190 : vector<16x32xf32>
      %reduce_sum3A_350 = vector.shape_cast %mul3A_349 : vector<16x32xf32> to vector<1x16x32xf32>
      %reduce_sum3A_351 = arith.constant dense<0.000000e+00> : vector<1xf32>
      %reduce_sum3A_352 = vector.multi_reduction <add>, %reduce_sum3A_350, %reduce_sum3A_351 [1, 2] : vector<1x16x32xf32> to vector<1xf32>
      %reduce_sum3A_353 = vector.shape_cast %reduce_sum3A_352 : vector<1xf32> to vector<1x1x1xf32>
      %reduce_sum3A_354 = vector.extract %reduce_sum3A_353[0, 0, 0] : f32 from vector<1x1x1xf32>
      %sub3A_355 = arith.subf %get3A_335, %reduce_sum3A_354 : f32
      %mul3A_356 = arith.constant 1.19209304E-7 : f32
      %mul3A_357 = arith.mulf %reduce_sum3A_310, %mul3A_356 : f32
      %add3A_358 = arith.addf %sub3A_355, %mul3A_357 : f32
      %mul3A_359 = arith.constant 5.000000e-01 : f32
      %mul3A_360 = arith.mulf %mul3A_359, %add3A_358 : f32
      %div3A_361 = arith.constant 1.297920e+05 : f32
      %div3A_362 = arith.divf %mul3A_360, %div3A_361 : f32
      %slice3A_363 = vector.extract_strided_slice %select_n3A_217 {offsets = [0, 0, 5], sizes = [16, 32, 80], strides = [1, 1, 1]} : vector<16x32x85xf32> to vector<16x32x80xf32>
      %logistic3A_364 = arith.negf %slice3A_363 : vector<16x32x80xf32>
      %logistic3A_365 = math.exp %logistic3A_364 : vector<16x32x80xf32>
      %logistic3A_366 = arith.constant 1.000000e+00 : f32
      %logistic3A_367 = vector.broadcast %logistic3A_366 : f32 to vector<16x32x80xf32>
      %logistic3A_368 = arith.addf %logistic3A_367, %logistic3A_365 : vector<16x32x80xf32>
      %logistic3A_369 = arith.divf %logistic3A_367, %logistic3A_368 : vector<16x32x80xf32>
      %jit3A_370 = arith.constant 1.000000e-07 : f32
      %jit3A_371 = arith.constant 0.99999988 : f32
      %max3A_372 = vector.broadcast %jit3A_370 : f32 to vector<16x32x80xf32>
      %max3A_373 = arith.maximumf %max3A_372, %logistic3A_369 : vector<16x32x80xf32>
      %min3A_374 = vector.broadcast %jit3A_371 : f32 to vector<16x32x80xf32>
      %min3A_375 = arith.minimumf %min3A_374, %max3A_373 : vector<16x32x80xf32>
      %sub3A_376 = arith.constant 1.000000e+00 : f32
      %sub3A_377 = vector.broadcast %sub3A_376 : f32 to vector<16x32x80xf32>
      %sub3A_378 = arith.subf %sub3A_377, %min3A_375 : vector<16x32x80xf32>
      %log3A_379 = math.log %sub3A_378 : vector<16x32x80xf32>
      %neg3A_380 = arith.constant 0.000000e+00 : f32
      %neg3A_381 = vector.broadcast %neg3A_380 : f32 to vector<16x32x80xf32>
      %neg3A_382 = arith.subf %neg3A_381, %log3A_379 : vector<16x32x80xf32>
      %reduce_sum3A_383 = arith.constant dense<0.000000e+00> : vector<16x32xf32>
      %reduce_sum3A_384 = vector.multi_reduction <add>, %neg3A_382, %reduce_sum3A_383 [2] : vector<16x32x80xf32> to vector<16x32xf32>
      %iota3A_385 = tpu.iota {dimensions = array<i32: 2>} : vector<16x32x80xi32>
      %broadcast_in_dim3A_386 = vector.shape_cast %convert_element_type3A_240 : vector<16x32xi32> to vector<16x32x1xi32>
      %eq3A_387 = vector.broadcast %broadcast_in_dim3A_386 : vector<16x32x1xi32> to vector<16x32x80xi32>
      %eq3A_388 = arith.cmpi eq, %iota3A_385, %eq3A_387 : vector<16x32x80xi32>
      %jit3A_389 = arith.constant 0.000000e+00 : f32
      %broadcast_in_dim3A_390 = vector.broadcast %jit3A_389 : f32 to vector<16x32x80xf32>
      %select_n3A_391 = arith.select %eq3A_388, %logistic3A_369, %broadcast_in_dim3A_390 : vector<16x32x80xi1>, vector<16x32x80xf32>
      %reduce_sum3A_392 = arith.constant dense<0.000000e+00> : vector<16x32xf32>
      %reduce_sum3A_393 = vector.multi_reduction <add>, %select_n3A_391, %reduce_sum3A_392 [2] : vector<16x32x80xf32> to vector<16x32xf32>
      %jit3A_394 = arith.constant 1.000000e-07 : f32
      %jit3A_395 = arith.constant 0.99999988 : f32
      %max3A_396 = vector.broadcast %jit3A_394 : f32 to vector<16x32xf32>
      %max3A_397 = arith.maximumf %max3A_396, %reduce_sum3A_393 : vector<16x32xf32>
      %min3A_398 = vector.broadcast %jit3A_395 : f32 to vector<16x32xf32>
      %min3A_399 = arith.minimumf %min3A_398, %max3A_397 : vector<16x32xf32>
      %log3A_400 = math.log %min3A_399 : vector<16x32xf32>
      %neg3A_401 = arith.constant 0.000000e+00 : f32
      %neg3A_402 = vector.broadcast %neg3A_401 : f32 to vector<16x32xf32>
      %neg3A_403 = arith.subf %neg3A_402, %log3A_400 : vector<16x32xf32>
      %jit3A_404 = arith.constant 1.000000e-07 : f32
      %jit3A_405 = arith.constant 0.99999988 : f32
      %max3A_406 = vector.broadcast %jit3A_404 : f32 to vector<16x32xf32>
      %max3A_407 = arith.maximumf %max3A_406, %reduce_sum3A_393 : vector<16x32xf32>
      %min3A_408 = vector.broadcast %jit3A_405 : f32 to vector<16x32xf32>
      %min3A_409 = arith.minimumf %min3A_408, %max3A_407 : vector<16x32xf32>
      %sub3A_410 = arith.constant 1.000000e+00 : f32
      %sub3A_411 = vector.broadcast %sub3A_410 : f32 to vector<16x32xf32>
      %sub3A_412 = arith.subf %sub3A_411, %min3A_409 : vector<16x32xf32>
      %log3A_413 = math.log %sub3A_412 : vector<16x32xf32>
      %add3A_414 = arith.addf %neg3A_403, %log3A_413 : vector<16x32xf32>
      %mul3A_415 = arith.mulf %reduce_sum3A_384, %squeeze3A_190 : vector<16x32xf32>
      %reduce_sum3A_416 = vector.shape_cast %mul3A_415 : vector<16x32xf32> to vector<1x16x32xf32>
      %reduce_sum3A_417 = arith.constant dense<0.000000e+00> : vector<1xf32>
      %reduce_sum3A_418 = vector.multi_reduction <add>, %reduce_sum3A_416, %reduce_sum3A_417 [1, 2] : vector<1x16x32xf32> to vector<1xf32>
      %reduce_sum3A_419 = vector.shape_cast %reduce_sum3A_418 : vector<1xf32> to vector<1x1x1xf32>
      %reduce_sum3A_420 = vector.extract %reduce_sum3A_419[0, 0, 0] : f32 from vector<1x1x1xf32>
      %mul3A_421 = arith.mulf %add3A_414, %squeeze3A_192 : vector<16x32xf32>
      %reduce_sum3A_422 = vector.shape_cast %mul3A_421 : vector<16x32xf32> to vector<1x16x32xf32>
      %reduce_sum3A_423 = arith.constant dense<0.000000e+00> : vector<1xf32>
      %reduce_sum3A_424 = vector.multi_reduction <add>, %reduce_sum3A_422, %reduce_sum3A_423 [1, 2] : vector<1x16x32xf32> to vector<1xf32>
      %reduce_sum3A_425 = vector.shape_cast %reduce_sum3A_424 : vector<1xf32> to vector<1x1x1xf32>
      %reduce_sum3A_426 = vector.extract %reduce_sum3A_425[0, 0, 0] : f32 from vector<1x1x1xf32>
      %add3A_427 = arith.addf %reduce_sum3A_420, %reduce_sum3A_426 : f32
      %sub3A_428 = arith.constant 1.297920e+05 : f32
      %sub3A_429 = arith.subf %sub3A_428, %reduce_sum3A_310 : f32
      %mul3A_430 = arith.constant 8.000000e+01 : f32
      %mul3A_431 = arith.mulf %sub3A_429, %mul3A_430 : f32
      %mul3A_432 = arith.constant 1.19209304E-7 : f32
      %mul3A_433 = arith.mulf %mul3A_431, %mul3A_432 : f32
      %add3A_434 = arith.addf %add3A_427, %mul3A_433 : f32
      %div3A_435 = arith.constant 0x4B1E7000 : f32
      %div3A_436 = arith.divf %add3A_434, %div3A_435 : f32
      %add3A_437 = arith.constant 0.000000e+00 : f32
      %add3A_438 = arith.addf %add3A_437, %div3A_297 : f32
      %add3A_439 = arith.addf %add3A_438, %div3A_333 : f32
      %add3A_440 = arith.addf %add3A_439, %div3A_362 : f32
      %add3A_441 = arith.addf %add3A_440, %div3A_436 : f32
      %get3A_442 = arith.constant 1 : index
      %get3A_443 = arith.constant 0 : index
      %get3A_444 = arith.constant 0 : index
      %get3A_445 = arith.constant 0 : index
      %get3A_446 = vector.load %arg9[%get3A_442, %get3A_443, %get3A_444, %get3A_445] : memref<3x16x32x255xf32, #tpu.memory_space<vmem>>, vector<1x16x32x255xf32>
      %get3A_447 = vector.shape_cast %get3A_446 : vector<1x16x32x255xf32> to vector<16x32x255xf32>
      %get3A_448 = arith.constant 1 : index
      %get3A_449 = arith.constant 0 : index
      %get3A_450 = arith.constant 0 : index
      %get3A_451 = arith.constant 0 : index
      %get3A_452 = vector.load %arg5[%get3A_448, %get3A_449, %get3A_450, %get3A_451] : memref<3x16x8x32xf32, #tpu.memory_space<vmem>>, vector<1x16x8x32xf32>
      %get3A_453 = vector.shape_cast %get3A_452 : vector<1x16x8x32xf32> to vector<16x8x32xf32>
      %slice3A_454 = vector.extract_strided_slice %get3A_453 {offsets = [0, 0, 0], sizes = [16, 1, 32], strides = [1, 1, 1]} : vector<16x8x32xf32> to vector<16x1x32xf32>
      %squeeze3A_455 = vector.shape_cast %slice3A_454 : vector<16x1x32xf32> to vector<16x32xf32>
      %slice3A_456 = vector.extract_strided_slice %get3A_453 {offsets = [0, 1, 0], sizes = [16, 1, 32], strides = [1, 1, 1]} : vector<16x8x32xf32> to vector<16x1x32xf32>
      %squeeze3A_457 = vector.shape_cast %slice3A_456 : vector<16x1x32xf32> to vector<16x32xf32>
      %slice3A_458 = vector.extract_strided_slice %get3A_453 {offsets = [0, 2, 0], sizes = [16, 1, 32], strides = [1, 1, 1]} : vector<16x8x32xf32> to vector<16x1x32xf32>
      %squeeze3A_459 = vector.shape_cast %slice3A_458 : vector<16x1x32xf32> to vector<16x32xf32>
      %slice3A_460 = vector.extract_strided_slice %get3A_453 {offsets = [0, 3, 0], sizes = [16, 1, 32], strides = [1, 1, 1]} : vector<16x8x32xf32> to vector<16x1x32xf32>
      %squeeze3A_461 = vector.shape_cast %slice3A_460 : vector<16x1x32xf32> to vector<16x32xf32>
      %slice3A_462 = vector.extract_strided_slice %get3A_453 {offsets = [0, 4, 0], sizes = [16, 1, 32], strides = [1, 1, 1]} : vector<16x8x32xf32> to vector<16x1x32xf32>
      %squeeze3A_463 = vector.shape_cast %slice3A_462 : vector<16x1x32xf32> to vector<16x32xf32>
      %slice3A_464 = vector.extract_strided_slice %get3A_453 {offsets = [0, 5, 0], sizes = [16, 1, 32], strides = [1, 1, 1]} : vector<16x8x32xf32> to vector<16x1x32xf32>
      %squeeze3A_465 = vector.shape_cast %slice3A_464 : vector<16x1x32xf32> to vector<16x32xf32>
      %slice3A_466 = vector.extract_strided_slice %get3A_453 {offsets = [0, 6, 0], sizes = [16, 1, 32], strides = [1, 1, 1]} : vector<16x8x32xf32> to vector<16x1x32xf32>
      %squeeze3A_467 = vector.shape_cast %slice3A_466 : vector<16x1x32xf32> to vector<16x32xf32>
      %broadcast_in_dim3A_468 = vector.shape_cast %squeeze3A_467 : vector<16x32xf32> to vector<16x32x1xf32>
      %eq3A_469 = arith.constant 0.000000e+00 : f32
      %eq3A_470 = vector.broadcast %eq3A_469 : f32 to vector<16x32x1xf32>
      %eq3A_471 = arith.cmpf oeq, %broadcast_in_dim3A_468, %eq3A_470 : vector<16x32x1xf32>
      %slice3A_472 = vector.extract_strided_slice %get3A_447 {offsets = [0, 0, 0], sizes = [16, 32, 85], strides = [1, 1, 1]} : vector<16x32x255xf32> to vector<16x32x85xf32>
      %eq3A_473 = arith.constant 1.000000e+00 : f32
      %eq3A_474 = vector.broadcast %eq3A_473 : f32 to vector<16x32x1xf32>
      %eq3A_475 = arith.cmpf oeq, %broadcast_in_dim3A_468, %eq3A_474 : vector<16x32x1xf32>
      %slice3A_476 = vector.extract_strided_slice %get3A_447 {offsets = [0, 0, 85], sizes = [16, 32, 85], strides = [1, 1, 1]} : vector<16x32x255xf32> to vector<16x32x85xf32>
      %slice3A_477 = vector.extract_strided_slice %get3A_447 {offsets = [0, 0, 170], sizes = [16, 32, 85], strides = [1, 1, 1]} : vector<16x32x255xf32> to vector<16x32x85xf32>
      %broadcast_in_dim3A_478 = vector.shape_cast %eq3A_475 : vector<16x32x1xi1> to vector<16x32x1xi1>
      %broadcast_in_dim3A_479 = vector.broadcast %broadcast_in_dim3A_478 : vector<16x32x1xi1> to vector<16x32x85xi1>
      %select_n3A_480 = arith.select %broadcast_in_dim3A_479, %slice3A_476, %slice3A_477 : vector<16x32x85xi1>, vector<16x32x85xf32>
      %broadcast_in_dim3A_481 = vector.shape_cast %eq3A_471 : vector<16x32x1xi1> to vector<16x32x1xi1>
      %broadcast_in_dim3A_482 = vector.broadcast %broadcast_in_dim3A_481 : vector<16x32x1xi1> to vector<16x32x85xi1>
      %select_n3A_483 = arith.select %broadcast_in_dim3A_482, %slice3A_472, %select_n3A_480 : vector<16x32x85xi1>, vector<16x32x85xf32>
      %slice3A_484 = vector.extract_strided_slice %get3A_176 {offsets = [0, 0, 0], sizes = [16, 32, 1], strides = [1, 1, 1]} : vector<16x32x5xf32> to vector<16x32x1xf32>
      %squeeze3A_485 = vector.shape_cast %slice3A_484 : vector<16x32x1xf32> to vector<16x32xf32>
      %mul3A_486 = arith.constant 2.600000e+01 : f32
      %mul3A_487 = vector.broadcast %mul3A_486 : f32 to vector<16x32xf32>
      %mul3A_488 = arith.mulf %squeeze3A_485, %mul3A_487 : vector<16x32xf32>
      %slice3A_489 = vector.extract_strided_slice %get3A_176 {offsets = [0, 0, 1], sizes = [16, 32, 1], strides = [1, 1, 1]} : vector<16x32x5xf32> to vector<16x32x1xf32>
      %squeeze3A_490 = vector.shape_cast %slice3A_489 : vector<16x32x1xf32> to vector<16x32xf32>
      %mul3A_491 = arith.constant 2.600000e+01 : f32
      %mul3A_492 = vector.broadcast %mul3A_491 : f32 to vector<16x32xf32>
      %mul3A_493 = arith.mulf %squeeze3A_490, %mul3A_492 : vector<16x32xf32>
      %slice3A_494 = vector.extract_strided_slice %get3A_176 {offsets = [0, 0, 2], sizes = [16, 32, 1], strides = [1, 1, 1]} : vector<16x32x5xf32> to vector<16x32x1xf32>
      %squeeze3A_495 = vector.shape_cast %slice3A_494 : vector<16x32x1xf32> to vector<16x32xf32>
      %mul3A_496 = arith.constant 2.600000e+01 : f32
      %mul3A_497 = vector.broadcast %mul3A_496 : f32 to vector<16x32xf32>
      %mul3A_498 = arith.mulf %squeeze3A_495, %mul3A_497 : vector<16x32xf32>
      %slice3A_499 = vector.extract_strided_slice %get3A_176 {offsets = [0, 0, 3], sizes = [16, 32, 1], strides = [1, 1, 1]} : vector<16x32x5xf32> to vector<16x32x1xf32>
      %squeeze3A_500 = vector.shape_cast %slice3A_499 : vector<16x32x1xf32> to vector<16x32xf32>
      %mul3A_501 = arith.constant 2.600000e+01 : f32
      %mul3A_502 = vector.broadcast %mul3A_501 : f32 to vector<16x32xf32>
      %mul3A_503 = arith.mulf %squeeze3A_500, %mul3A_502 : vector<16x32xf32>
      %slice3A_504 = vector.extract_strided_slice %get3A_176 {offsets = [0, 0, 4], sizes = [16, 32, 1], strides = [1, 1, 1]} : vector<16x32x5xf32> to vector<16x32x1xf32>
      %squeeze3A_505 = vector.shape_cast %slice3A_504 : vector<16x32x1xf32> to vector<16x32xf32>
      %convert_element_type3A_506 = arith.fptosi %squeeze3A_505 : vector<16x32xf32> to vector<16x32xi32>
      %slice3A_507 = vector.extract_strided_slice %select_n3A_483 {offsets = [0, 0, 0], sizes = [16, 32, 1], strides = [1, 1, 1]} : vector<16x32x85xf32> to vector<16x32x1xf32>
      %squeeze3A_508 = vector.shape_cast %slice3A_507 : vector<16x32x1xf32> to vector<16x32xf32>
      %logistic3A_509 = arith.negf %squeeze3A_508 : vector<16x32xf32>
      %logistic3A_510 = math.exp %logistic3A_509 : vector<16x32xf32>
      %logistic3A_511 = arith.constant 1.000000e+00 : f32
      %logistic3A_512 = vector.broadcast %logistic3A_511 : f32 to vector<16x32xf32>
      %logistic3A_513 = arith.addf %logistic3A_512, %logistic3A_510 : vector<16x32xf32>
      %logistic3A_514 = arith.divf %logistic3A_512, %logistic3A_513 : vector<16x32xf32>
      %add3A_515 = arith.addf %logistic3A_514, %squeeze3A_463 : vector<16x32xf32>
      %sub3A_516 = arith.subf %mul3A_488, %squeeze3A_463 : vector<16x32xf32>
      %sub3A_517 = arith.subf %add3A_515, %sub3A_516 : vector<16x32xf32>
      %slice3A_518 = vector.extract_strided_slice %select_n3A_483 {offsets = [0, 0, 1], sizes = [16, 32, 1], strides = [1, 1, 1]} : vector<16x32x85xf32> to vector<16x32x1xf32>
      %squeeze3A_519 = vector.shape_cast %slice3A_518 : vector<16x32x1xf32> to vector<16x32xf32>
      %logistic3A_520 = arith.negf %squeeze3A_519 : vector<16x32xf32>
      %logistic3A_521 = math.exp %logistic3A_520 : vector<16x32xf32>
      %logistic3A_522 = arith.constant 1.000000e+00 : f32
      %logistic3A_523 = vector.broadcast %logistic3A_522 : f32 to vector<16x32xf32>
      %logistic3A_524 = arith.addf %logistic3A_523, %logistic3A_521 : vector<16x32xf32>
      %logistic3A_525 = arith.divf %logistic3A_523, %logistic3A_524 : vector<16x32xf32>
      %add3A_526 = arith.addf %logistic3A_525, %squeeze3A_465 : vector<16x32xf32>
      %sub3A_527 = arith.subf %mul3A_493, %squeeze3A_465 : vector<16x32xf32>
      %sub3A_528 = arith.subf %add3A_526, %sub3A_527 : vector<16x32xf32>
      %slice3A_529 = vector.extract_strided_slice %select_n3A_483 {offsets = [0, 0, 2], sizes = [16, 32, 1], strides = [1, 1, 1]} : vector<16x32x85xf32> to vector<16x32x1xf32>
      %squeeze3A_530 = vector.shape_cast %slice3A_529 : vector<16x32x1xf32> to vector<16x32xf32>
      %exp3A_531 = math.exp %squeeze3A_530 : vector<16x32xf32>
      %mul3A_532 = arith.mulf %exp3A_531, %squeeze3A_459 : vector<16x32xf32>
      %div3A_533 = arith.divf %mul3A_498, %squeeze3A_459 : vector<16x32xf32>
      %add3A_534 = arith.constant 9.99999997E-7 : f32
      %add3A_535 = vector.broadcast %add3A_534 : f32 to vector<16x32xf32>
      %add3A_536 = arith.addf %div3A_533, %add3A_535 : vector<16x32xf32>
      %log3A_537 = math.log %add3A_536 : vector<16x32xf32>
      %sub3A_538 = arith.subf %mul3A_532, %log3A_537 : vector<16x32xf32>
      %slice3A_539 = vector.extract_strided_slice %select_n3A_483 {offsets = [0, 0, 3], sizes = [16, 32, 1], strides = [1, 1, 1]} : vector<16x32x85xf32> to vector<16x32x1xf32>
      %squeeze3A_540 = vector.shape_cast %slice3A_539 : vector<16x32x1xf32> to vector<16x32xf32>
      %exp3A_541 = math.exp %squeeze3A_540 : vector<16x32xf32>
      %mul3A_542 = arith.mulf %exp3A_541, %squeeze3A_461 : vector<16x32xf32>
      %div3A_543 = arith.divf %mul3A_503, %squeeze3A_461 : vector<16x32xf32>
      %add3A_544 = arith.constant 9.99999997E-7 : f32
      %add3A_545 = vector.broadcast %add3A_544 : f32 to vector<16x32xf32>
      %add3A_546 = arith.addf %div3A_543, %add3A_545 : vector<16x32xf32>
      %log3A_547 = math.log %add3A_546 : vector<16x32xf32>
      %sub3A_548 = arith.subf %mul3A_542, %log3A_547 : vector<16x32xf32>
      %mul3A_549 = arith.mulf %sub3A_517, %sub3A_517 : vector<16x32xf32>
      %mul3A_550 = arith.mulf %sub3A_528, %sub3A_528 : vector<16x32xf32>
      %add3A_551 = arith.addf %mul3A_549, %mul3A_550 : vector<16x32xf32>
      %mul3A_552 = arith.mulf %sub3A_538, %sub3A_538 : vector<16x32xf32>
      %add3A_553 = arith.addf %add3A_551, %mul3A_552 : vector<16x32xf32>
      %mul3A_554 = arith.mulf %sub3A_548, %sub3A_548 : vector<16x32xf32>
      %add3A_555 = arith.addf %add3A_553, %mul3A_554 : vector<16x32xf32>
      %mul3A_556 = arith.mulf %add3A_555, %squeeze3A_455 : vector<16x32xf32>
      %reduce_sum3A_557 = vector.shape_cast %mul3A_556 : vector<16x32xf32> to vector<1x16x32xf32>
      %reduce_sum3A_558 = arith.constant dense<0.000000e+00> : vector<1xf32>
      %reduce_sum3A_559 = vector.multi_reduction <add>, %reduce_sum3A_557, %reduce_sum3A_558 [1, 2] : vector<1x16x32xf32> to vector<1xf32>
      %reduce_sum3A_560 = vector.shape_cast %reduce_sum3A_559 : vector<1xf32> to vector<1x1x1xf32>
      %reduce_sum3A_561 = vector.extract %reduce_sum3A_560[0, 0, 0] : f32 from vector<1x1x1xf32>
      %mul3A_562 = arith.constant 5.000000e+00 : f32
      %mul3A_563 = arith.mulf %mul3A_562, %reduce_sum3A_561 : f32
      %div3A_564 = arith.constant 3.244800e+04 : f32
      %div3A_565 = arith.divf %mul3A_563, %div3A_564 : f32
      %slice3A_566 = vector.extract_strided_slice %select_n3A_483 {offsets = [0, 0, 4], sizes = [16, 32, 1], strides = [1, 1, 1]} : vector<16x32x85xf32> to vector<16x32x1xf32>
      %squeeze3A_567 = vector.shape_cast %slice3A_566 : vector<16x32x1xf32> to vector<16x32xf32>
      %logistic3A_568 = arith.negf %squeeze3A_567 : vector<16x32xf32>
      %logistic3A_569 = math.exp %logistic3A_568 : vector<16x32xf32>
      %logistic3A_570 = arith.constant 1.000000e+00 : f32
      %logistic3A_571 = vector.broadcast %logistic3A_570 : f32 to vector<16x32xf32>
      %logistic3A_572 = arith.addf %logistic3A_571, %logistic3A_569 : vector<16x32xf32>
      %logistic3A_573 = arith.divf %logistic3A_571, %logistic3A_572 : vector<16x32xf32>
      %reduce_sum3A_574 = vector.shape_cast %squeeze3A_455 : vector<16x32xf32> to vector<1x16x32xf32>
      %reduce_sum3A_575 = arith.constant dense<0.000000e+00> : vector<1xf32>
      %reduce_sum3A_576 = vector.multi_reduction <add>, %reduce_sum3A_574, %reduce_sum3A_575 [1, 2] : vector<1x16x32xf32> to vector<1xf32>
      %reduce_sum3A_577 = vector.shape_cast %reduce_sum3A_576 : vector<1xf32> to vector<1x1x1xf32>
      %reduce_sum3A_578 = vector.extract %reduce_sum3A_577[0, 0, 0] : f32 from vector<1x1x1xf32>
      %jit3A_579 = arith.constant 1.000000e-07 : f32
      %jit3A_580 = arith.constant 0.99999988 : f32
      %max3A_581 = vector.broadcast %jit3A_579 : f32 to vector<16x32xf32>
      %max3A_582 = arith.maximumf %max3A_581, %logistic3A_573 : vector<16x32xf32>
      %min3A_583 = vector.broadcast %jit3A_580 : f32 to vector<16x32xf32>
      %min3A_584 = arith.minimumf %min3A_583, %max3A_582 : vector<16x32xf32>
      %log3A_585 = math.log %min3A_584 : vector<16x32xf32>
      %neg3A_586 = arith.constant 0.000000e+00 : f32
      %neg3A_587 = vector.broadcast %neg3A_586 : f32 to vector<16x32xf32>
      %neg3A_588 = arith.subf %neg3A_587, %log3A_585 : vector<16x32xf32>
      %mul3A_589 = arith.mulf %neg3A_588, %squeeze3A_455 : vector<16x32xf32>
      %reduce_sum3A_590 = vector.shape_cast %mul3A_589 : vector<16x32xf32> to vector<1x16x32xf32>
      %reduce_sum3A_591 = arith.constant dense<0.000000e+00> : vector<1xf32>
      %reduce_sum3A_592 = vector.multi_reduction <add>, %reduce_sum3A_590, %reduce_sum3A_591 [1, 2] : vector<1x16x32xf32> to vector<1xf32>
      %reduce_sum3A_593 = vector.shape_cast %reduce_sum3A_592 : vector<1xf32> to vector<1x1x1xf32>
      %reduce_sum3A_594 = vector.extract %reduce_sum3A_593[0, 0, 0] : f32 from vector<1x1x1xf32>
      %sub3A_595 = arith.constant 3.244800e+04 : f32
      %sub3A_596 = arith.subf %sub3A_595, %reduce_sum3A_578 : f32
      %mul3A_597 = arith.constant 1.19209304E-7 : f32
      %mul3A_598 = arith.mulf %sub3A_596, %mul3A_597 : f32
      %add3A_599 = arith.addf %reduce_sum3A_594, %mul3A_598 : f32
      %div3A_600 = arith.constant 3.244800e+04 : f32
      %div3A_601 = arith.divf %add3A_599, %div3A_600 : f32
      %get3A_602 = arith.constant 1 : index
      %get3A_603 = memref.load %arg8[%get3A_602] : memref<3xf32, #tpu.memory_space<smem>>
      %jit3A_604 = arith.constant 1.000000e-07 : f32
      %jit3A_605 = arith.constant 0.99999988 : f32
      %max3A_606 = vector.broadcast %jit3A_604 : f32 to vector<16x32xf32>
      %max3A_607 = arith.maximumf %max3A_606, %logistic3A_573 : vector<16x32xf32>
      %min3A_608 = vector.broadcast %jit3A_605 : f32 to vector<16x32xf32>
      %min3A_609 = arith.minimumf %min3A_608, %max3A_607 : vector<16x32xf32>
      %sub3A_610 = arith.constant 1.000000e+00 : f32
      %sub3A_611 = vector.broadcast %sub3A_610 : f32 to vector<16x32xf32>
      %sub3A_612 = arith.subf %sub3A_611, %min3A_609 : vector<16x32xf32>
      %log3A_613 = math.log %sub3A_612 : vector<16x32xf32>
      %neg3A_614 = arith.constant 0.000000e+00 : f32
      %neg3A_615 = vector.broadcast %neg3A_614 : f32 to vector<16x32xf32>
      %neg3A_616 = arith.subf %neg3A_615, %log3A_613 : vector<16x32xf32>
      %mul3A_617 = arith.mulf %neg3A_616, %squeeze3A_455 : vector<16x32xf32>
      %reduce_sum3A_618 = vector.shape_cast %mul3A_617 : vector<16x32xf32> to vector<1x16x32xf32>
      %reduce_sum3A_619 = arith.constant dense<0.000000e+00> : vector<1xf32>
      %reduce_sum3A_620 = vector.multi_reduction <add>, %reduce_sum3A_618, %reduce_sum3A_619 [1, 2] : vector<1x16x32xf32> to vector<1xf32>
      %reduce_sum3A_621 = vector.shape_cast %reduce_sum3A_620 : vector<1xf32> to vector<1x1x1xf32>
      %reduce_sum3A_622 = vector.extract %reduce_sum3A_621[0, 0, 0] : f32 from vector<1x1x1xf32>
      %sub3A_623 = arith.subf %get3A_603, %reduce_sum3A_622 : f32
      %mul3A_624 = arith.constant 1.19209304E-7 : f32
      %mul3A_625 = arith.mulf %reduce_sum3A_578, %mul3A_624 : f32
      %add3A_626 = arith.addf %sub3A_623, %mul3A_625 : f32
      %mul3A_627 = arith.constant 5.000000e-01 : f32
      %mul3A_628 = arith.mulf %mul3A_627, %add3A_626 : f32
      %div3A_629 = arith.constant 3.244800e+04 : f32
      %div3A_630 = arith.divf %mul3A_628, %div3A_629 : f32
      %slice3A_631 = vector.extract_strided_slice %select_n3A_483 {offsets = [0, 0, 5], sizes = [16, 32, 80], strides = [1, 1, 1]} : vector<16x32x85xf32> to vector<16x32x80xf32>
      %logistic3A_632 = arith.negf %slice3A_631 : vector<16x32x80xf32>
      %logistic3A_633 = math.exp %logistic3A_632 : vector<16x32x80xf32>
      %logistic3A_634 = arith.constant 1.000000e+00 : f32
      %logistic3A_635 = vector.broadcast %logistic3A_634 : f32 to vector<16x32x80xf32>
      %logistic3A_636 = arith.addf %logistic3A_635, %logistic3A_633 : vector<16x32x80xf32>
      %logistic3A_637 = arith.divf %logistic3A_635, %logistic3A_636 : vector<16x32x80xf32>
      %jit3A_638 = arith.constant 1.000000e-07 : f32
      %jit3A_639 = arith.constant 0.99999988 : f32
      %max3A_640 = vector.broadcast %jit3A_638 : f32 to vector<16x32x80xf32>
      %max3A_641 = arith.maximumf %max3A_640, %logistic3A_637 : vector<16x32x80xf32>
      %min3A_642 = vector.broadcast %jit3A_639 : f32 to vector<16x32x80xf32>
      %min3A_643 = arith.minimumf %min3A_642, %max3A_641 : vector<16x32x80xf32>
      %sub3A_644 = arith.constant 1.000000e+00 : f32
      %sub3A_645 = vector.broadcast %sub3A_644 : f32 to vector<16x32x80xf32>
      %sub3A_646 = arith.subf %sub3A_645, %min3A_643 : vector<16x32x80xf32>
      %log3A_647 = math.log %sub3A_646 : vector<16x32x80xf32>
      %neg3A_648 = arith.constant 0.000000e+00 : f32
      %neg3A_649 = vector.broadcast %neg3A_648 : f32 to vector<16x32x80xf32>
      %neg3A_650 = arith.subf %neg3A_649, %log3A_647 : vector<16x32x80xf32>
      %reduce_sum3A_651 = arith.constant dense<0.000000e+00> : vector<16x32xf32>
      %reduce_sum3A_652 = vector.multi_reduction <add>, %neg3A_650, %reduce_sum3A_651 [2] : vector<16x32x80xf32> to vector<16x32xf32>
      %iota3A_653 = tpu.iota {dimensions = array<i32: 2>} : vector<16x32x80xi32>
      %broadcast_in_dim3A_654 = vector.shape_cast %convert_element_type3A_506 : vector<16x32xi32> to vector<16x32x1xi32>
      %eq3A_655 = vector.broadcast %broadcast_in_dim3A_654 : vector<16x32x1xi32> to vector<16x32x80xi32>
      %eq3A_656 = arith.cmpi eq, %iota3A_653, %eq3A_655 : vector<16x32x80xi32>
      %jit3A_657 = arith.constant 0.000000e+00 : f32
      %broadcast_in_dim3A_658 = vector.broadcast %jit3A_657 : f32 to vector<16x32x80xf32>
      %select_n3A_659 = arith.select %eq3A_656, %logistic3A_637, %broadcast_in_dim3A_658 : vector<16x32x80xi1>, vector<16x32x80xf32>
      %reduce_sum3A_660 = arith.constant dense<0.000000e+00> : vector<16x32xf32>
      %reduce_sum3A_661 = vector.multi_reduction <add>, %select_n3A_659, %reduce_sum3A_660 [2] : vector<16x32x80xf32> to vector<16x32xf32>
      %jit3A_662 = arith.constant 1.000000e-07 : f32
      %jit3A_663 = arith.constant 0.99999988 : f32
      %max3A_664 = vector.broadcast %jit3A_662 : f32 to vector<16x32xf32>
      %max3A_665 = arith.maximumf %max3A_664, %reduce_sum3A_661 : vector<16x32xf32>
      %min3A_666 = vector.broadcast %jit3A_663 : f32 to vector<16x32xf32>
      %min3A_667 = arith.minimumf %min3A_666, %max3A_665 : vector<16x32xf32>
      %log3A_668 = math.log %min3A_667 : vector<16x32xf32>
      %neg3A_669 = arith.constant 0.000000e+00 : f32
      %neg3A_670 = vector.broadcast %neg3A_669 : f32 to vector<16x32xf32>
      %neg3A_671 = arith.subf %neg3A_670, %log3A_668 : vector<16x32xf32>
      %jit3A_672 = arith.constant 1.000000e-07 : f32
      %jit3A_673 = arith.constant 0.99999988 : f32
      %max3A_674 = vector.broadcast %jit3A_672 : f32 to vector<16x32xf32>
      %max3A_675 = arith.maximumf %max3A_674, %reduce_sum3A_661 : vector<16x32xf32>
      %min3A_676 = vector.broadcast %jit3A_673 : f32 to vector<16x32xf32>
      %min3A_677 = arith.minimumf %min3A_676, %max3A_675 : vector<16x32xf32>
      %sub3A_678 = arith.constant 1.000000e+00 : f32
      %sub3A_679 = vector.broadcast %sub3A_678 : f32 to vector<16x32xf32>
      %sub3A_680 = arith.subf %sub3A_679, %min3A_677 : vector<16x32xf32>
      %log3A_681 = math.log %sub3A_680 : vector<16x32xf32>
      %add3A_682 = arith.addf %neg3A_671, %log3A_681 : vector<16x32xf32>
      %mul3A_683 = arith.mulf %reduce_sum3A_652, %squeeze3A_455 : vector<16x32xf32>
      %reduce_sum3A_684 = vector.shape_cast %mul3A_683 : vector<16x32xf32> to vector<1x16x32xf32>
      %reduce_sum3A_685 = arith.constant dense<0.000000e+00> : vector<1xf32>
      %reduce_sum3A_686 = vector.multi_reduction <add>, %reduce_sum3A_684, %reduce_sum3A_685 [1, 2] : vector<1x16x32xf32> to vector<1xf32>
      %reduce_sum3A_687 = vector.shape_cast %reduce_sum3A_686 : vector<1xf32> to vector<1x1x1xf32>
      %reduce_sum3A_688 = vector.extract %reduce_sum3A_687[0, 0, 0] : f32 from vector<1x1x1xf32>
      %mul3A_689 = arith.mulf %add3A_682, %squeeze3A_457 : vector<16x32xf32>
      %reduce_sum3A_690 = vector.shape_cast %mul3A_689 : vector<16x32xf32> to vector<1x16x32xf32>
      %reduce_sum3A_691 = arith.constant dense<0.000000e+00> : vector<1xf32>
      %reduce_sum3A_692 = vector.multi_reduction <add>, %reduce_sum3A_690, %reduce_sum3A_691 [1, 2] : vector<1x16x32xf32> to vector<1xf32>
      %reduce_sum3A_693 = vector.shape_cast %reduce_sum3A_692 : vector<1xf32> to vector<1x1x1xf32>
      %reduce_sum3A_694 = vector.extract %reduce_sum3A_693[0, 0, 0] : f32 from vector<1x1x1xf32>
      %add3A_695 = arith.addf %reduce_sum3A_688, %reduce_sum3A_694 : f32
      %sub3A_696 = arith.constant 3.244800e+04 : f32
      %sub3A_697 = arith.subf %sub3A_696, %reduce_sum3A_578 : f32
      %mul3A_698 = arith.constant 8.000000e+01 : f32
      %mul3A_699 = arith.mulf %sub3A_697, %mul3A_698 : f32
      %mul3A_700 = arith.constant 1.19209304E-7 : f32
      %mul3A_701 = arith.mulf %mul3A_699, %mul3A_700 : f32
      %add3A_702 = arith.addf %add3A_695, %mul3A_701 : f32
      %div3A_703 = arith.constant 2.595840e+06 : f32
      %div3A_704 = arith.divf %add3A_702, %div3A_703 : f32
      %add3A_705 = arith.addf %add3A_441, %div3A_565 : f32
      %add3A_706 = arith.addf %add3A_705, %div3A_601 : f32
      %add3A_707 = arith.addf %add3A_706, %div3A_630 : f32
      %add3A_708 = arith.addf %add3A_707, %div3A_704 : f32
      %get3A_709 = arith.constant 2 : index
      %get3A_710 = arith.constant 0 : index
      %get3A_711 = arith.constant 0 : index
      %get3A_712 = arith.constant 0 : index
      %get3A_713 = vector.load %arg9[%get3A_709, %get3A_710, %get3A_711, %get3A_712] : memref<3x16x32x255xf32, #tpu.memory_space<vmem>>, vector<1x16x32x255xf32>
      %get3A_714 = vector.shape_cast %get3A_713 : vector<1x16x32x255xf32> to vector<16x32x255xf32>
      %get3A_715 = arith.constant 2 : index
      %get3A_716 = arith.constant 0 : index
      %get3A_717 = arith.constant 0 : index
      %get3A_718 = arith.constant 0 : index
      %get3A_719 = vector.load %arg5[%get3A_715, %get3A_716, %get3A_717, %get3A_718] : memref<3x16x8x32xf32, #tpu.memory_space<vmem>>, vector<1x16x8x32xf32>
      %get3A_720 = vector.shape_cast %get3A_719 : vector<1x16x8x32xf32> to vector<16x8x32xf32>
      %slice3A_721 = vector.extract_strided_slice %get3A_720 {offsets = [0, 0, 0], sizes = [16, 1, 32], strides = [1, 1, 1]} : vector<16x8x32xf32> to vector<16x1x32xf32>
      %squeeze3A_722 = vector.shape_cast %slice3A_721 : vector<16x1x32xf32> to vector<16x32xf32>
      %slice3A_723 = vector.extract_strided_slice %get3A_720 {offsets = [0, 1, 0], sizes = [16, 1, 32], strides = [1, 1, 1]} : vector<16x8x32xf32> to vector<16x1x32xf32>
      %squeeze3A_724 = vector.shape_cast %slice3A_723 : vector<16x1x32xf32> to vector<16x32xf32>
      %slice3A_725 = vector.extract_strided_slice %get3A_720 {offsets = [0, 2, 0], sizes = [16, 1, 32], strides = [1, 1, 1]} : vector<16x8x32xf32> to vector<16x1x32xf32>
      %squeeze3A_726 = vector.shape_cast %slice3A_725 : vector<16x1x32xf32> to vector<16x32xf32>
      %slice3A_727 = vector.extract_strided_slice %get3A_720 {offsets = [0, 3, 0], sizes = [16, 1, 32], strides = [1, 1, 1]} : vector<16x8x32xf32> to vector<16x1x32xf32>
      %squeeze3A_728 = vector.shape_cast %slice3A_727 : vector<16x1x32xf32> to vector<16x32xf32>
      %slice3A_729 = vector.extract_strided_slice %get3A_720 {offsets = [0, 4, 0], sizes = [16, 1, 32], strides = [1, 1, 1]} : vector<16x8x32xf32> to vector<16x1x32xf32>
      %squeeze3A_730 = vector.shape_cast %slice3A_729 : vector<16x1x32xf32> to vector<16x32xf32>
      %slice3A_731 = vector.extract_strided_slice %get3A_720 {offsets = [0, 5, 0], sizes = [16, 1, 32], strides = [1, 1, 1]} : vector<16x8x32xf32> to vector<16x1x32xf32>
      %squeeze3A_732 = vector.shape_cast %slice3A_731 : vector<16x1x32xf32> to vector<16x32xf32>
      %slice3A_733 = vector.extract_strided_slice %get3A_720 {offsets = [0, 6, 0], sizes = [16, 1, 32], strides = [1, 1, 1]} : vector<16x8x32xf32> to vector<16x1x32xf32>
      %squeeze3A_734 = vector.shape_cast %slice3A_733 : vector<16x1x32xf32> to vector<16x32xf32>
      %broadcast_in_dim3A_735 = vector.shape_cast %squeeze3A_734 : vector<16x32xf32> to vector<16x32x1xf32>
      %eq3A_736 = arith.constant 0.000000e+00 : f32
      %eq3A_737 = vector.broadcast %eq3A_736 : f32 to vector<16x32x1xf32>
      %eq3A_738 = arith.cmpf oeq, %broadcast_in_dim3A_735, %eq3A_737 : vector<16x32x1xf32>
      %slice3A_739 = vector.extract_strided_slice %get3A_714 {offsets = [0, 0, 0], sizes = [16, 32, 85], strides = [1, 1, 1]} : vector<16x32x255xf32> to vector<16x32x85xf32>
      %eq3A_740 = arith.constant 1.000000e+00 : f32
      %eq3A_741 = vector.broadcast %eq3A_740 : f32 to vector<16x32x1xf32>
      %eq3A_742 = arith.cmpf oeq, %broadcast_in_dim3A_735, %eq3A_741 : vector<16x32x1xf32>
      %slice3A_743 = vector.extract_strided_slice %get3A_714 {offsets = [0, 0, 85], sizes = [16, 32, 85], strides = [1, 1, 1]} : vector<16x32x255xf32> to vector<16x32x85xf32>
      %slice3A_744 = vector.extract_strided_slice %get3A_714 {offsets = [0, 0, 170], sizes = [16, 32, 85], strides = [1, 1, 1]} : vector<16x32x255xf32> to vector<16x32x85xf32>
      %broadcast_in_dim3A_745 = vector.shape_cast %eq3A_742 : vector<16x32x1xi1> to vector<16x32x1xi1>
      %broadcast_in_dim3A_746 = vector.broadcast %broadcast_in_dim3A_745 : vector<16x32x1xi1> to vector<16x32x85xi1>
      %select_n3A_747 = arith.select %broadcast_in_dim3A_746, %slice3A_743, %slice3A_744 : vector<16x32x85xi1>, vector<16x32x85xf32>
      %broadcast_in_dim3A_748 = vector.shape_cast %eq3A_738 : vector<16x32x1xi1> to vector<16x32x1xi1>
      %broadcast_in_dim3A_749 = vector.broadcast %broadcast_in_dim3A_748 : vector<16x32x1xi1> to vector<16x32x85xi1>
      %select_n3A_750 = arith.select %broadcast_in_dim3A_749, %slice3A_739, %select_n3A_747 : vector<16x32x85xi1>, vector<16x32x85xf32>
      %slice3A_751 = vector.extract_strided_slice %get3A_176 {offsets = [0, 0, 0], sizes = [16, 32, 1], strides = [1, 1, 1]} : vector<16x32x5xf32> to vector<16x32x1xf32>
      %squeeze3A_752 = vector.shape_cast %slice3A_751 : vector<16x32x1xf32> to vector<16x32xf32>
      %mul3A_753 = arith.constant 1.300000e+01 : f32
      %mul3A_754 = vector.broadcast %mul3A_753 : f32 to vector<16x32xf32>
      %mul3A_755 = arith.mulf %squeeze3A_752, %mul3A_754 : vector<16x32xf32>
      %slice3A_756 = vector.extract_strided_slice %get3A_176 {offsets = [0, 0, 1], sizes = [16, 32, 1], strides = [1, 1, 1]} : vector<16x32x5xf32> to vector<16x32x1xf32>
      %squeeze3A_757 = vector.shape_cast %slice3A_756 : vector<16x32x1xf32> to vector<16x32xf32>
      %mul3A_758 = arith.constant 1.300000e+01 : f32
      %mul3A_759 = vector.broadcast %mul3A_758 : f32 to vector<16x32xf32>
      %mul3A_760 = arith.mulf %squeeze3A_757, %mul3A_759 : vector<16x32xf32>
      %slice3A_761 = vector.extract_strided_slice %get3A_176 {offsets = [0, 0, 2], sizes = [16, 32, 1], strides = [1, 1, 1]} : vector<16x32x5xf32> to vector<16x32x1xf32>
      %squeeze3A_762 = vector.shape_cast %slice3A_761 : vector<16x32x1xf32> to vector<16x32xf32>
      %mul3A_763 = arith.constant 1.300000e+01 : f32
      %mul3A_764 = vector.broadcast %mul3A_763 : f32 to vector<16x32xf32>
      %mul3A_765 = arith.mulf %squeeze3A_762, %mul3A_764 : vector<16x32xf32>
      %slice3A_766 = vector.extract_strided_slice %get3A_176 {offsets = [0, 0, 3], sizes = [16, 32, 1], strides = [1, 1, 1]} : vector<16x32x5xf32> to vector<16x32x1xf32>
      %squeeze3A_767 = vector.shape_cast %slice3A_766 : vector<16x32x1xf32> to vector<16x32xf32>
      %mul3A_768 = arith.constant 1.300000e+01 : f32
      %mul3A_769 = vector.broadcast %mul3A_768 : f32 to vector<16x32xf32>
      %mul3A_770 = arith.mulf %squeeze3A_767, %mul3A_769 : vector<16x32xf32>
      %slice3A_771 = vector.extract_strided_slice %get3A_176 {offsets = [0, 0, 4], sizes = [16, 32, 1], strides = [1, 1, 1]} : vector<16x32x5xf32> to vector<16x32x1xf32>
      %squeeze3A_772 = vector.shape_cast %slice3A_771 : vector<16x32x1xf32> to vector<16x32xf32>
      %convert_element_type3A_773 = arith.fptosi %squeeze3A_772 : vector<16x32xf32> to vector<16x32xi32>
      %slice3A_774 = vector.extract_strided_slice %select_n3A_750 {offsets = [0, 0, 0], sizes = [16, 32, 1], strides = [1, 1, 1]} : vector<16x32x85xf32> to vector<16x32x1xf32>
      %squeeze3A_775 = vector.shape_cast %slice3A_774 : vector<16x32x1xf32> to vector<16x32xf32>
      %logistic3A_776 = arith.negf %squeeze3A_775 : vector<16x32xf32>
      %logistic3A_777 = math.exp %logistic3A_776 : vector<16x32xf32>
      %logistic3A_778 = arith.constant 1.000000e+00 : f32
      %logistic3A_779 = vector.broadcast %logistic3A_778 : f32 to vector<16x32xf32>
      %logistic3A_780 = arith.addf %logistic3A_779, %logistic3A_777 : vector<16x32xf32>
      %logistic3A_781 = arith.divf %logistic3A_779, %logistic3A_780 : vector<16x32xf32>
      %add3A_782 = arith.addf %logistic3A_781, %squeeze3A_730 : vector<16x32xf32>
      %sub3A_783 = arith.subf %mul3A_755, %squeeze3A_730 : vector<16x32xf32>
      %sub3A_784 = arith.subf %add3A_782, %sub3A_783 : vector<16x32xf32>
      %slice3A_785 = vector.extract_strided_slice %select_n3A_750 {offsets = [0, 0, 1], sizes = [16, 32, 1], strides = [1, 1, 1]} : vector<16x32x85xf32> to vector<16x32x1xf32>
      %squeeze3A_786 = vector.shape_cast %slice3A_785 : vector<16x32x1xf32> to vector<16x32xf32>
      %logistic3A_787 = arith.negf %squeeze3A_786 : vector<16x32xf32>
      %logistic3A_788 = math.exp %logistic3A_787 : vector<16x32xf32>
      %logistic3A_789 = arith.constant 1.000000e+00 : f32
      %logistic3A_790 = vector.broadcast %logistic3A_789 : f32 to vector<16x32xf32>
      %logistic3A_791 = arith.addf %logistic3A_790, %logistic3A_788 : vector<16x32xf32>
      %logistic3A_792 = arith.divf %logistic3A_790, %logistic3A_791 : vector<16x32xf32>
      %add3A_793 = arith.addf %logistic3A_792, %squeeze3A_732 : vector<16x32xf32>
      %sub3A_794 = arith.subf %mul3A_760, %squeeze3A_732 : vector<16x32xf32>
      %sub3A_795 = arith.subf %add3A_793, %sub3A_794 : vector<16x32xf32>
      %slice3A_796 = vector.extract_strided_slice %select_n3A_750 {offsets = [0, 0, 2], sizes = [16, 32, 1], strides = [1, 1, 1]} : vector<16x32x85xf32> to vector<16x32x1xf32>
      %squeeze3A_797 = vector.shape_cast %slice3A_796 : vector<16x32x1xf32> to vector<16x32xf32>
      %exp3A_798 = math.exp %squeeze3A_797 : vector<16x32xf32>
      %mul3A_799 = arith.mulf %exp3A_798, %squeeze3A_726 : vector<16x32xf32>
      %div3A_800 = arith.divf %mul3A_765, %squeeze3A_726 : vector<16x32xf32>
      %add3A_801 = arith.constant 9.99999997E-7 : f32
      %add3A_802 = vector.broadcast %add3A_801 : f32 to vector<16x32xf32>
      %add3A_803 = arith.addf %div3A_800, %add3A_802 : vector<16x32xf32>
      %log3A_804 = math.log %add3A_803 : vector<16x32xf32>
      %sub3A_805 = arith.subf %mul3A_799, %log3A_804 : vector<16x32xf32>
      %slice3A_806 = vector.extract_strided_slice %select_n3A_750 {offsets = [0, 0, 3], sizes = [16, 32, 1], strides = [1, 1, 1]} : vector<16x32x85xf32> to vector<16x32x1xf32>
      %squeeze3A_807 = vector.shape_cast %slice3A_806 : vector<16x32x1xf32> to vector<16x32xf32>
      %exp3A_808 = math.exp %squeeze3A_807 : vector<16x32xf32>
      %mul3A_809 = arith.mulf %exp3A_808, %squeeze3A_728 : vector<16x32xf32>
      %div3A_810 = arith.divf %mul3A_770, %squeeze3A_728 : vector<16x32xf32>
      %add3A_811 = arith.constant 9.99999997E-7 : f32
      %add3A_812 = vector.broadcast %add3A_811 : f32 to vector<16x32xf32>
      %add3A_813 = arith.addf %div3A_810, %add3A_812 : vector<16x32xf32>
      %log3A_814 = math.log %add3A_813 : vector<16x32xf32>
      %sub3A_815 = arith.subf %mul3A_809, %log3A_814 : vector<16x32xf32>
      %mul3A_816 = arith.mulf %sub3A_784, %sub3A_784 : vector<16x32xf32>
      %mul3A_817 = arith.mulf %sub3A_795, %sub3A_795 : vector<16x32xf32>
      %add3A_818 = arith.addf %mul3A_816, %mul3A_817 : vector<16x32xf32>
      %mul3A_819 = arith.mulf %sub3A_805, %sub3A_805 : vector<16x32xf32>
      %add3A_820 = arith.addf %add3A_818, %mul3A_819 : vector<16x32xf32>
      %mul3A_821 = arith.mulf %sub3A_815, %sub3A_815 : vector<16x32xf32>
      %add3A_822 = arith.addf %add3A_820, %mul3A_821 : vector<16x32xf32>
      %mul3A_823 = arith.mulf %add3A_822, %squeeze3A_722 : vector<16x32xf32>
      %reduce_sum3A_824 = vector.shape_cast %mul3A_823 : vector<16x32xf32> to vector<1x16x32xf32>
      %reduce_sum3A_825 = arith.constant dense<0.000000e+00> : vector<1xf32>
      %reduce_sum3A_826 = vector.multi_reduction <add>, %reduce_sum3A_824, %reduce_sum3A_825 [1, 2] : vector<1x16x32xf32> to vector<1xf32>
      %reduce_sum3A_827 = vector.shape_cast %reduce_sum3A_826 : vector<1xf32> to vector<1x1x1xf32>
      %reduce_sum3A_828 = vector.extract %reduce_sum3A_827[0, 0, 0] : f32 from vector<1x1x1xf32>
      %mul3A_829 = arith.constant 5.000000e+00 : f32
      %mul3A_830 = arith.mulf %mul3A_829, %reduce_sum3A_828 : f32
      %div3A_831 = arith.constant 8.112000e+03 : f32
      %div3A_832 = arith.divf %mul3A_830, %div3A_831 : f32
      %slice3A_833 = vector.extract_strided_slice %select_n3A_750 {offsets = [0, 0, 4], sizes = [16, 32, 1], strides = [1, 1, 1]} : vector<16x32x85xf32> to vector<16x32x1xf32>
      %squeeze3A_834 = vector.shape_cast %slice3A_833 : vector<16x32x1xf32> to vector<16x32xf32>
      %logistic3A_835 = arith.negf %squeeze3A_834 : vector<16x32xf32>
      %logistic3A_836 = math.exp %logistic3A_835 : vector<16x32xf32>
      %logistic3A_837 = arith.constant 1.000000e+00 : f32
      %logistic3A_838 = vector.broadcast %logistic3A_837 : f32 to vector<16x32xf32>
      %logistic3A_839 = arith.addf %logistic3A_838, %logistic3A_836 : vector<16x32xf32>
      %logistic3A_840 = arith.divf %logistic3A_838, %logistic3A_839 : vector<16x32xf32>
      %reduce_sum3A_841 = vector.shape_cast %squeeze3A_722 : vector<16x32xf32> to vector<1x16x32xf32>
      %reduce_sum3A_842 = arith.constant dense<0.000000e+00> : vector<1xf32>
      %reduce_sum3A_843 = vector.multi_reduction <add>, %reduce_sum3A_841, %reduce_sum3A_842 [1, 2] : vector<1x16x32xf32> to vector<1xf32>
      %reduce_sum3A_844 = vector.shape_cast %reduce_sum3A_843 : vector<1xf32> to vector<1x1x1xf32>
      %reduce_sum3A_845 = vector.extract %reduce_sum3A_844[0, 0, 0] : f32 from vector<1x1x1xf32>
      %jit3A_846 = arith.constant 1.000000e-07 : f32
      %jit3A_847 = arith.constant 0.99999988 : f32
      %max3A_848 = vector.broadcast %jit3A_846 : f32 to vector<16x32xf32>
      %max3A_849 = arith.maximumf %max3A_848, %logistic3A_840 : vector<16x32xf32>
      %min3A_850 = vector.broadcast %jit3A_847 : f32 to vector<16x32xf32>
      %min3A_851 = arith.minimumf %min3A_850, %max3A_849 : vector<16x32xf32>
      %log3A_852 = math.log %min3A_851 : vector<16x32xf32>
      %neg3A_853 = arith.constant 0.000000e+00 : f32
      %neg3A_854 = vector.broadcast %neg3A_853 : f32 to vector<16x32xf32>
      %neg3A_855 = arith.subf %neg3A_854, %log3A_852 : vector<16x32xf32>
      %mul3A_856 = arith.mulf %neg3A_855, %squeeze3A_722 : vector<16x32xf32>
      %reduce_sum3A_857 = vector.shape_cast %mul3A_856 : vector<16x32xf32> to vector<1x16x32xf32>
      %reduce_sum3A_858 = arith.constant dense<0.000000e+00> : vector<1xf32>
      %reduce_sum3A_859 = vector.multi_reduction <add>, %reduce_sum3A_857, %reduce_sum3A_858 [1, 2] : vector<1x16x32xf32> to vector<1xf32>
      %reduce_sum3A_860 = vector.shape_cast %reduce_sum3A_859 : vector<1xf32> to vector<1x1x1xf32>
      %reduce_sum3A_861 = vector.extract %reduce_sum3A_860[0, 0, 0] : f32 from vector<1x1x1xf32>
      %sub3A_862 = arith.constant 8.112000e+03 : f32
      %sub3A_863 = arith.subf %sub3A_862, %reduce_sum3A_845 : f32
      %mul3A_864 = arith.constant 1.19209304E-7 : f32
      %mul3A_865 = arith.mulf %sub3A_863, %mul3A_864 : f32
      %add3A_866 = arith.addf %reduce_sum3A_861, %mul3A_865 : f32
      %div3A_867 = arith.constant 8.112000e+03 : f32
      %div3A_868 = arith.divf %add3A_866, %div3A_867 : f32
      %get3A_869 = arith.constant 2 : index
      %get3A_870 = memref.load %arg8[%get3A_869] : memref<3xf32, #tpu.memory_space<smem>>
      %jit3A_871 = arith.constant 1.000000e-07 : f32
      %jit3A_872 = arith.constant 0.99999988 : f32
      %max3A_873 = vector.broadcast %jit3A_871 : f32 to vector<16x32xf32>
      %max3A_874 = arith.maximumf %max3A_873, %logistic3A_840 : vector<16x32xf32>
      %min3A_875 = vector.broadcast %jit3A_872 : f32 to vector<16x32xf32>
      %min3A_876 = arith.minimumf %min3A_875, %max3A_874 : vector<16x32xf32>
      %sub3A_877 = arith.constant 1.000000e+00 : f32
      %sub3A_878 = vector.broadcast %sub3A_877 : f32 to vector<16x32xf32>
      %sub3A_879 = arith.subf %sub3A_878, %min3A_876 : vector<16x32xf32>
      %log3A_880 = math.log %sub3A_879 : vector<16x32xf32>
      %neg3A_881 = arith.constant 0.000000e+00 : f32
      %neg3A_882 = vector.broadcast %neg3A_881 : f32 to vector<16x32xf32>
      %neg3A_883 = arith.subf %neg3A_882, %log3A_880 : vector<16x32xf32>
      %mul3A_884 = arith.mulf %neg3A_883, %squeeze3A_722 : vector<16x32xf32>
      %reduce_sum3A_885 = vector.shape_cast %mul3A_884 : vector<16x32xf32> to vector<1x16x32xf32>
      %reduce_sum3A_886 = arith.constant dense<0.000000e+00> : vector<1xf32>
      %reduce_sum3A_887 = vector.multi_reduction <add>, %reduce_sum3A_885, %reduce_sum3A_886 [1, 2] : vector<1x16x32xf32> to vector<1xf32>
      %reduce_sum3A_888 = vector.shape_cast %reduce_sum3A_887 : vector<1xf32> to vector<1x1x1xf32>
      %reduce_sum3A_889 = vector.extract %reduce_sum3A_888[0, 0, 0] : f32 from vector<1x1x1xf32>
      %sub3A_890 = arith.subf %get3A_870, %reduce_sum3A_889 : f32
      %mul3A_891 = arith.constant 1.19209304E-7 : f32
      %mul3A_892 = arith.mulf %reduce_sum3A_845, %mul3A_891 : f32
      %add3A_893 = arith.addf %sub3A_890, %mul3A_892 : f32
      %mul3A_894 = arith.constant 5.000000e-01 : f32
      %mul3A_895 = arith.mulf %mul3A_894, %add3A_893 : f32
      %div3A_896 = arith.constant 8.112000e+03 : f32
      %div3A_897 = arith.divf %mul3A_895, %div3A_896 : f32
      %slice3A_898 = vector.extract_strided_slice %select_n3A_750 {offsets = [0, 0, 5], sizes = [16, 32, 80], strides = [1, 1, 1]} : vector<16x32x85xf32> to vector<16x32x80xf32>
      %logistic3A_899 = arith.negf %slice3A_898 : vector<16x32x80xf32>
      %logistic3A_900 = math.exp %logistic3A_899 : vector<16x32x80xf32>
      %logistic3A_901 = arith.constant 1.000000e+00 : f32
      %logistic3A_902 = vector.broadcast %logistic3A_901 : f32 to vector<16x32x80xf32>
      %logistic3A_903 = arith.addf %logistic3A_902, %logistic3A_900 : vector<16x32x80xf32>
      %logistic3A_904 = arith.divf %logistic3A_902, %logistic3A_903 : vector<16x32x80xf32>
      %jit3A_905 = arith.constant 1.000000e-07 : f32
      %jit3A_906 = arith.constant 0.99999988 : f32
      %max3A_907 = vector.broadcast %jit3A_905 : f32 to vector<16x32x80xf32>
      %max3A_908 = arith.maximumf %max3A_907, %logistic3A_904 : vector<16x32x80xf32>
      %min3A_909 = vector.broadcast %jit3A_906 : f32 to vector<16x32x80xf32>
      %min3A_910 = arith.minimumf %min3A_909, %max3A_908 : vector<16x32x80xf32>
      %sub3A_911 = arith.constant 1.000000e+00 : f32
      %sub3A_912 = vector.broadcast %sub3A_911 : f32 to vector<16x32x80xf32>
      %sub3A_913 = arith.subf %sub3A_912, %min3A_910 : vector<16x32x80xf32>
      %log3A_914 = math.log %sub3A_913 : vector<16x32x80xf32>
      %neg3A_915 = arith.constant 0.000000e+00 : f32
      %neg3A_916 = vector.broadcast %neg3A_915 : f32 to vector<16x32x80xf32>
      %neg3A_917 = arith.subf %neg3A_916, %log3A_914 : vector<16x32x80xf32>
      %reduce_sum3A_918 = arith.constant dense<0.000000e+00> : vector<16x32xf32>
      %reduce_sum3A_919 = vector.multi_reduction <add>, %neg3A_917, %reduce_sum3A_918 [2] : vector<16x32x80xf32> to vector<16x32xf32>
      %iota3A_920 = tpu.iota {dimensions = array<i32: 2>} : vector<16x32x80xi32>
      %broadcast_in_dim3A_921 = vector.shape_cast %convert_element_type3A_773 : vector<16x32xi32> to vector<16x32x1xi32>
      %eq3A_922 = vector.broadcast %broadcast_in_dim3A_921 : vector<16x32x1xi32> to vector<16x32x80xi32>
      %eq3A_923 = arith.cmpi eq, %iota3A_920, %eq3A_922 : vector<16x32x80xi32>
      %jit3A_924 = arith.constant 0.000000e+00 : f32
      %broadcast_in_dim3A_925 = vector.broadcast %jit3A_924 : f32 to vector<16x32x80xf32>
      %select_n3A_926 = arith.select %eq3A_923, %logistic3A_904, %broadcast_in_dim3A_925 : vector<16x32x80xi1>, vector<16x32x80xf32>
      %reduce_sum3A_927 = arith.constant dense<0.000000e+00> : vector<16x32xf32>
      %reduce_sum3A_928 = vector.multi_reduction <add>, %select_n3A_926, %reduce_sum3A_927 [2] : vector<16x32x80xf32> to vector<16x32xf32>
      %jit3A_929 = arith.constant 1.000000e-07 : f32
      %jit3A_930 = arith.constant 0.99999988 : f32
      %max3A_931 = vector.broadcast %jit3A_929 : f32 to vector<16x32xf32>
      %max3A_932 = arith.maximumf %max3A_931, %reduce_sum3A_928 : vector<16x32xf32>
      %min3A_933 = vector.broadcast %jit3A_930 : f32 to vector<16x32xf32>
      %min3A_934 = arith.minimumf %min3A_933, %max3A_932 : vector<16x32xf32>
      %log3A_935 = math.log %min3A_934 : vector<16x32xf32>
      %neg3A_936 = arith.constant 0.000000e+00 : f32
      %neg3A_937 = vector.broadcast %neg3A_936 : f32 to vector<16x32xf32>
      %neg3A_938 = arith.subf %neg3A_937, %log3A_935 : vector<16x32xf32>
      %jit3A_939 = arith.constant 1.000000e-07 : f32
      %jit3A_940 = arith.constant 0.99999988 : f32
      %max3A_941 = vector.broadcast %jit3A_939 : f32 to vector<16x32xf32>
      %max3A_942 = arith.maximumf %max3A_941, %reduce_sum3A_928 : vector<16x32xf32>
      %min3A_943 = vector.broadcast %jit3A_940 : f32 to vector<16x32xf32>
      %min3A_944 = arith.minimumf %min3A_943, %max3A_942 : vector<16x32xf32>
      %sub3A_945 = arith.constant 1.000000e+00 : f32
      %sub3A_946 = vector.broadcast %sub3A_945 : f32 to vector<16x32xf32>
      %sub3A_947 = arith.subf %sub3A_946, %min3A_944 : vector<16x32xf32>
      %log3A_948 = math.log %sub3A_947 : vector<16x32xf32>
      %add3A_949 = arith.addf %neg3A_938, %log3A_948 : vector<16x32xf32>
      %mul3A_950 = arith.mulf %reduce_sum3A_919, %squeeze3A_722 : vector<16x32xf32>
      %reduce_sum3A_951 = vector.shape_cast %mul3A_950 : vector<16x32xf32> to vector<1x16x32xf32>
      %reduce_sum3A_952 = arith.constant dense<0.000000e+00> : vector<1xf32>
      %reduce_sum3A_953 = vector.multi_reduction <add>, %reduce_sum3A_951, %reduce_sum3A_952 [1, 2] : vector<1x16x32xf32> to vector<1xf32>
      %reduce_sum3A_954 = vector.shape_cast %reduce_sum3A_953 : vector<1xf32> to vector<1x1x1xf32>
      %reduce_sum3A_955 = vector.extract %reduce_sum3A_954[0, 0, 0] : f32 from vector<1x1x1xf32>
      %mul3A_956 = arith.mulf %add3A_949, %squeeze3A_724 : vector<16x32xf32>
      %reduce_sum3A_957 = vector.shape_cast %mul3A_956 : vector<16x32xf32> to vector<1x16x32xf32>
      %reduce_sum3A_958 = arith.constant dense<0.000000e+00> : vector<1xf32>
      %reduce_sum3A_959 = vector.multi_reduction <add>, %reduce_sum3A_957, %reduce_sum3A_958 [1, 2] : vector<1x16x32xf32> to vector<1xf32>
      %reduce_sum3A_960 = vector.shape_cast %reduce_sum3A_959 : vector<1xf32> to vector<1x1x1xf32>
      %reduce_sum3A_961 = vector.extract %reduce_sum3A_960[0, 0, 0] : f32 from vector<1x1x1xf32>
      %add3A_962 = arith.addf %reduce_sum3A_955, %reduce_sum3A_961 : f32
      %sub3A_963 = arith.constant 8.112000e+03 : f32
      %sub3A_964 = arith.subf %sub3A_963, %reduce_sum3A_845 : f32
      %mul3A_965 = arith.constant 8.000000e+01 : f32
      %mul3A_966 = arith.mulf %sub3A_964, %mul3A_965 : f32
      %mul3A_967 = arith.constant 1.19209304E-7 : f32
      %mul3A_968 = arith.mulf %mul3A_966, %mul3A_967 : f32
      %add3A_969 = arith.addf %add3A_962, %mul3A_968 : f32
      %div3A_970 = arith.constant 6.489600e+05 : f32
      %div3A_971 = arith.divf %add3A_969, %div3A_970 : f32
      %add3A_972 = arith.addf %add3A_708, %div3A_832 : f32
      %add3A_973 = arith.addf %add3A_972, %div3A_868 : f32
      %add3A_974 = arith.addf %add3A_973, %div3A_897 : f32
      %add3A_975 = arith.addf %add3A_974, %div3A_971 : f32
      %div3A_976 = arith.constant 3.000000e+00 : f32
      %div3A_977 = arith.divf %add3A_975, %div3A_976 : f32
      %reshape3A_978 = vector.broadcast %div3A_977 : f32 to vector<1x1xf32>
      %swap3A_979 = arith.constant 0 : index
      %swap3A_980 = arith.constant 0 : index
      %swap3A_981 = vector.load %arg7[%swap3A_979, %swap3A_980] : memref<1x1xf32, #tpu.memory_space<vmem>>, vector<1x1xf32>
      tpu.vector_store %arg7[%swap3A_979, %swap3A_980], %reshape3A_978 {strides = array<i32>} : memref<1x1xf32, #tpu.memory_space<vmem>>, vector<1x1xf32>,
    } else {
    }
    return
  }
  func.func @transform_0(%arg0: i32) -> (i32, i32, i32, i32) {
    %c0_i32 = arith.constant 0 : i32
    %c0_i32_0 = arith.constant 0 : i32
    %c0_i32_1 = arith.constant 0 : i32
    %c0_i32_2 = arith.constant 0 : i32
    return %arg0, %c0_i32, %c0_i32_0, %c0_i32_1 : i32, i32, i32, i32
  }
  func.func @transform_1(%arg0: i32) -> (i32, i32, i32, i32) {
    %c0_i32 = arith.constant 0 : i32
    %c0_i32_0 = arith.constant 0 : i32
    %c0_i32_1 = arith.constant 0 : i32
    %c0_i32_2 = arith.constant 0 : i32
    return %arg0, %c0_i32, %c0_i32_0, %c0_i32_1 : i32, i32, i32, i32
  }
  func.func @transform_2(%arg0: i32) -> (i32, i32, i32, i32) {
    %c0_i32 = arith.constant 0 : i32
    %c0_i32_0 = arith.constant 0 : i32
    %c0_i32_1 = arith.constant 0 : i32
    %c0_i32_2 = arith.constant 0 : i32
    return %arg0, %c0_i32, %c0_i32_0, %c0_i32_1 : i32, i32, i32, i32
  }
  func.func @transform_3(%arg0: i32) -> (i32, i32, i32, i32) {
    %c0_i32 = arith.constant 0 : i32
    %c0_i32_0 = arith.constant 0 : i32
    %c0_i32_1 = arith.constant 0 : i32
    %c0_i32_2 = arith.constant 0 : i32
    return %c0_i32, %arg0, %c0_i32_0, %c0_i32_1 : i32, i32, i32, i32
  }
  func.func @transform_4(%arg0: i32) -> (i32, i32, i32, i32) {
    %c0_i32 = arith.constant 0 : i32
    %c0_i32_0 = arith.constant 0 : i32
    %c0_i32_1 = arith.constant 0 : i32
    %c0_i32_2 = arith.constant 0 : i32
    %c0_i32_3 = arith.constant 0 : i32
    return %c0_i32, %c0_i32_0, %c0_i32_1, %c0_i32_2 : i32, i32, i32, i32
  }
  func.func @transform_5(%arg0: i32) -> (i32, i32, i32) {
    %c0_i32 = arith.constant 0 : i32
    %c0_i32_0 = arith.constant 0 : i32
    %c0_i32_1 = arith.constant 0 : i32
    %c0_i32_2 = arith.constant 0 : i32
    return %c0_i32, %c0_i32_0, %c0_i32_1 : i32, i32, i32
  }
  func.func @transform_6(%arg0: i32) -> (i32, i32) {
    %c0_i32 = arith.constant 0 : i32
    %c0_i32_0 = arith.constant 0 : i32
    %c0_i32_1 = arith.constant 0 : i32
    return %c0_i32, %c0_i32_0 : i32, i32
  }
}

</mosaic_0001>

<sc_bundles>
// kernel: kernel.4.cloned.1.call-start
scs
__scs_entry_jumppad:
0x0: {  	(pc) =	sbr.rel $0x88, $3  }
0x1: {  	(tag) =	ssettag $0x0;
	lr =	simm.s32 $0x1  }
0x2: {  	[smem:$0x3F9D] =	sst lr;
	_ =	strace $0xD0000000  }
0x3: {  	_ = 	snop  }
0x4: {  	_ = 	snop  }
0x5: {  	_ = 	snop  }
0x6: {  	_ = 	snop  }
0x7: {  	_ = 	snop  }
__scs_overlays_trampoline_lowered:
0x8: {  	[smem:$0x3FAC] =	sst s0  }
0x9: {  	[smem:$0x3FAD] =	sst s1  }
0xa: {  	[smem:$0x3FAE] =	sst s2  }
0xb: {  	[smem:$0x3FAF] =	sst s3  }
0xc: {  	[smem:$0x3FB0] =	sst s4  }
0xd: {  	[smem:$0x3FB1] =	sst s5  }
0xe: {  	[smem:$0x3FB2] =	sst s6  }
0xf: {  	[smem:$0x3FB3] =	sst s7  }
0x10: {  	[smem:$0x3FB4] =	sst s8  }
0x11: {  	[smem:$0x3FB5] =	sst s9;
	s0 =	simm.s32 @!p0 $0x0  }
0x12: {  	s1 =	sld [smem:$0x3F9B];
	s0 =	simm.s32 @p0 $0x1  }
0x13: {  	[smem:$0x3FB6] =	sst s0;
	s0 =	simm.s32 @!p1 $0x0  }
0x14: {  	s2 =	sld [smem:$0x3F9A];
	s0 =	simm.s32 @p1 $0x1  }
0x15: {  	[smem:$0x3FB7] =	sst s0;
	s0 =	simm.s32 @!p2 $0x0  }
0x16: {  	s3 =	sld [smem:$0x3FDB];
	s0 =	simm.s32 @p2 $0x1  }
0x17: {  	s4 =	simm.s32 $0x1BF5;
	[smem:$0x3FB9] =	sst s0  }
0x18: {  	s0 =	sld [smem:$0x3F9C];
	_ =	swait.ge [sflag:s4], $0x0  }
0x19: {  	s7 =	sld [smem:$0x3F9D]  }
0x1a: {  	s8 =	sadd.s32 $0xFFFFE003, lr  }
0x1b: {  	s9 =	sadd.s32 $0xFFFFFEF7, lr;
	s5 =	simm.s32 $0xFFFFFFFF;
	p2 =	slt.u32 s8, $0xFFFFF086  }
0x1c: {  	p1 =	slt.u32 s9, $0xF7A;
	s5 =	simm.s32 @!p2 $0x0  }
0x1d: {  	s5 =	simm.s32 @p1 $0x1;
	p0 =	seq.s32 s7, s2  }
0x1e: {  	s7 =	smul.u32 @!p0 $0xF7A, s2;
	p2 =	seq.s32 @!p0 s5, $0x0  }
0x1f: {  	s9 =	smul.u32 $0xF7A, s1;
	s8 =	simm.s32 @!p0 $0x1BF5;
	p2 =	por !p2, p0  }
0x20: {  	[sflag:s8] =	ssyncset.s32 @!p0 $0xFFFFF086;
	s6 =	sadd.s32 @!p0 s3, s7;
	s7 =	simm.s32 @!p0 $0x108  }
0x21: {  	s3 =	sadd.s32 s3, s9;
	s6 =	sadd.s32 @!p0 $0x88, s6;
	s7 =	simm.s32 @p2 $0x1082  }
0x22: {  	[simem:s7], [sflag:s8] =	dma.local @!p0 [hbm:s6], $0xF7A  }
0x23: {  	s9 =	sor.u32 $0xD0000000, s2;
	s6 =	simm.s32 $0x108;
	_ =	swait.ge @!p0 [sflag:s8], $0x0  }
0x24: {  	s3 =	sadd.s32 $0x88, s3;
	s6 =	simm.s32 @!p1 $0x1082;
	[sflag:s4] =	ssyncset.s32 $0xFFFFF086  }
0x25: {  	[simem:s6], [sflag:s4] =	dma.local [hbm:s3], $0xF7A  }
0x26: {  	[smem:$0x3F9D] =	sst s1;
	(tag) =	ssettag s2;
	_ =	strace s9  }
0x27: {  	s1 =	sld [smem:$0x3FAD]  }
0x28: {  	s2 =	sld [smem:$0x3FAE]  }
0x29: {  	s4 =	sld [smem:$0x3FB0]  }
0x2a: {  	p0 =	seq.s32 s5, $0x0;
	s5 =	sld [smem:$0x3FB1]  }
0x2b: {  	s6 =	sld [smem:$0x3FB2]  }
0x2c: {  	s7 =	sld [smem:$0x3FB3]  }
0x2d: {  	s3 =	simm.s32 $0x108;
	s8 =	sld [smem:$0x3FB4]  }
0x2e: {  	s3 =	simm.s32 @!p0 $0x1082;
	s9 =	sld [smem:$0x3FB5]  }
0x2f: {  	lr =	sadd.s32 s0, s3;
	s0 =	sld [smem:$0x3FAC]  }
0x30: {  	s3 =	sld [smem:$0x3FAF]  }
0x31: {  	[smem:$0x3FB8] =	sst s10  }
0x32: {  	s10 =	sld [smem:$0x3FB6];
	_ =	sdelay $0x3  }
0x33: {  	p0 =	seq.s32 s10, $0x1;
	s10 =	sld [smem:$0x3FB8];
	_ =	sdelay $0x3  }
0x34: {  	[smem:$0x3FB8] =	sst s10  }
0x35: {  	s10 =	sld [smem:$0x3FB7];
	_ =	sdelay $0x3  }
0x36: {  	p1 =	seq.s32 s10, $0x1;
	s10 =	sld [smem:$0x3FB8];
	_ =	sdelay $0x3  }
0x37: {  	[smem:$0x3FB8] =	sst s10  }
0x38: {  	s10 =	sld [smem:$0x3FB9]  }
0x39: {  	_ = 	snop;
	(pc) =	sbr.ind lr, $3  }
0x3a: {  	_ = 	snop  }
0x3b: {  	_ = 	snop  }
0x3c: {  	p2 =	seq.s32 s10, $0x1;
	s10 =	sld [smem:$0x3FB8]  }
0x3d: {  	_ =	shalt  }
0x3e: {  	_ =	shalt  }
0x3f: {  	_ =	shalt  }
0x40: {  	_ =	shalt  }
0x41: {  	_ =	shalt  }
0x42: {  	_ =	shalt  }
0x43: {  	_ =	shalt  }
0x44: {  	_ =	shalt  }
0x45: {  	_ =	shalt  }
0x46: {  	_ =	shalt  }
0x47: {  	_ =	shalt  }
0x48: {  	_ =	shalt  }
0x49: {  	_ =	shalt  }
0x4a: {  	_ =	shalt  }
0x4b: {  	_ =	shalt  }
0x4c: {  	_ =	shalt  }
0x4d: {  	_ =	shalt  }
0x4e: {  	_ =	shalt  }
0x4f: {  	_ =	shalt  }
0x50: {  	_ =	shalt  }
0x51: {  	_ =	shalt  }
0x52: {  	_ =	shalt  }
0x53: {  	_ =	shalt  }
0x54: {  	_ =	shalt  }
0x55: {  	_ =	shalt  }
0x56: {  	_ =	shalt  }
0x57: {  	_ =	shalt  }
0x58: {  	_ =	shalt  }
0x59: {  	_ =	shalt  }
0x5a: {  	_ =	shalt  }
0x5b: {  	_ =	shalt  }
0x5c: {  	_ =	shalt  }
0x5d: {  	_ =	shalt  }
0x5e: {  	_ =	shalt  }
0x5f: {  	_ =	shalt  }
0x60: {  	_ =	shalt  }
0x61: {  	_ =	shalt  }
0x62: {  	_ =	shalt  }
0x63: {  	_ =	shalt  }
0x64: {  	_ =	shalt  }
0x65: {  	_ =	shalt  }
0x66: {  	_ =	shalt  }
0x67: {  	_ =	shalt  }
0x68: {  	_ =	shalt  }
0x69: {  	_ =	shalt  }
0x6a: {  	_ =	shalt  }
0x6b: {  	_ =	shalt  }
0x6c: {  	_ =	shalt  }
0x6d: {  	_ =	shalt  }
0x6e: {  	_ =	shalt  }
0x6f: {  	_ =	shalt  }
0x70: {  	_ =	shalt  }
0x71: {  	_ =	shalt  }
0x72: {  	_ =	shalt  }
0x73: {  	_ =	shalt  }
0x74: {  	_ =	shalt  }
0x75: {  	_ =	shalt  }
0x76: {  	_ =	shalt  }
0x77: {  	_ =	shalt  }
0x78: {  	_ =	shalt  }
0x79: {  	_ =	shalt  }
0x7a: {  	_ =	shalt  }
0x7b: {  	_ =	shalt  }
0x7c: {  	_ =	shalt  }
0x7d: {  	_ =	shalt  }
0x7e: {  	_ =	shalt  }
0x7f: {  	_ =	shalt  }
0x80: {  	_ =	shalt  }
0x81: {  	_ =	shalt  }
0x82: {  	_ =	shalt  }
0x83: {  	_ =	shalt  }
0x84: {  	_ =	shalt  }
0x85: {  	_ =	shalt  }
0x86: {  	_ =	shalt  }
0x87: {  	_ =	shalt  }
.Lfunc_end0:
.L_simem_size_0:
called_computation_lowered:
.L_overlay_start_0:
0x88: {  	s2 =	sld [smem:$0x3FD9]  }
0x89: {  	s3 =	sld [smem:$0x3FFE];
	_ =	sdelay $0x1  }
0x8a: {  	s1 =	srdreg.scid  }
0x8b: {  	s0 =	sand.u32 $0x1, s1  }
0x8c: {  	s16 =	sshll.u32 s0, $0xA;
	s2 =	sadd.s32 s3, s2  }
0x8d: {  	s2 =	sadd.s32 s2, s16  }
0x8e: {  	[smem:$0x3FC4] =	sst s2  }
0x8f: {  	_ = 	snop  }
0x90: {  	(tm) =	ssettm $0x1  }
0x91: {  	s17 =	sld [smem:$0x3FFB];
	_ =	sdelay $0x3  }
0x92: {  	_ =	strace s17  }
0x93: {  	s2 =	sld [smem:$0x3FFC];
	_ =	sdelay $0x3  }
0x94: {  	_ =	strace s2  }
0x95: {  	s2 =	sld [smem:$0x3FFD];
	_ =	sdelay $0x3  }
0x96: {  	_ =	strace s2  }
0x97: {  	_ =	strace $0x8FFFFFFF  }
0x98: {  	s18 =	sld [smem:$0x3FDB];
	_ =	sdelay $0x1  }
0x99: {  	s19 =	simm.s32 $_scs_section_size  }
0x9a: {  	s4 =	simm.s32 $_size__tile_overlayer_lowered;
	s5 =	simm.s32 $_tile_overlayer_lowered  }
0x9b: {  	s22 =	simm.s32 $0x1BFF;
	s21 =	sshll.u32 s5, $0x1;
	s2 =	sadd.s32 s19, s18  }
0x9c: {  	s6 =	simm.s32 $0x0;
	s20 =	sshll.u32 s4, $0x1;
	s4 =	sadd.s32 s21, s2  }
0x9d: {  	[timem:s6], [sflag:s22] =	dma.local [hbm:s4], s20  }
0x9e: {  	_ =	swait.ge [sflag:s22], s20  }
0x9f: {  	s3 =	ssub.s32 $0x0, s20;
	[sflag:s22] =	ssyncset.done $0x0  }
0xa0: {  	[sflag:s22] =	ssyncadd.s32 s3;
	_ =	sdelay $0x1  }
0xa1: {  	s23 =	simm.s32 $0x1B8B  }
0xa2: {  	_ =	swait.ge [sflag:s23], $0x1  }
0xa3: {  	[sflag:s23] =	ssyncset.done $0x0  }
0xa4: {  	s25 =	simm.s32 $0x1B8E;
	s24 =	sld [smem:$0x3FFE];
	[sflag:s23] =	ssyncadd.s32 $0xFFFFFFFF  }
0xa5: {  	s26 =	simm.s32 $execute0_lowered;
	[smem:$0x3FD2] =	sst s25  }
0xa6: {  	s4 =	sshll.u32 s26, $0x1;
	_ =	strace $0x80000046;
	[dreg:$0x1] =	wrdreg $0xFFFFFFFF  }
0xa7: {  	s28 =	simm.s32 $_size_execute0_lowered;
	s2 =	sadd.s32 s2, s4;
	[dreg:$0x0] =	wrdreg $0x0  }
0xa8: {  	s4 =	sshll.u32 s28, $0x1;
	[dreg:$0x2] =	wrdreg s2  }
0xa9: {  	[dreg:$0x3] =	wrdreg s4  }
0xaa: {  	[dreg:$0x4] =	wrdreg $0xC0  }
0xab: {  	_ =	task [dreg:s6], $0x5FFFF  }
0xac: {  	[dreg:$0x1] =	wrdreg $0xFFFFFFFF  }
0xad: {  	[dreg:$0x0] =	wrdreg $0x60  }
0xae: {  	[dreg:$0x2] =	wrdreg s24  }
0xaf: {  	[dreg:$0x3] =	wrdreg $0x9  }
0xb0: {  	_ =	task.clear_ibuf [dreg:s6], $0x4FFFF;
	_ =	strace $0x90000046  }
0xb1: {  	s29 =	simm.s32 $0x9;
	_ =	strace $0x80000048  }
0xb2: {  	_ =	swait.ge [sflag:s29], $0x1  }
0xb3: {  	[sflag:s29] =	ssyncadd.s32 $0xFFFFFFFF  }
0xb4: {  	_ =	strace $0x90000048  }
0xb5: {  	_ =	sfence  }
0xb6: {  	s30 =	sld [smem:$0x0];
	_ =	sdelay $0x2  }
0xb7: {  	s31 =	sshll.u32 s1, $0xD;
	s1 =	sshrl.u32 s1, $0x2  }
0xb8: {  	s3 =	sand.u32 $0x4000, s31;
	s1 =	sadd.s32 s1, s30  }
0xb9: {  	s0 =	sor.u32 s3, s0;
	s1 =	sshll.u32 s1, $0x11  }
0xba: {  	s0 =	sor.u32 s1, s0  }
0xbb: {  	s0 =	sadd.s32 $0x8F2B, s0  }
0xbc: {  	[sflag:s0] =	ssyncadd.remote.s32 $0x1  }
0xbd: {  	_ =	sfence.sel $0xFFFF  }
0xbe: {  	[dreg:$0x0] =	wrdreg $0xFFFFFFFF;
	(pc) =	sbr.abs _section_cstart, $3  }
0xbf: {  	[dreg:$0x1] =	wrdreg $0xFFFFFFFF  }
0xc0: {  	_ =	task.clear_ibuf [dreg:s6], $0x2FFFF;
	_ =	strace $0x9FFFFFFF  }
0xc1: {  	(tm) =	ssettm $0x7FFFFFFF  }
tec
execute0_lowered:
.L_overlay_start_1:
0x0: {  	(tag) =	ssettag $0x1  }
0x1: {  	s1 =	srdreg.scid  }
0x2: {  	s0 =	stileid.u32;
	s3 =	rddreg [dreg:$0x0];
	s2 =	simm.s32 $0x0  }
0x3: {  	s13 =	simm.s32 $0x200;
	s14 =	simm.s32 $0x1;
	s15 =	simm.s32 $0x0  }
0x4: {  	s4 =	sand.u32 $0x1, s1;
	s5 =	sshll.u32 s0, $0x1;
	s1 =	rddreg [dreg:$0x1]  }
0x5: {  	[smem:$0x7FF] =	sst s2;
	s8 =	sadd.s32 $0x600, s3;
	s5 =	sor.u32 s4, s5  }
0x6: {  	s11 =	sshll.u32 s0, $0x9;
	p0 =	sgt.u32 s0, $0x7;
	s6 =	smul.u32 $0x14, s5  }
0x7: {  	_ =	strace $0x80000047;
	s4 =	ssub.s32 $0x2, s4;
	s9 =	smul.u32 $0x34, s5  }
0x8: {  	s7 =	sadd.s32 $0xFFFFFFF0, s5;
	s10 =	sshll.u32 s5, $0x7;
	s5 =	smul.u32 $0xD, s5  }
0x9: {  	v0 =	vlaneseq.u32;
	v9 =	vimm.s32 $0x0;
	s11 =	sand.u32 $0x800, s11;
	s12 =	sshrl.u32 s4, $0x1;
	s24 =	smul.u32 $0x1A, s7  }
0xa: {  	v10 =	vimm.f32 $4.662500000e+01;
	v11 =	vimm.f32 $4.075000000e+01;
	v18 =	vimm.f32 $0.0e+00;
	s7 =	sshll.u32 s7, $0x8;
	s10 =	sand.u32 $0x380, s10;
	s28 =	ssub.s32 s4, s12  }
0xb: {  	v19 =	vimm.f32 $1.031250000e+00;
	v20 =	vimm.f32 $7.187500000e-01;
	v1 =	vmul.u32 $0x5, v0;
	s12 =	simm.s32 $0x400;
	s6 =	sadd.s32 s6, s3;
	s7 =	sand.u32 $0x7FFFF800, s7  }
.Ltmp0:
0xc: {  	v21 =	vimm.f32 $3.687500000e+00;
	v22 =	vimm.f32 $7.437500000e+00;
	v3 =	vmov s9;
	s26 =	sor.u32 s11, s10;
	s9 =	simm.s32 $0x100;
	(pc) =	sbr.rel .LBB2_1-.Ltmp0, $4  }
0xd: {  	v17 =	vor.u32 $0x10, v0;
	v5 =	vadd.s32 $0x1, v1;
	v6 =	vadd.s32 $0x2, v1;
	s11 =	simm.s32 $0x80;
	s25 =	sor.u32 s10, s7;
	s30 =	sshrl.u32 s26, $0x3  }
0xe: {  	v7 =	vadd.s32 $0x3, v1;
	v8 =	vadd.s32 $0x4, v1;
	v12 =	vadd.s32 $0x50, v1;
	s3 =	sadd.s32 $0x2C0, s6;
	s6 =	sadd.s32 $0x400, s6;
	s29 =	sadd.s32 $0x1000, s25  }
0xf: {  	v13 =	vadd.s32 $0x51, v1;
	v14 =	vadd.s32 $0x52, v1;
	v15 =	vadd.s32 $0x53, v1;
	s10 =	simm.s32 $0x180;
	s4 =	sadd.s32 s8, s30;
	s31 =	sshrl.u32 s29, $0x3  }
0x10: {  	v16 =	vadd.s32 $0x54, v1;
	v4 =	vmov s5;
	v2 =	vmov s24;
	s7 =	sadd.s32 $0x400, s4;
	s5 =	sadd.s32 s8, s31;
	s8 =	smax.u32 s28, $0x1  }
.LBB2_9:
0x11: {  	v41 =	vnsel vm2, $0x1F, v29  }
0x12: {  	vm3 =	vlt.s32 v34, $0x1F  }
0x13: {  	v42 =	vnsel vm3, $0x1F, v34  }
0x14: {  	vm8 =	veq.s32 v39, v25  }
0x15: {  	v31 =	vld.idx.msk [tilespmem:v31+s9+$0x0], $0xffff;
	v32 =	vor.u32 v40, v32;
	v54 =	vsel vm0, $0x1, v9;
	vm10 =	vlt.u32 v27, $0x20  }
0x16: {  	vm11 =	veq.s32 v36, v26;
	vm12 =	vlt.u32 v30, $0x20;
	vm4 =	veq.s32 v37, v24;
	v27 =	vld.idx.msk [tilespmem:v41+s10+$0x0], $0xffff  }
0x17: {  	vm5 =	veq.s32 v38, v23;
	vm9 =	vmand vm1, vm8;
	v28 =	vor.u32 v54, v28;
	v60 =	vld.idx.msk [tilespmem:v41+s9+$0x0], $0xffff  }
0x18: {  	vm2 =	vmand vm10, vm11;
	vm4 =	vmand vm12, vm4;
	vm13 =	vmand vm12, vm5;
	v56 =	vld.idx.msk [tilespmem:v42+s10+$0x0], $0xffff  }
0x19: {  	vm8 =	vlt.u32 v29, $0x20;
	v55 =	vsel vm2, $0x1, v9;
	v57 =	vsel vm4, $0x1, v9;
	v58 =	vld.idx.msk [tilespmem:v42+s9+$0x0], $0xffff  }
0x1a: {  	v59 =	vsel vm13, $0x1, v9;
	v62 =	vsel vm9, $0x1, v9;
	v30 =	vor.u32 v55, v33  }
0x1b: {  	v35 =	vor.u32 v57, v35;
	v61 =	vor.u32 v59, v32;
	vm14 =	veq.s32 v31, v25  }
0x1c: {  	v28 =	vor.u32 v62, v28;
	vm15 =	vmand vm10, vm14;
	vm10 =	vlt.u32 v34, $0x20  }
0x1d: {  	vm9 =	veq.s32 v27, v26;
	vm14 =	veq.s32 v60, v25;
	v25 =	vsel vm15, $0x1, v9  }
0x1e: {  	vm11 =	veq.s32 v56, v24;
	vm2 =	vmand vm8, vm9;
	vm12 =	veq.s32 v58, v23  }
0x1f: {  	vm15 =	vmand vm8, vm14;
	v27 =	vor.u32 v25, v28;
	vm4 =	vmand vm10, vm11  }
0x20: {  	v23 =	vsel vm2, $0x1, v9;
	vm13 =	vmand vm10, vm12;
	v63 =	vsel vm15, $0x1, v9  }
0x21: {  	v24 =	vsel vm4, $0x1, v9;
	v23 =	vor.u32 v23, v30;
	v26 =	vsel vm13, $0x1, v9  }
0x22: {  	s16 =	smov.u32 s5;
	v24 =	vor.u32 v24, v35;
	v25 =	vor.u32 v26, v61;
	v26 =	vor.u32 v63, v27  }
.LBB2_10:
0x23: {  	vm0 =	veq.s32 v25, $0x0  }
0x24: {  	vm13 =	veq.s32 v26, $0x0;
	v25 =	vsel vm0, $0x3F800000, v18  }
0x25: {  	vm14 =	veq.s32 v24, $0x0;
	v63 =	vsel vm13, $0x3F800000, v18;
	[tilespmem:$0x200] =	vst v25  }
0x26: {  	vm15 =	veq.s32 v23, $0x0;
	s15 =	sadd.s32 $0x1, s15;
	v24 =	vsel vm14, $0x3F800000, v18;
	[tilespmem:$0x210] =	vst v63  }
0x27: {  	v23 =	vsel vm15, $0x3F800000, v18;
	p1 =	sne.s32 s15, s8;
	[tilespmem:$0x220] =	vst v24  }
.Ltmp1:
0x28: {  	[tilespmem:$0x230] =	vst v23;
	(pc) =	sbr.rel @!p1 .LBB2_11-.Ltmp1, $4  }
0x29: {  	[hbm4b:s16+s11] =	stream.strided.scatter [tilespmem:s13], [sflag:$0x1], $0x100, s12, s11, $0x38;
	[tilespmem:$0x300] =	vst v63  }
0x2a: {  	_ =	swait.ge [sflag:s14], $0x100  }
0x2b: {  	[sflag:s14] =	ssyncset.done $0x0  }
0x2c: {  	[sflag:s14] =	ssyncadd.s32 $0xFFFFFF00  }
.LBB2_1:
.Ltmp2:
0x2d: {  	(pc) =	sbr.rel @p0 .LBB2_7-.Ltmp2, $1  }
0x2e: {  	_ =	sdelay $0x3  }
0x2f: {  	[tilespmem:s2], [sflag:$0x1] =	stream.linear.gather [hbm4b:s6+s2], $0xA0, $0x38;
	[tilespmem:$0x300] =	vst v63  }
0x30: {  	s16 =	simm.s32 $0x1  }
0x31: {  	_ =	swait.ge [sflag:s16], $0xA0  }
0x32: {  	[sflag:s16] =	ssyncset.done $0x0  }
0x33: {  	[sflag:s16] =	ssyncadd.s32 $0xFFFFFF60  }
0x34: {  	v23 =	vld.idx.msk [tilespmem:v6+s2+$0x0], $0xffff  }
0x35: {  	v24 =	vld.idx.msk [tilespmem:v7+s2+$0x0], $0xffff;
	_ =	sdelay $0x4  }
0x36: {  	v23 =	vmul.f32 $5.200000000e+01, v23;
	v24 =	vmul.f32 $5.200000000e+01, v24;
	_ =	sdelay $0x1  }
0x37: {  	v27 =	vmul.f32 v24, v23  }
0x38: {  	v25 =	vmin.f32 v23, $1.450000000e+01;
	v26 =	vmin.f32 v24, $1.125000000e+01;
	v28 =	vmin.f32 v23, $1.950000000e+01  }
0x39: {  	v29 =	vmin.f32 v24, $2.475000000e+01;
	v25 =	vmul.f32 v26, v25;
	v26 =	vadd.f32 $1.631250000e+02, v27  }
0x3a: {  	v28 =	vmul.f32 v29, v28;
	v29 =	vadd.f32 $4.826250000e+02, v27  }
0x3b: {  	v23 =	vmin.f32 v23, $4.662500000e+01;
	v24 =	vmin.f32 v24, $4.075000000e+01;
	v26 =	vsub.f32 v26, v25  }
0x3c: {  	v23 =	vmul.f32 v24, v23;
	v24 =	vadd.f32 $1.899968750e+03, v27;
	v29 =	vsub.f32 v29, v28  }
0x3d: {  	v26 =	vadd.f32 $9.999999970e-07, v26  }
0x3e: {  	v24 =	vsub.f32 v24, v23;
	v27 =	vadd.f32 $9.999999970e-07, v29  }
0x3f: {  	(erf) = vrcp.f32 v26;
	v26 =	vld.idx.msk [tilespmem:v5+s2+$0x0], $0xffff  }
0x40: {  	v24 =	vadd.f32 $9.999999970e-07, v24;
	(erf) = vrcp.f32 v27;
	_ =	sdelay $0x1  }
0x41: {  	(erf) = vrcp.f32 v24  }
0x42: {  	v27 =	vld.idx.msk [tilespmem:v1+s2+$0x0], $0xffff  }
0x43: {  	v24 =	vmul.f32 $5.200000000e+01, v26;
	_ =	sdelay $0x1  }
0x44: {  	v24 =	vtrunc.f32 v24  }
0x45: {  	v24 =	vcvt.f32.s32 v24  }
0x46: {  	v26 =	vmul.f32 $5.200000000e+01, v27;
	v27 =	vpop (erf)  }
0x47: {  	v25 =	vmul.f32 v27, v25;
	v27 =	vpop (erf)  }
0x48: {  	v26 =	vtrunc.f32 v26;
	vm0 =	vlt.s32 v24, $0x33;
	v27 =	vmul.f32 v27, v28  }
0x49: {  	v26 =	vcvt.f32.s32 v26;
	v28 =	vnsel vm0, $0x33, v24;
	v24 =	vpop (erf)  }
0x4a: {  	v30 =	vld.idx.msk [tilespmem:v8+s2+$0x0], $0xffff;
	v29 =	vadd.s32 v3, v28;
	vm0 =	vgt.f32 v27, v25;
	v23 =	vmul.f32 v24, v23  }
0x4b: {  	vm1 =	vlt.s32 v26, $0x33;
	v24 =	vmul.u32 $0x34, v29;
	v25 =	vsel vm0, v27, v25  }
0x4c: {  	v26 =	vnsel vm1, $0x33, v26;
	vm1 =	vgt.f32 v23, v25  }
0x4d: {  	v23 =	vadd.s32 v26, v24;
	v24 =	vsel vm0, $0x1, v9;
	vm1 =	vmneg vm1  }
0x4e: {  	v23 =	vmul.u32 $0x3, v23;
	v25 =	vnsel vm1, $0x2, v24  }
0x4f: {  	v24 =	vtrunc.f32 v30;
	vm0 =	vmand vm0, vm1;
	v30 =	vmul.u32 $0x34, v28  }
0x50: {  	v28 =	vcvt.s32.f32 v28;
	v23 =	vadd.s32 v23, v25;
	v24 =	vcvt.f32.s32 v24  }
0x51: {  	vm1 =	veq.s32 v25, $0x0;
	v29 =	vsel vm0, $0x41C60000, v11;
	v27 =	vmul.u32 $0x50, v23;
	[tilespmem:$0x100] =	vst v23  }
0x52: {  	v25 =	vcvt.s32.f32 v25;
	v29 =	vsel vm1, $0x41340000, v29;
	[tilespmem:$0x2A0] =	vst v28  }
0x53: {  	[tilespmem:$0x260] =	vst v29;
	v24 =	vadd.s32 v24, v27;
	v27 =	vsel vm0, $0x419C0000, v10  }
0x54: {  	[tilespmem:$0x2C0] =	vst v25;
	v27 =	vsel vm1, $0x41680000, v27  }
0x55: {  	[tilespmem:$0x240] =	vst v27;
	v27 =	vcvt.s32.f32 v26;
	v26 =	vadd.s32 v26, v30  }
0x56: {  	[tilespmem:$0x180] =	vst v24;
	v26 =	vcvt.s32.f32 v26  }
0x57: {  	[tilespmem:$0x280] =	vst v27  }
0x58: {  	[tilespmem:$0x2E0] =	vst v26  }
0x59: {  	v25 =	vld.idx.msk [tilespmem:v14+s2+$0x0], $0xffff  }
0x5a: {  	v26 =	vld.idx.msk [tilespmem:v15+s2+$0x0], $0xffff;
	_ =	sdelay $0x4  }
0x5b: {  	v25 =	vmul.f32 $5.200000000e+01, v25;
	v26 =	vmul.f32 $5.200000000e+01, v26;
	_ =	sdelay $0x1  }
0x5c: {  	v29 =	vmul.f32 v26, v25  }
0x5d: {  	v27 =	vmin.f32 v25, $1.450000000e+01;
	v28 =	vmin.f32 v26, $1.125000000e+01;
	v30 =	vmin.f32 v25, $1.950000000e+01  }
0x5e: {  	v31 =	vmin.f32 v26, $2.475000000e+01;
	v27 =	vmul.f32 v28, v27;
	v28 =	vadd.f32 $1.631250000e+02, v29  }
0x5f: {  	v30 =	vmul.f32 v31, v30;
	v31 =	vadd.f32 $4.826250000e+02, v29  }
0x60: {  	v25 =	vmin.f32 v25, $4.662500000e+01;
	v26 =	vmin.f32 v26, $4.075000000e+01;
	v28 =	vsub.f32 v28, v27  }
0x61: {  	v25 =	vmul.f32 v26, v25;
	v26 =	vadd.f32 $1.899968750e+03, v29;
	v31 =	vsub.f32 v31, v30  }
0x62: {  	v28 =	vadd.f32 $9.999999970e-07, v28  }
0x63: {  	v26 =	vsub.f32 v26, v25;
	v29 =	vadd.f32 $9.999999970e-07, v31  }
0x64: {  	(erf) = vrcp.f32 v28;
	v28 =	vld.idx.msk [tilespmem:v13+s2+$0x0], $0xffff  }
0x65: {  	v26 =	vadd.f32 $9.999999970e-07, v26;
	(erf) = vrcp.f32 v29  }
0x66: {  	v29 =	vld.idx.msk [tilespmem:v12+s2+$0x0], $0xffff  }
0x67: {  	(erf) = vrcp.f32 v26;
	_ =	sdelay $0x1  }
0x68: {  	v26 =	vmul.f32 $5.200000000e+01, v28;
	_ =	sdelay $0x1  }
0x69: {  	v29 =	vmul.f32 $5.200000000e+01, v29;
	v26 =	vtrunc.f32 v26  }
0x6a: {  	v26 =	vcvt.f32.s32 v26  }
0x6b: {  	v29 =	vtrunc.f32 v29;
	v28 =	vpop (erf)  }
0x6c: {  	v29 =	vcvt.f32.s32 v29;
	v31 =	vpop (erf);
	vm0 =	vlt.s32 v26, $0x33  }
0x6d: {  	v27 =	vmul.f32 v28, v27;
	v28 =	vmul.f32 v31, v30;
	v30 =	vnsel vm0, $0x33, v26  }
0x6e: {  	vm1 =	vlt.s32 v29, $0x33;
	v26 =	vpop (erf);
	v31 =	vadd.s32 v3, v30  }
0x6f: {  	v32 =	vld.idx.msk [tilespmem:v16+s2+$0x0], $0xffff;
	vm0 =	vgt.f32 v28, v27;
	v25 =	vmul.f32 v26, v25;
	v26 =	vmul.u32 $0x34, v31  }
0x70: {  	v27 =	vsel vm0, v28, v27;
	v28 =	vnsel vm1, $0x33, v29  }
0x71: {  	vm1 =	vgt.f32 v25, v27;
	v25 =	vadd.s32 v28, v26  }
0x72: {  	v26 =	vsel vm0, $0x1, v9;
	vm1 =	vmneg vm1;
	v25 =	vmul.u32 $0x3, v25  }
0x73: {  	v33 =	vadd.s32 s16, v17;
	v34 =	vadd.s32 s16, v0;
	v27 =	vnsel vm1, $0x2, v26  }
0x74: {  	v57 =	vcvt.s32.f32 v28;
	v26 =	vtrunc.f32 v32;
	v25 =	vadd.s32 v25, v27  }
0x75: {  	vm0 =	vmand vm0, vm1;
	v26 =	vcvt.f32.s32 v26;
	v29 =	vmul.u32 $0x50, v25  }
0x76: {  	[tilespmem:$0x290] =	vst v57;
	vm1 =	veq.s32 v27, $0x0;
	v31 =	vsel vm0, $0x419C0000, v10;
	v27 =	vcvt.s32.f32 v27  }
0x77: {  	[tilespmem:$0x110] =	vst v25;
	v26 =	vadd.s32 v26, v29;
	v29 =	vsel vm1, $0x41680000, v31;
	v31 =	vsel vm0, $0x41C60000, v11  }
0x78: {  	vm0 =	vlt.s32 v33, $0x1F;
	v31 =	vsel vm1, $0x41340000, v31;
	[tilespmem:$0x250] =	vst v29;
	v29 =	vmul.u32 $0x34, v30  }
0x79: {  	vm1 =	vlt.s32 v34, $0x1F;
	[tilespmem:$0x270] =	vst v31;
	v31 =	vnsel vm0, $0x1F, v33  }
0x7a: {  	[tilespmem:$0x2D0] =	vst v27;
	v30 =	vcvt.s32.f32 v30;
	v28 =	vadd.s32 v28, v29;
	v29 =	vnsel vm1, $0x1F, v34  }
0x7b: {  	s29 =	simm.s32 $0x2;
	[tilespmem:$0x190] =	vst v26;
	v28 =	vcvt.s32.f32 v28  }
0x7c: {  	v58 =	vadd.s32 s29, v17;
	[tilespmem:$0x2B0] =	vst v30  }
0x7d: {  	v36 =	vadd.s32 s29, v0;
	vm0 =	vlt.s32 v58, $0x1F;
	[tilespmem:$0x2F0] =	vst v28  }
0x7e: {  	vm1 =	vlt.s32 v36, $0x1F;
	v37 =	vnsel vm0, $0x1F, v58;
	v30 =	vld.idx.msk [tilespmem:v31+s10+$0x0], $0xffff  }
0x7f: {  	v38 =	vnsel vm1, $0x1F, v36;
	v35 =	vld.idx.msk [tilespmem:v29+s10+$0x0], $0xffff  }
0x80: {  	v29 =	vld.idx.msk [tilespmem:v29+s9+$0x0], $0xffff  }
0x81: {  	s30 =	simm.s32 $0x3;
	v39 =	vld.idx.msk [tilespmem:v31+s9+$0x0], $0xffff  }
0x82: {  	s31 =	simm.s32 $0x4;
	vm3 =	vlt.u32 v34, $0x20;
	vm14 =	vlt.u32 v36, $0x20;
	v27 =	vadd.s32 s30, v17  }
0x83: {  	vm0 =	vlt.s32 v27, $0x1F;
	v34 =	vadd.s32 s31, v0;
	vm1 =	vlt.u32 v33, $0x20;
	v59 =	vld.idx.msk [tilespmem:v37+s10+$0x0], $0xffff  }
0x84: {  	v28 =	vimm.s32 $0x0;
	v31 =	vnsel vm0, $0x1F, v27;
	v60 =	vld.idx.msk [tilespmem:v38+s10+$0x0], $0xffff;
	vm2 =	veq.s32 v30, v26  }
0x85: {  	v38 =	vld.idx.msk [tilespmem:v38+s9+$0x0], $0xffff;
	v30 =	vadd.s32 s30, v0;
	vm2 =	vmand vm1, vm2;
	vm5 =	veq.s32 v29, v23  }
0x86: {  	vm0 =	veq.s32 v39, v25;
	v29 =	vsel vm2, $0x1, v9;
	vm2 =	vmand vm3, vm5  }
0x87: {  	v40 =	vor.u32 v29, v28;
	v29 =	vsel vm2, $0x1, v9;
	vm2 =	vlt.s32 v30, $0x1F  }
0x88: {  	vm4 =	veq.s32 v35, v24;
	vm0 =	vmand vm1, vm0;
	v42 =	vnsel vm2, $0x1F, v30  }
0x89: {  	vm1 =	vlt.u32 v58, $0x20;
	vm4 =	vmand vm3, vm4;
	vm3 =	veq.s32 v59, v26  }
0x8a: {  	vm15 =	veq.s32 v60, v24;
	vm6 =	veq.s32 v38, v23;
	v61 =	vsel vm4, $0x1, v9  }
0x8b: {  	v39 =	vld.idx.msk [tilespmem:v37+s9+$0x0], $0xffff;
	vm3 =	vmand vm1, vm3;
	vm5 =	vmand vm14, vm15;
	v41 =	vor.u32 v61, v28  }
0x8c: {  	v36 =	vld.idx.msk [tilespmem:v31+s10+$0x0], $0xffff;
	v33 =	vor.u32 v29, v28;
	v29 =	vadd.s32 s31, v17;
	v62 =	vsel vm3, $0x1, v9  }
0x8d: {  	vm3 =	vmand vm14, vm6;
	v63 =	vsel vm5, $0x1, v9;
	vm2 =	vlt.s32 v29, $0x1F;
	v37 =	vld.idx.msk [tilespmem:v42+s10+$0x0], $0xffff  }
0x8e: {  	s16 =	simm.s32 $0x5;
	v32 =	vor.u32 v62, v40;
	v40 =	vsel vm3, $0x1, v9;
	v35 =	vor.u32 v63, v41;
	v38 =	vld.idx.msk [tilespmem:v42+s9+$0x0], $0xffff  }
.LBB2_3:
0x8f: {  	p1 =	sne.s32 s16, $0x1F;
	vm3 =	vlt.s32 v34, $0x1F;
	v41 =	vld.idx.msk [tilespmem:v31+s9+$0x0], $0xffff;
	v31 =	vnsel vm2, $0x1F, v29;
	v33 =	vor.u32 v40, v33  }
0x90: {  	vm2 =	veq.s32 v39, v25;
	v39 =	vsel vm0, $0x1, v9;
	v40 =	vnsel vm3, $0x1F, v34  }
0x91: {  	v42 =	vadd.s32 s16, v17;
	vm0 =	vmand vm1, vm2;
	v28 =	vor.u32 v39, v28  }
.Ltmp3:
0x92: {  	vm2 =	vlt.s32 v42, $0x1F;
	vm1 =	vlt.u32 v27, $0x20;
	v27 =	vmovc v29;
	v29 =	vmovc v42;
	vm3 =	veq.s32 v36, v26;
	(pc) =	sbr.rel @p1 .LBB2_3-.Ltmp3, $4  }
0x93: {  	vm4 =	vlt.u32 v30, $0x20;
	v30 =	vmovc v34;
	vm5 =	veq.s32 v37, v24;
	vm3 =	vmand vm1, vm3  }
0x94: {  	vm6 =	veq.s32 v38, v23;
	vm5 =	vmand vm4, vm5;
	v34 =	vsel vm3, $0x1, v9;
	v36 =	vld.idx.msk [tilespmem:v31+s10+$0x0], $0xffff  }
0x95: {  	vm3 =	vmand vm4, vm6;
	v42 =	vsel vm5, $0x1, v9;
	v32 =	vor.u32 v34, v32;
	v39 =	vmovc v41;
	v37 =	vld.idx.msk [tilespmem:v40+s10+$0x0], $0xffff  }
0x96: {  	v34 =	vadd.s32 s16, v0;
	s16 =	sadd.s32 $0x1, s16;
	v35 =	vor.u32 v42, v35;
	v38 =	vld.idx.msk [tilespmem:v40+s9+$0x0], $0xffff;
	v40 =	vsel vm3, $0x1, v9  }
0x97: {  	vm3 =	vlt.s32 v34, $0x1F;
	v41 =	vnsel vm2, $0x1F, v29  }
0x98: {  	v42 =	vnsel vm3, $0x1F, v34;
	_ =	sdelay $0x1  }
0x99: {  	v33 =	vor.u32 v40, v33;
	vm2 =	veq.s32 v39, v25;
	v63 =	vsel vm0, $0x1, v9  }
0x9a: {  	v31 =	vld.idx.msk [tilespmem:v31+s9+$0x0], $0xffff;
	vm0 =	vmand vm1, vm2;
	v28 =	vor.u32 v63, v28;
	vm1 =	vlt.u32 v27, $0x20  }
0x9b: {  	vm3 =	vlt.u32 v30, $0x20;
	vm2 =	veq.s32 v36, v26;
	vm4 =	veq.s32 v37, v24;
	v27 =	vld.idx.msk [tilespmem:v41+s10+$0x0], $0xffff  }
0x9c: {  	vm2 =	vmand vm1, vm2;
	vm5 =	veq.s32 v38, v23;
	vm4 =	vmand vm3, vm4;
	v30 =	vld.idx.msk [tilespmem:v42+s10+$0x0], $0xffff  }
0x9d: {  	v40 =	vsel vm2, $0x1, v9;
	vm2 =	vmand vm3, vm5;
	v43 =	vsel vm4, $0x1, v9;
	v44 =	vld.idx.msk [tilespmem:v42+s9+$0x0], $0xffff  }
0x9e: {  	v32 =	vor.u32 v40, v32;
	v46 =	vld.idx.msk [tilespmem:v41+s9+$0x0], $0xffff;
	vm3 =	vlt.u32 v34, $0x20;
	v45 =	vsel vm2, $0x1, v9  }
0x9f: {  	v35 =	vor.u32 v43, v35;
	vm2 =	veq.s32 v31, v25;
	v31 =	vsel vm0, $0x1, v9  }
0xa0: {  	v33 =	vor.u32 v45, v33;
	vm0 =	vmand vm1, vm2;
	v28 =	vor.u32 v31, v28  }
0xa1: {  	vm1 =	vlt.u32 v29, $0x20;
	vm2 =	veq.s32 v27, v26;
	vm10 =	veq.s32 v30, v24  }
0xa2: {  	vm2 =	vmand vm1, vm2;
	vm11 =	veq.s32 v44, v23;
	vm4 =	vmand vm3, vm10  }
0xa3: {  	v23 =	vsel vm2, $0x1, v9;
	vm2 =	vmand vm3, vm11;
	vm3 =	veq.s32 v46, v25  }
0xa4: {  	v25 =	vsel vm0, $0x1, v9;
	v24 =	vsel vm2, $0x1, v9;
	vm0 =	vmand vm1, vm3  }
0xa5: {  	v25 =	vor.u32 v25, v28;
	v24 =	vor.u32 v24, v33;
	v26 =	vsel vm0, $0x1, v9  }
0xa6: {  	v27 =	vsel vm4, $0x1, v9;
	v25 =	vor.u32 v26, v25;
	vm0 =	veq.s32 v24, $0x0  }
0xa7: {  	v24 =	vor.u32 v27, v35;
	v26 =	vsel vm0, $0x3F800000, v18;
	vm0 =	veq.s32 v25, $0x0  }
0xa8: {  	v23 =	vor.u32 v23, v32;
	[tilespmem:$0x200] =	vst v26;
	v25 =	vsel vm0, $0x3F800000, v18;
	vm0 =	veq.s32 v24, $0x0  }
0xa9: {  	[tilespmem:$0x210] =	vst v25;
	v24 =	vsel vm0, $0x3F800000, v18;
	vm0 =	veq.s32 v23, $0x0  }
0xaa: {  	[tilespmem:$0x220] =	vst v24;
	v23 =	vsel vm0, $0x3F800000, v18  }
0xab: {  	s16 =	simm.s32 $0x1;
	[tilespmem:$0x230] =	vst v23  }
0xac: {  	[hbm4b:s4+s11] =	stream.strided.scatter [tilespmem:s13], [sflag:$0x1], $0x100, s12, s11, $0x38;
	[tilespmem:$0x300] =	vst v63  }
0xad: {  	_ =	swait.ge [sflag:s16], $0x100  }
0xae: {  	[sflag:s16] =	ssyncset.done $0x0  }
0xaf: {  	[sflag:s16] =	ssyncadd.s32 $0xFFFFFF00  }
0xb0: {  	[tilespmem:s2], [sflag:$0x1] =	stream.linear.gather [hbm4b:s6+s2], $0xA0, $0x38;
	[tilespmem:$0x300] =	vst v63  }
0xb1: {  	_ =	swait.ge [sflag:s16], $0xA0  }
0xb2: {  	[sflag:s16] =	ssyncset.done $0x0  }
0xb3: {  	[sflag:s16] =	ssyncadd.s32 $0xFFFFFF60  }
0xb4: {  	v23 =	vld.idx.msk [tilespmem:v6+s2+$0x0], $0xffff  }
0xb5: {  	v24 =	vld.idx.msk [tilespmem:v7+s2+$0x0], $0xffff;
	_ =	sdelay $0x4  }
0xb6: {  	v23 =	vmul.f32 $1.300000000e+01, v23;
	v24 =	vmul.f32 $1.300000000e+01, v24;
	_ =	sdelay $0x1  }
0xb7: {  	v27 =	vmul.f32 v24, v23  }
0xb8: {  	v25 =	vmin.f32 v23, $3.125000000e-01;
	v26 =	vmin.f32 v24, $4.062500000e-01;
	v28 =	vmin.f32 v23, $5.000000000e-01  }
0xb9: {  	v29 =	vmin.f32 v24, $9.375000000e-01;
	v25 =	vmul.f32 v26, v25;
	v26 =	vadd.f32 $1.269531250e-01, v27  }
0xba: {  	v28 =	vmul.f32 v29, v28;
	v29 =	vadd.f32 $4.687500000e-01, v27  }
0xbb: {  	v23 =	vmin.f32 v23, $1.031250000e+00;
	v24 =	vmin.f32 v24, $7.187500000e-01;
	v26 =	vsub.f32 v26, v25  }
0xbc: {  	v23 =	vmul.f32 v24, v23;
	v24 =	vadd.f32 $7.412109380e-01, v27;
	v29 =	vsub.f32 v29, v28  }
0xbd: {  	v26 =	vadd.f32 $9.999999970e-07, v26  }
0xbe: {  	v24 =	vsub.f32 v24, v23;
	v27 =	vadd.f32 $9.999999970e-07, v29  }
0xbf: {  	(erf) = vrcp.f32 v26;
	v26 =	vld.idx.msk [tilespmem:v5+s2+$0x0], $0xffff  }
0xc0: {  	v24 =	vadd.f32 $9.999999970e-07, v24;
	(erf) = vrcp.f32 v27;
	_ =	sdelay $0x1  }
0xc1: {  	(erf) = vrcp.f32 v24  }
0xc2: {  	v27 =	vld.idx.msk [tilespmem:v1+s2+$0x0], $0xffff  }
0xc3: {  	v24 =	vmul.f32 $1.300000000e+01, v26;
	_ =	sdelay $0x1  }
0xc4: {  	v24 =	vtrunc.f32 v24  }
0xc5: {  	v24 =	vcvt.f32.s32 v24  }
0xc6: {  	v26 =	vmul.f32 $1.300000000e+01, v27;
	v27 =	vpop (erf)  }
0xc7: {  	v25 =	vmul.f32 v27, v25;
	v27 =	vpop (erf)  }
0xc8: {  	v26 =	vtrunc.f32 v26;
	vm0 =	vlt.s32 v24, $0xC;
	v27 =	vmul.f32 v27, v28  }
0xc9: {  	v26 =	vcvt.f32.s32 v26;
	v28 =	vnsel vm0, $0xC, v24;
	v24 =	vpop (erf)  }
0xca: {  	v30 =	vld.idx.msk [tilespmem:v8+s2+$0x0], $0xffff;
	v29 =	vadd.s32 v4, v28;
	vm0 =	vgt.f32 v27, v25;
	v23 =	vmul.f32 v24, v23  }
0xcb: {  	vm1 =	vlt.s32 v26, $0xC;
	v24 =	vmul.u32 $0xD, v29;
	v25 =	vsel vm0, v27, v25  }
0xcc: {  	v26 =	vnsel vm1, $0xC, v26;
	vm1 =	vgt.f32 v23, v25  }
0xcd: {  	v23 =	vadd.s32 v26, v24;
	v24 =	vsel vm0, $0x1, v9;
	vm1 =	vmneg vm1  }
0xce: {  	v23 =	vmul.u32 $0x3, v23;
	v25 =	vnsel vm1, $0x2, v24  }
0xcf: {  	v24 =	vtrunc.f32 v30;
	vm0 =	vmand vm0, vm1;
	v30 =	vmul.u32 $0xD, v28  }
0xd0: {  	v28 =	vcvt.s32.f32 v28;
	v23 =	vadd.s32 v23, v25;
	v24 =	vcvt.f32.s32 v24  }
0xd1: {  	vm1 =	veq.s32 v25, $0x0;
	v29 =	vsel vm0, $0x3F700000, v20;
	v27 =	vmul.u32 $0x50, v23;
	[tilespmem:$0x100] =	vst v23  }
0xd2: {  	v25 =	vcvt.s32.f32 v25;
	v29 =	vsel vm1, $0x3ED00000, v29;
	[tilespmem:$0x2A0] =	vst v28  }
0xd3: {  	[tilespmem:$0x260] =	vst v29;
	v24 =	vadd.s32 v24, v27;
	v27 =	vsel vm0, $0x3F000000, v19  }
0xd4: {  	[tilespmem:$0x2C0] =	vst v25;
	v27 =	vsel vm1, $0x3EA00000, v27  }
0xd5: {  	[tilespmem:$0x240] =	vst v27;
	v27 =	vcvt.s32.f32 v26;
	v26 =	vadd.s32 v26, v30  }
0xd6: {  	[tilespmem:$0x180] =	vst v24;
	v26 =	vcvt.s32.f32 v26  }
0xd7: {  	[tilespmem:$0x280] =	vst v27  }
0xd8: {  	[tilespmem:$0x2E0] =	vst v26  }
0xd9: {  	v25 =	vld.idx.msk [tilespmem:v14+s2+$0x0], $0xffff  }
0xda: {  	v26 =	vld.idx.msk [tilespmem:v15+s2+$0x0], $0xffff;
	_ =	sdelay $0x4  }
0xdb: {  	v25 =	vmul.f32 $1.300000000e+01, v25;
	v26 =	vmul.f32 $1.300000000e+01, v26;
	_ =	sdelay $0x1  }
0xdc: {  	v29 =	vmul.f32 v26, v25  }
0xdd: {  	v27 =	vmin.f32 v25, $3.125000000e-01;
	v28 =	vmin.f32 v26, $4.062500000e-01;
	v30 =	vmin.f32 v25, $5.000000000e-01  }
0xde: {  	v31 =	vmin.f32 v26, $9.375000000e-01;
	v27 =	vmul.f32 v28, v27;
	v28 =	vadd.f32 $1.269531250e-01, v29  }
0xdf: {  	v30 =	vmul.f32 v31, v30;
	v31 =	vadd.f32 $4.687500000e-01, v29  }
0xe0: {  	v25 =	vmin.f32 v25, $1.031250000e+00;
	v26 =	vmin.f32 v26, $7.187500000e-01;
	v28 =	vsub.f32 v28, v27  }
0xe1: {  	v25 =	vmul.f32 v26, v25;
	v26 =	vadd.f32 $7.412109380e-01, v29;
	v31 =	vsub.f32 v31, v30  }
0xe2: {  	v28 =	vadd.f32 $9.999999970e-07, v28  }
0xe3: {  	v26 =	vsub.f32 v26, v25;
	v29 =	vadd.f32 $9.999999970e-07, v31  }
0xe4: {  	(erf) = vrcp.f32 v28;
	v28 =	vld.idx.msk [tilespmem:v13+s2+$0x0], $0xffff  }
0xe5: {  	v26 =	vadd.f32 $9.999999970e-07, v26;
	(erf) = vrcp.f32 v29  }
0xe6: {  	v29 =	vld.idx.msk [tilespmem:v12+s2+$0x0], $0xffff  }
0xe7: {  	(erf) = vrcp.f32 v26;
	_ =	sdelay $0x1  }
0xe8: {  	v26 =	vmul.f32 $1.300000000e+01, v28;
	_ =	sdelay $0x1  }
0xe9: {  	v29 =	vmul.f32 $1.300000000e+01, v29;
	v26 =	vtrunc.f32 v26  }
0xea: {  	v26 =	vcvt.f32.s32 v26  }
0xeb: {  	v29 =	vtrunc.f32 v29;
	v28 =	vpop (erf)  }
0xec: {  	v29 =	vcvt.f32.s32 v29;
	v31 =	vpop (erf);
	vm0 =	vlt.s32 v26, $0xC  }
0xed: {  	v27 =	vmul.f32 v28, v27;
	v28 =	vmul.f32 v31, v30;
	v30 =	vnsel vm0, $0xC, v26  }
0xee: {  	vm1 =	vlt.s32 v29, $0xC;
	v26 =	vpop (erf);
	v31 =	vadd.s32 v4, v30  }
0xef: {  	v47 =	vld.idx.msk [tilespmem:v16+s2+$0x0], $0xffff;
	vm0 =	vgt.f32 v28, v27;
	v25 =	vmul.f32 v26, v25;
	v26 =	vmul.u32 $0xD, v31  }
0xf0: {  	v27 =	vsel vm0, v28, v27;
	v28 =	vnsel vm1, $0xC, v29  }
0xf1: {  	vm1 =	vgt.f32 v25, v27;
	v25 =	vadd.s32 v28, v26  }
0xf2: {  	v26 =	vsel vm0, $0x1, v9;
	vm1 =	vmneg vm1;
	v25 =	vmul.u32 $0x3, v25  }
0xf3: {  	v49 =	vadd.s32 s16, v17;
	v50 =	vadd.s32 s16, v0;
	v27 =	vnsel vm1, $0x2, v26  }
0xf4: {  	v48 =	vcvt.s32.f32 v28;
	v26 =	vtrunc.f32 v47;
	v25 =	vadd.s32 v25, v27  }
0xf5: {  	vm0 =	vmand vm0, vm1;
	v26 =	vcvt.f32.s32 v26;
	v29 =	vmul.u32 $0x50, v25  }
0xf6: {  	[tilespmem:$0x290] =	vst v48;
	vm1 =	veq.s32 v27, $0x0;
	v31 =	vsel vm0, $0x3F000000, v19;
	v27 =	vcvt.s32.f32 v27  }
0xf7: {  	[tilespmem:$0x110] =	vst v25;
	v26 =	vadd.s32 v26, v29;
	v29 =	vsel vm1, $0x3EA00000, v31;
	v31 =	vsel vm0, $0x3F700000, v20  }
0xf8: {  	vm0 =	vlt.s32 v49, $0x1F;
	v31 =	vsel vm1, $0x3ED00000, v31;
	[tilespmem:$0x250] =	vst v29;
	v29 =	vmul.u32 $0xD, v30  }
0xf9: {  	vm1 =	vlt.s32 v50, $0x1F;
	[tilespmem:$0x270] =	vst v31;
	v31 =	vnsel vm0, $0x1F, v49  }
0xfa: {  	[tilespmem:$0x2D0] =	vst v27;
	v30 =	vcvt.s32.f32 v30;
	v28 =	vadd.s32 v28, v29;
	v29 =	vnsel vm1, $0x1F, v50  }
0xfb: {  	s29 =	simm.s32 $0x2;
	[tilespmem:$0x190] =	vst v26;
	v28 =	vcvt.s32.f32 v28  }
0xfc: {  	v51 =	vadd.s32 s29, v17;
	[tilespmem:$0x2B0] =	vst v30  }
0xfd: {  	v52 =	vadd.s32 s29, v0;
	vm0 =	vlt.s32 v51, $0x1F;
	[tilespmem:$0x2F0] =	vst v28  }
0xfe: {  	vm1 =	vlt.s32 v52, $0x1F;
	v53 =	vnsel vm0, $0x1F, v51;
	v30 =	vld.idx.msk [tilespmem:v31+s10+$0x0], $0xffff  }
0xff: {  	v54 =	vnsel vm1, $0x1F, v52;
	v32 =	vld.idx.msk [tilespmem:v29+s10+$0x0], $0xffff  }
0x100: {  	v29 =	vld.idx.msk [tilespmem:v29+s9+$0x0], $0xffff  }
0x101: {  	s30 =	simm.s32 $0x3;
	s31 =	simm.s32 $0x4;
	v55 =	vld.idx.msk [tilespmem:v31+s9+$0x0], $0xffff  }
0x102: {  	vm14 =	vlt.u32 v52, $0x20;
	v34 =	vadd.s32 s31, v0;
	v27 =	vadd.s32 s30, v17  }
0x103: {  	vm3 =	vlt.u32 v50, $0x20;
	vm0 =	vlt.s32 v27, $0x1F;
	vm1 =	vlt.u32 v49, $0x20;
	v56 =	vld.idx.msk [tilespmem:v53+s10+$0x0], $0xffff  }
0x104: {  	v28 =	vimm.s32 $0x0;
	v31 =	vnsel vm0, $0x1F, v27;
	v57 =	vld.idx.msk [tilespmem:v54+s10+$0x0], $0xffff;
	vm2 =	veq.s32 v30, v26  }
0x105: {  	v38 =	vld.idx.msk [tilespmem:v54+s9+$0x0], $0xffff;
	v30 =	vadd.s32 s30, v0;
	vm2 =	vmand vm1, vm2;
	vm13 =	veq.s32 v29, v23  }
0x106: {  	vm0 =	veq.s32 v55, v25;
	v29 =	vsel vm2, $0x1, v9;
	vm2 =	vmand vm3, vm13  }
0x107: {  	v59 =	vor.u32 v29, v28;
	v29 =	vsel vm2, $0x1, v9;
	vm2 =	vlt.s32 v30, $0x1F  }
0x108: {  	vm12 =	veq.s32 v32, v24;
	vm0 =	vmand vm1, vm0;
	v61 =	vnsel vm2, $0x1F, v30  }
0x109: {  	vm1 =	vlt.u32 v51, $0x20;
	vm4 =	vmand vm3, vm12;
	vm3 =	veq.s32 v56, v26  }
0x10a: {  	vm15 =	veq.s32 v57, v24;
	vm6 =	veq.s32 v38, v23;
	v58 =	vsel vm4, $0x1, v9  }
0x10b: {  	v39 =	vld.idx.msk [tilespmem:v53+s9+$0x0], $0xffff;
	vm3 =	vmand vm1, vm3;
	vm5 =	vmand vm14, vm15;
	v60 =	vor.u32 v58, v28  }
0x10c: {  	v36 =	vld.idx.msk [tilespmem:v31+s10+$0x0], $0xffff;
	v32 =	vor.u32 v29, v28;
	v29 =	vadd.s32 s31, v17;
	v62 =	vsel vm3, $0x1, v9  }
0x10d: {  	vm3 =	vmand vm14, vm6;
	v63 =	vsel vm5, $0x1, v9;
	vm2 =	vlt.s32 v29, $0x1F;
	v37 =	vld.idx.msk [tilespmem:v61+s10+$0x0], $0xffff  }
0x10e: {  	s16 =	simm.s32 $0x5;
	v33 =	vor.u32 v62, v59;
	v40 =	vsel vm3, $0x1, v9;
	v35 =	vor.u32 v63, v60;
	v38 =	vld.idx.msk [tilespmem:v61+s9+$0x0], $0xffff  }
.LBB2_5:
0x10f: {  	p1 =	seq.s32 s16, $0x1F;
	vm3 =	vlt.s32 v34, $0x1F;
	v41 =	vld.idx.msk [tilespmem:v31+s9+$0x0], $0xffff;
	v31 =	vnsel vm2, $0x1F, v29;
	v32 =	vor.u32 v40, v32  }
0x110: {  	vm2 =	veq.s32 v39, v25;
	v39 =	vsel vm0, $0x1, v9;
	v40 =	vnsel vm3, $0x1F, v34  }
0x111: {  	v42 =	vadd.s32 s16, v17;
	vm0 =	vmand vm1, vm2;
	v28 =	vor.u32 v39, v28  }
.Ltmp4:
0x112: {  	vm2 =	vlt.s32 v42, $0x1F;
	vm1 =	vlt.u32 v27, $0x20;
	v27 =	vmovc v29;
	v29 =	vmovc v42;
	vm3 =	veq.s32 v36, v26;
	(pc) =	sbr.rel @!p1 .LBB2_5-.Ltmp4, $4  }
0x113: {  	vm4 =	vlt.u32 v30, $0x20;
	v30 =	vmovc v34;
	vm5 =	veq.s32 v37, v24;
	vm3 =	vmand vm1, vm3  }
0x114: {  	vm6 =	veq.s32 v38, v23;
	vm5 =	vmand vm4, vm5;
	v34 =	vsel vm3, $0x1, v9;
	v36 =	vld.idx.msk [tilespmem:v31+s10+$0x0], $0xffff  }
0x115: {  	vm3 =	vmand vm4, vm6;
	v42 =	vsel vm5, $0x1, v9;
	v33 =	vor.u32 v34, v33;
	v39 =	vmovc v41;
	v37 =	vld.idx.msk [tilespmem:v40+s10+$0x0], $0xffff  }
0x116: {  	v34 =	vadd.s32 s16, v0;
	s16 =	sadd.s32 $0x1, s16;
	v35 =	vor.u32 v42, v35;
	v38 =	vld.idx.msk [tilespmem:v40+s9+$0x0], $0xffff;
	v40 =	vsel vm3, $0x1, v9  }
0x117: {  	v41 =	vnsel vm2, $0x1F, v29  }
0x118: {  	vm3 =	vlt.s32 v34, $0x1F  }
0x119: {  	v42 =	vnsel vm3, $0x1F, v34  }
0x11a: {  	vm8 =	veq.s32 v39, v25  }
0x11b: {  	v31 =	vld.idx.msk [tilespmem:v31+s9+$0x0], $0xffff;
	v32 =	vor.u32 v40, v32;
	v54 =	vsel vm0, $0x1, v9;
	vm10 =	vlt.u32 v27, $0x20  }
0x11c: {  	vm12 =	vlt.u32 v30, $0x20;
	vm9 =	vmand vm1, vm8;
	v28 =	vor.u32 v54, v28;
	v27 =	vld.idx.msk [tilespmem:v41+s10+$0x0], $0xffff  }
0x11d: {  	vm8 =	vlt.u32 v29, $0x20;
	vm11 =	veq.s32 v36, v26;
	v62 =	vsel vm9, $0x1, v9;
	v60 =	vld.idx.msk [tilespmem:v41+s9+$0x0], $0xffff  }
0x11e: {  	vm4 =	veq.s32 v37, v24;
	vm2 =	vmand vm10, vm11;
	v28 =	vor.u32 v62, v28;
	v56 =	vld.idx.msk [tilespmem:v42+s10+$0x0], $0xffff  }
0x11f: {  	vm5 =	veq.s32 v38, v23;
	vm4 =	vmand vm12, vm4;
	v55 =	vsel vm2, $0x1, v9;
	v58 =	vld.idx.msk [tilespmem:v42+s9+$0x0], $0xffff  }
0x120: {  	vm13 =	vmand vm12, vm5;
	v57 =	vsel vm4, $0x1, v9;
	v30 =	vor.u32 v55, v33  }
0x121: {  	vm14 =	veq.s32 v31, v25;
	v59 =	vsel vm13, $0x1, v9;
	v35 =	vor.u32 v57, v35  }
0x122: {  	vm15 =	vmand vm10, vm14;
	vm10 =	vlt.u32 v34, $0x20;
	v61 =	vor.u32 v59, v32  }
0x123: {  	vm9 =	veq.s32 v27, v26;
	vm14 =	veq.s32 v60, v25;
	v25 =	vsel vm15, $0x1, v9  }
.Ltmp5:
0x124: {  	vm11 =	veq.s32 v56, v24;
	vm2 =	vmand vm8, vm9;
	vm12 =	veq.s32 v58, v23;
	(pc) =	sbr.rel .LBB2_10-.Ltmp5, $4  }
0x125: {  	vm15 =	vmand vm8, vm14;
	v27 =	vor.u32 v25, v28;
	vm4 =	vmand vm10, vm11  }
0x126: {  	v23 =	vsel vm2, $0x1, v9;
	vm13 =	vmand vm10, vm12;
	v63 =	vsel vm15, $0x1, v9  }
0x127: {  	v24 =	vsel vm4, $0x1, v9;
	v23 =	vor.u32 v23, v30;
	v26 =	vsel vm13, $0x1, v9  }
0x128: {  	s16 =	smov.u32 s7;
	v24 =	vor.u32 v24, v35;
	v25 =	vor.u32 v26, v61;
	v26 =	vor.u32 v63, v27  }
.LBB2_7:
0x129: {  	[tilespmem:s2], [sflag:$0x1] =	stream.linear.gather [hbm4b:s3+s2], $0xA0, $0x38;
	[tilespmem:$0x300] =	vst v63  }
0x12a: {  	s16 =	simm.s32 $0x1  }
0x12b: {  	_ =	swait.ge [sflag:s16], $0xA0  }
0x12c: {  	[sflag:s16] =	ssyncset.done $0x0  }
0x12d: {  	[sflag:s16] =	ssyncadd.s32 $0xFFFFFF60  }
0x12e: {  	v23 =	vld.idx.msk [tilespmem:v6+s2+$0x0], $0xffff  }
0x12f: {  	v24 =	vld.idx.msk [tilespmem:v7+s2+$0x0], $0xffff;
	_ =	sdelay $0x4  }
0x130: {  	v23 =	vmul.f32 $2.600000000e+01, v23;
	v24 =	vmul.f32 $2.600000000e+01, v24;
	_ =	sdelay $0x1  }
0x131: {  	v27 =	vmul.f32 v24, v23  }
0x132: {  	v25 =	vmin.f32 v23, $1.875000000e+00;
	v26 =	vmin.f32 v24, $3.812500000e+00;
	v28 =	vmin.f32 v23, $3.875000000e+00  }
0x133: {  	v29 =	vmin.f32 v24, $2.812500000e+00;
	v25 =	vmul.f32 v26, v25;
	v26 =	vadd.f32 $7.148437500e+00, v27  }
0x134: {  	v28 =	vmul.f32 v29, v28;
	v29 =	vadd.f32 $1.089843750e+01, v27  }
0x135: {  	v23 =	vmin.f32 v23, $3.687500000e+00;
	v24 =	vmin.f32 v24, $7.437500000e+00;
	v26 =	vsub.f32 v26, v25  }
0x136: {  	v23 =	vmul.f32 v24, v23;
	v24 =	vadd.f32 $2.742578130e+01, v27;
	v29 =	vsub.f32 v29, v28  }
0x137: {  	v26 =	vadd.f32 $9.999999970e-07, v26  }
0x138: {  	v24 =	vsub.f32 v24, v23;
	v27 =	vadd.f32 $9.999999970e-07, v29  }
0x139: {  	(erf) = vrcp.f32 v26;
	v26 =	vld.idx.msk [tilespmem:v5+s2+$0x0], $0xffff  }
0x13a: {  	v24 =	vadd.f32 $9.999999970e-07, v24;
	(erf) = vrcp.f32 v27;
	_ =	sdelay $0x1  }
0x13b: {  	(erf) = vrcp.f32 v24  }
0x13c: {  	v27 =	vld.idx.msk [tilespmem:v1+s2+$0x0], $0xffff  }
0x13d: {  	v24 =	vmul.f32 $2.600000000e+01, v26;
	_ =	sdelay $0x1  }
0x13e: {  	v24 =	vtrunc.f32 v24  }
0x13f: {  	v24 =	vcvt.f32.s32 v24  }
0x140: {  	v26 =	vmul.f32 $2.600000000e+01, v27;
	v27 =	vpop (erf)  }
0x141: {  	v25 =	vmul.f32 v27, v25;
	v27 =	vpop (erf)  }
0x142: {  	v26 =	vtrunc.f32 v26;
	vm0 =	vlt.s32 v24, $0x19;
	v27 =	vmul.f32 v27, v28  }
0x143: {  	v26 =	vcvt.f32.s32 v26;
	v28 =	vnsel vm0, $0x19, v24;
	v24 =	vpop (erf)  }
0x144: {  	v30 =	vld.idx.msk [tilespmem:v8+s2+$0x0], $0xffff;
	v29 =	vadd.s32 v2, v28;
	vm0 =	vgt.f32 v27, v25;
	v23 =	vmul.f32 v24, v23  }
0x145: {  	vm1 =	vlt.s32 v26, $0x19;
	v24 =	vmul.u32 $0x1A, v29;
	v25 =	vsel vm0, v27, v25  }
0x146: {  	v26 =	vnsel vm1, $0x19, v26;
	vm1 =	vgt.f32 v23, v25  }
0x147: {  	v23 =	vadd.s32 v26, v24;
	v24 =	vsel vm0, $0x1, v9;
	vm1 =	vmneg vm1  }
0x148: {  	v23 =	vmul.u32 $0x3, v23;
	v25 =	vnsel vm1, $0x2, v24  }
0x149: {  	v24 =	vtrunc.f32 v30;
	vm0 =	vmand vm0, vm1;
	v30 =	vmul.u32 $0x1A, v28  }
0x14a: {  	v28 =	vcvt.s32.f32 v28;
	v23 =	vadd.s32 v23, v25;
	v24 =	vcvt.f32.s32 v24  }
0x14b: {  	vm1 =	veq.s32 v25, $0x0;
	v29 =	vsel vm0, $0x40340000, v22;
	v27 =	vmul.u32 $0x50, v23;
	[tilespmem:$0x100] =	vst v23  }
0x14c: {  	v25 =	vcvt.s32.f32 v25;
	v29 =	vsel vm1, $0x40740000, v29;
	[tilespmem:$0x2A0] =	vst v28  }
0x14d: {  	[tilespmem:$0x260] =	vst v29;
	v24 =	vadd.s32 v24, v27;
	v27 =	vsel vm0, $0x40780000, v21  }
0x14e: {  	[tilespmem:$0x2C0] =	vst v25;
	v27 =	vsel vm1, $0x3FF00000, v27  }
0x14f: {  	[tilespmem:$0x240] =	vst v27;
	v27 =	vcvt.s32.f32 v26;
	v26 =	vadd.s32 v26, v30  }
0x150: {  	[tilespmem:$0x180] =	vst v24;
	v26 =	vcvt.s32.f32 v26  }
0x151: {  	[tilespmem:$0x280] =	vst v27  }
0x152: {  	[tilespmem:$0x2E0] =	vst v26  }
0x153: {  	v25 =	vld.idx.msk [tilespmem:v14+s2+$0x0], $0xffff  }
0x154: {  	v26 =	vld.idx.msk [tilespmem:v15+s2+$0x0], $0xffff;
	_ =	sdelay $0x4  }
0x155: {  	v25 =	vmul.f32 $2.600000000e+01, v25;
	v26 =	vmul.f32 $2.600000000e+01, v26;
	_ =	sdelay $0x1  }
0x156: {  	v29 =	vmul.f32 v26, v25  }
0x157: {  	v27 =	vmin.f32 v25, $1.875000000e+00;
	v28 =	vmin.f32 v26, $3.812500000e+00;
	v30 =	vmin.f32 v25, $3.875000000e+00  }
0x158: {  	v31 =	vmin.f32 v26, $2.812500000e+00;
	v27 =	vmul.f32 v28, v27;
	v28 =	vadd.f32 $7.148437500e+00, v29  }
0x159: {  	v30 =	vmul.f32 v31, v30;
	v31 =	vadd.f32 $1.089843750e+01, v29  }
0x15a: {  	v25 =	vmin.f32 v25, $3.687500000e+00;
	v26 =	vmin.f32 v26, $7.437500000e+00;
	v28 =	vsub.f32 v28, v27  }
0x15b: {  	v25 =	vmul.f32 v26, v25;
	v26 =	vadd.f32 $2.742578130e+01, v29;
	v31 =	vsub.f32 v31, v30  }
0x15c: {  	v28 =	vadd.f32 $9.999999970e-07, v28  }
0x15d: {  	v26 =	vsub.f32 v26, v25;
	v29 =	vadd.f32 $9.999999970e-07, v31  }
0x15e: {  	(erf) = vrcp.f32 v28;
	v28 =	vld.idx.msk [tilespmem:v13+s2+$0x0], $0xffff  }
0x15f: {  	v26 =	vadd.f32 $9.999999970e-07, v26;
	(erf) = vrcp.f32 v29  }
0x160: {  	v29 =	vld.idx.msk [tilespmem:v12+s2+$0x0], $0xffff  }
0x161: {  	(erf) = vrcp.f32 v26;
	_ =	sdelay $0x1  }
0x162: {  	v26 =	vmul.f32 $2.600000000e+01, v28;
	_ =	sdelay $0x1  }
0x163: {  	v29 =	vmul.f32 $2.600000000e+01, v29;
	v26 =	vtrunc.f32 v26  }
0x164: {  	v26 =	vcvt.f32.s32 v26  }
0x165: {  	v29 =	vtrunc.f32 v29;
	v28 =	vpop (erf)  }
0x166: {  	v29 =	vcvt.f32.s32 v29;
	v31 =	vpop (erf);
	vm0 =	vlt.s32 v26, $0x19  }
0x167: {  	v27 =	vmul.f32 v28, v27;
	v28 =	vmul.f32 v31, v30;
	v30 =	vnsel vm0, $0x19, v26  }
0x168: {  	vm1 =	vlt.s32 v29, $0x19;
	v26 =	vpop (erf);
	v31 =	vadd.s32 v2, v30  }
0x169: {  	v32 =	vld.idx.msk [tilespmem:v16+s2+$0x0], $0xffff;
	vm0 =	vgt.f32 v28, v27;
	v25 =	vmul.f32 v26, v25;
	v26 =	vmul.u32 $0x1A, v31  }
0x16a: {  	v27 =	vsel vm0, v28, v27;
	v28 =	vnsel vm1, $0x19, v29  }
0x16b: {  	vm1 =	vgt.f32 v25, v27;
	v25 =	vadd.s32 v28, v26  }
0x16c: {  	v26 =	vsel vm0, $0x1, v9;
	vm1 =	vmneg vm1;
	v25 =	vmul.u32 $0x3, v25  }
0x16d: {  	v33 =	vadd.s32 s16, v17;
	v34 =	vadd.s32 s16, v0;
	v27 =	vnsel vm1, $0x2, v26  }
0x16e: {  	v58 =	vcvt.s32.f32 v28;
	v26 =	vtrunc.f32 v32;
	v25 =	vadd.s32 v25, v27  }
0x16f: {  	vm0 =	vmand vm0, vm1;
	v26 =	vcvt.f32.s32 v26;
	v29 =	vmul.u32 $0x50, v25  }
0x170: {  	[tilespmem:$0x290] =	vst v58;
	vm1 =	veq.s32 v27, $0x0;
	v31 =	vsel vm0, $0x40780000, v21;
	v27 =	vcvt.s32.f32 v27  }
0x171: {  	[tilespmem:$0x110] =	vst v25;
	v26 =	vadd.s32 v26, v29;
	v29 =	vsel vm1, $0x3FF00000, v31;
	v31 =	vsel vm0, $0x40340000, v22  }
0x172: {  	vm0 =	vlt.s32 v33, $0x1F;
	v31 =	vsel vm1, $0x40740000, v31;
	[tilespmem:$0x250] =	vst v29;
	v29 =	vmul.u32 $0x1A, v30  }
0x173: {  	vm1 =	vlt.s32 v34, $0x1F;
	[tilespmem:$0x270] =	vst v31;
	v31 =	vnsel vm0, $0x1F, v33  }
0x174: {  	[tilespmem:$0x2D0] =	vst v27;
	v30 =	vcvt.s32.f32 v30;
	v28 =	vadd.s32 v28, v29;
	v29 =	vnsel vm1, $0x1F, v34  }
0x175: {  	s29 =	simm.s32 $0x2;
	[tilespmem:$0x190] =	vst v26;
	v28 =	vcvt.s32.f32 v28  }
0x176: {  	v35 =	vadd.s32 s29, v17;
	[tilespmem:$0x2B0] =	vst v30  }
0x177: {  	v36 =	vadd.s32 s29, v0;
	vm0 =	vlt.s32 v35, $0x1F;
	[tilespmem:$0x2F0] =	vst v28  }
0x178: {  	vm1 =	vlt.s32 v36, $0x1F;
	v37 =	vnsel vm0, $0x1F, v35;
	v30 =	vld.idx.msk [tilespmem:v31+s10+$0x0], $0xffff  }
0x179: {  	v38 =	vnsel vm1, $0x1F, v36;
	v32 =	vld.idx.msk [tilespmem:v29+s10+$0x0], $0xffff  }
0x17a: {  	v29 =	vld.idx.msk [tilespmem:v29+s9+$0x0], $0xffff  }
0x17b: {  	s30 =	simm.s32 $0x3;
	v39 =	vld.idx.msk [tilespmem:v31+s9+$0x0], $0xffff  }
0x17c: {  	s31 =	simm.s32 $0x4;
	vm3 =	vlt.u32 v34, $0x20;
	vm14 =	vlt.u32 v36, $0x20;
	v27 =	vadd.s32 s30, v17  }
0x17d: {  	vm0 =	vlt.s32 v27, $0x1F;
	v34 =	vadd.s32 s31, v0;
	vm1 =	vlt.u32 v33, $0x20;
	v59 =	vld.idx.msk [tilespmem:v37+s10+$0x0], $0xffff  }
0x17e: {  	v28 =	vimm.s32 $0x0;
	v31 =	vnsel vm0, $0x1F, v27;
	v60 =	vld.idx.msk [tilespmem:v38+s10+$0x0], $0xffff;
	vm2 =	veq.s32 v30, v26  }
0x17f: {  	v38 =	vld.idx.msk [tilespmem:v38+s9+$0x0], $0xffff;
	v30 =	vadd.s32 s30, v0;
	vm2 =	vmand vm1, vm2;
	vm5 =	veq.s32 v29, v23  }
0x180: {  	vm0 =	veq.s32 v39, v25;
	v29 =	vsel vm2, $0x1, v9;
	vm2 =	vmand vm3, vm5  }
0x181: {  	v40 =	vor.u32 v29, v28;
	v29 =	vsel vm2, $0x1, v9;
	vm2 =	vlt.s32 v30, $0x1F  }
0x182: {  	vm4 =	veq.s32 v32, v24;
	vm0 =	vmand vm1, vm0;
	v42 =	vnsel vm2, $0x1F, v30  }
0x183: {  	vm1 =	vlt.u32 v35, $0x20;
	vm4 =	vmand vm3, vm4;
	vm3 =	veq.s32 v59, v26  }
0x184: {  	vm15 =	veq.s32 v60, v24;
	vm6 =	veq.s32 v38, v23;
	v61 =	vsel vm4, $0x1, v9  }
0x185: {  	v39 =	vld.idx.msk [tilespmem:v37+s9+$0x0], $0xffff;
	vm3 =	vmand vm1, vm3;
	vm5 =	vmand vm14, vm15;
	v41 =	vor.u32 v61, v28  }
0x186: {  	v36 =	vld.idx.msk [tilespmem:v31+s10+$0x0], $0xffff;
	v32 =	vor.u32 v29, v28;
	v29 =	vadd.s32 s31, v17;
	v62 =	vsel vm3, $0x1, v9  }
0x187: {  	vm3 =	vmand vm14, vm6;
	v63 =	vsel vm5, $0x1, v9;
	vm2 =	vlt.s32 v29, $0x1F;
	v37 =	vld.idx.msk [tilespmem:v42+s10+$0x0], $0xffff  }
0x188: {  	s16 =	simm.s32 $0x5;
	v33 =	vor.u32 v62, v40;
	v40 =	vsel vm3, $0x1, v9;
	v35 =	vor.u32 v63, v41;
	v38 =	vld.idx.msk [tilespmem:v42+s9+$0x0], $0xffff  }
.LBB2_8:
0x189: {  	p1 =	sne.s32 s16, $0x1F;
	vm3 =	vlt.s32 v34, $0x1F;
	v41 =	vld.idx.msk [tilespmem:v31+s9+$0x0], $0xffff;
	v31 =	vnsel vm2, $0x1F, v29;
	v32 =	vor.u32 v40, v32  }
0x18a: {  	vm2 =	veq.s32 v39, v25;
	v39 =	vsel vm0, $0x1, v9;
	v40 =	vnsel vm3, $0x1F, v34  }
0x18b: {  	v42 =	vadd.s32 s16, v17;
	vm0 =	vmand vm1, vm2;
	v28 =	vor.u32 v39, v28  }
.Ltmp6:
0x18c: {  	vm2 =	vlt.s32 v42, $0x1F;
	vm1 =	vlt.u32 v27, $0x20;
	vm3 =	veq.s32 v36, v26;
	v27 =	vmovc v29;
	v29 =	vmovc v42;
	(pc) =	sbr.rel @p1 .LBB2_8-.Ltmp6, $4  }
0x18d: {  	vm4 =	vlt.u32 v30, $0x20;
	vm5 =	veq.s32 v37, v24;
	v30 =	vmovc v34;
	vm3 =	vmand vm1, vm3  }
0x18e: {  	vm6 =	veq.s32 v38, v23;
	vm5 =	vmand vm4, vm5;
	v34 =	vsel vm3, $0x1, v9;
	v36 =	vld.idx.msk [tilespmem:v31+s10+$0x0], $0xffff  }
0x18f: {  	v42 =	vsel vm5, $0x1, v9;
	vm3 =	vmand vm4, vm6;
	v33 =	vor.u32 v34, v33;
	v39 =	vmovc v41;
	v37 =	vld.idx.msk [tilespmem:v40+s10+$0x0], $0xffff  }
0x190: {  	v35 =	vor.u32 v42, v35;
	v34 =	vadd.s32 s16, v0;
	s16 =	sadd.s32 $0x1, s16;
	v38 =	vld.idx.msk [tilespmem:v40+s9+$0x0], $0xffff;
	v40 =	vsel vm3, $0x1, v9  }
.Ltmp7:
0x191: {  	_ = 	snop;
	(pc) =	sbr.rel .LBB2_9-.Ltmp7, $1  }
0x192: {  	_ =	sdelay $0x3  }
.LBB2_11:
0x193: {  	_ =	sfence.sel $0x180000  }
0x194: {  	[bflag:$0x0] =	sbarrier.arrive $0xFFFF  }
0x195: {  	p0 =	sne.s32 s0, $0x0;
	_ =	strace $0x90000047  }
0x196: {  	s0 =	sadd.s32 @!p0 $0x100000, s1;
	[bflag:$0x2] =	sbarrier.arrive $0xFFFF  }
0x197: {  	[sflag:s0] =	ssyncadd.tile.s32 @!p0 $0x1;
	_ =	shalt  }
.Lfunc_end2:
_tile_overlayer_lowered:
.L_overlay_start_2:
0x198: {  	(tag) =	ssettag $0x2  }
0x199: {  	s0 =	rddreg [dreg:$0x0];
	s2 =	stileid.u32  }
0x19a: {  	s1 =	rddreg [dreg:$0x1];
	p0 =	sne.s32 s2, $0x0  }
0x19b: {  	s3 =	rddreg [dreg:$0x2];
	[bflag:$0x3] =	sbarrier.arrive $0xFFFF;
	s2 =	simm.s32 @!p0 $0x1C01  }
0x19c: {  	[timem:s3], [sflag:s2] =	dma.local @!p0 [hbm:s0], s1  }
0x19d: {  	s0 =	simm.s32 @!p0 $0x1  }
0x19e: {  	_ =	swait.ge @!p0 [sflag:s0], s1  }
0x19f: {  	s1 =	ssub.s32 @!p0 $0x0, s1;
	[sflag:s0] =	ssyncset.done @!p0 $0x0  }
0x1a0: {  	[sflag:s0] =	ssyncadd.s32 @!p0 s1  }
0x1a1: {  	[bflag:$0x3] =	sbarrier.arrive $0xFFFF  }
0x1a2: {  	_ =	shalt  }

</sc_bundles>
